<compile_context>
chip_gen: v7x
topology: tpu7x:2x2x1
jax: 0.10.2.dev20260603
libtpu: 0.0.44.dev20260713+nightly
codegen_flags: <defaults>
</compile_context>

<pallas_src>
import functools

import jax
import jax.numpy as jnp
from jax import lax
from jax.experimental import pallas as pl
from jax.experimental.pallas import tpu as pltpu
from jax.experimental.pallas import tpu_sc as plsc

K = 8
T = 128
S = 3 * T
J = K * K * K
ST = 130
NC = 2
NS = 16
NW = NC * NS
RB = 64
NG = J // RB
XLEN = K * ST + 16


def _sc_body(nw_pairs, nchan, x_hbm, out_hbm, xpv, xs, ob0, ob1, sem0, sem1):
    i16 = lax.broadcasted_iota(jnp.int32, (16,), 0)
    wid = lax.axis_index("s") * NC + lax.axis_index("c")

    zf = (i16 * 0).astype(jnp.float32)
    pad_idx = (i16 // 2) * ST + 7 + (i16 % 2) * 129
    plsc.store_scatter(xpv, [pad_idx], zf)

    svp = []
    shifts = []
    for p in range(3):
        sv = i16 + p * 16
        svp.append(7 + sv // 3 + sv % 3)
        shifts.append((sv % 3) * 3)

    bufs = (ob0, ob1)
    sems = (sem0, sem1)
    ngroups = nw_pairs * NG

    def group(gi, _):
        g = gi % NG
        pair = wid * nw_pairs + gi // NG
        bi = pair // nchan
        ci2 = pair % nchan

        @pl.when(g == 0)
        def _stage():
            pltpu.sync_copy(x_hbm.at[pl.ds(pair * K * T, K * T)], xs)
            for k in range(K):
                for c2 in range(T // 16):
                    v = xs[pl.ds(k * T + 16 * c2, 16)]
                    plsc.store_scatter(
                        xpv, [i16 + (k * ST + 8 + 16 * c2)], v
                    )

        for parity in range(2):

            @pl.when(gi % 2 == parity)
            def _run(parity=parity):
                ob = bufs[parity]
                sem = sems[parity]

                @pl.when(gi >= 2)
                def _drain():
                    pltpu.make_async_copy(
                        ob, out_hbm.at[0, 0, pl.ds(0, RB)], sem
                    ).wait()

                @plsc.parallel_loop(0, RB, unroll=8)
                def rbody(jr):
                    j = g * RB + jr
                    j0 = j // 64
                    j1 = (j // 8) % 8
                    j2 = j % 8
                    packed = j1 + j0 * 8 + j2 * 64
                    for p in range(3):
                        rowsel = (packed >> shifts[p]) & 7
                        idx = rowsel * ST + svp[p]
                        for m in range(K):
                            src_ref = xpv.at[pl.ds(16 * m, XLEN - 16 * m)]
                            v = plsc.load_gather(src_ref, [idx])
                            ob[jr, pl.ds((3 * m + p) * 16, 16)] = v

                pltpu.async_copy(
                    ob, out_hbm.at[bi, ci2, pl.ds(g * RB, RB)], sem
                )

        return 0

    lax.fori_loop(0, ngroups, group, 0)
    for parity in range(2):
        pltpu.make_async_copy(
            bufs[parity], out_hbm.at[0, 0, pl.ds(0, RB)], sems[parity]
        ).wait()


@jax.jit
def kernel(x):
    b, c = x.shape[0], x.shape[1]
    bc = b * c
    nw_pairs = bc // NW
    mesh = plsc.VectorSubcoreMesh(core_axis_name="c", subcore_axis_name="s")
    sck = functools.partial(
        pl.kernel,
        mesh=mesh,
        compiler_params=pltpu.CompilerParams(needs_layout_passes=False),
        out_type=jax.ShapeDtypeStruct((b, c, J, S), jnp.float32),
        scratch_types=[
            pltpu.VMEM((XLEN,), jnp.float32),
            pltpu.VMEM((K * T,), jnp.float32),
            pltpu.VMEM((RB, S), jnp.float32),
            pltpu.VMEM((RB, S), jnp.float32),
            pltpu.SemaphoreType.DMA,
            pltpu.SemaphoreType.DMA,
        ],
    )(functools.partial(_sc_body, nw_pairs, c))
    return sck(x.reshape(-1))

# --- scband reference (transcript-rebuilt; emitter-appended) ---
"""Pipeline reference for scband-artransformer-layer-53953379172621 (READ-ONLY COPY).

The authoritative reference and input builder live on the scoring server;
editing this copy changes nothing except your own understanding.
"""

import jax, jax.numpy as jnp
import numpy as np

K = 8
T = 128
B = 16
C = 8


def get_indices(k):
    ori = jnp.arange(k)
    idx0 = jnp.broadcast_to(ori.reshape(k, 1, 1), (k, k, k)).reshape(-1)
    idx1 = jnp.broadcast_to(ori.reshape(1, k, 1), (k, k, k)).reshape(-1)
    idx2 = jnp.broadcast_to(ori.reshape(1, 1, k), (k, k, k)).reshape(-1)
    # matches torch.stack([idx1, idx0, idx2], dim=1): shape [k**3, 3]
    return jnp.stack([idx1, idx0, idx2], axis=1)


def setup_inputs(seed: int = 0) -> dict:
    key = jax.random.key(seed)
    x = jax.random.normal(key, (B, C, K, T), dtype=jnp.float32)
    return {"x": x}


def reference(x):
    b, c = x.shape[0], x.shape[1]
    t = x.shape[3]
    # nn.Unfold(kernel_size=[K,3], padding=[0,1]) on [b,c,K,t]:
    # pad width by 1 on both sides, extract K x 3 patches at t positions,
    # laid out as [b, c, K, 3, t] (c, kh, kw ordering matches torch unfold + view)
    x_pad = jnp.pad(x, ((0, 0), (0, 0), (0, 0), (1, 1)))
    u = jnp.stack([x_pad[:, :, :, w:w + t] for w in range(3)], axis=3)  # [b,c,K,3,t]
    idx_all = get_indices(K)  # [K^3, 3]
    # torch.gather along dim=2 with idx broadcast over b,c,t:
    # g[b,c,j,w,tt] = u[b,c, idx_all[j,w], w, tt]
    g = u[:, :, idx_all, jnp.arange(3)[None, :], :]  # [b,c,K^3,3,t]
    out = jnp.transpose(g, (0, 1, 2, 4, 3)).reshape(b, c, K ** 3, t * 3)
    return out

if __name__ == "__main__":
    import jax
    _d = setup_inputs()
    print(jax.jit(kernel)(*tuple(_d.values())))

</pallas_src>

<mosaic_0001>
#map = affine_map<(d0, d1) -> (0)>
#map1 = affine_map<(d0, d1) -> (0, 0, 0, 0)>
module attributes {stable_mosaic.version = 14 : i64} {
  func.func @_sc_body(%arg0: i32, %arg1: i32, %arg2: memref<131072xf32, #tpu.memory_space<hbm>>, %arg3: memref<16x8x512x384xf32, #tpu.memory_space<hbm>>, %arg4: memref<1056xf32, #tpu.memory_space<vmem>>, %arg5: memref<1024xf32, #tpu.memory_space<vmem>>, %arg6: memref<64x384xf32, #tpu.memory_space<vmem>>, %arg7: memref<64x384xf32, #tpu.memory_space<vmem>>, %arg8: memref<!tpu.dma_semaphore, #tpu.memory_space<semaphore_mem>>, %arg9: memref<!tpu.dma_semaphore, #tpu.memory_space<semaphore_mem>>) attributes {dimension_semantics = [#tpu.dimension_semantics<core_parallel>, #tpu.dimension_semantics<subcore_parallel>], iteration_bounds = array<i64: 2, 16>, scalar_prefetch = 0 : i64, scratch_operands = 6 : i64, tpu.core_type = #tpu.core_type<sc_vector_subcore>, window_params = [{transform_indices = #map}, {transform_indices = #map1}]} {
    %iota3A = tpu.iota {dimensions = array<i32: 0>} : vector<16xi32>
    %mul3A = arith.constant 2 : i32
    %mul3A_0 = arith.muli %arg1, %mul3A : i32
    %add3A = arith.addi %mul3A_0, %arg0 : i32
    %mul3A_1 = arith.constant 0 : i32
    %mul3A_2 = vector.broadcast %mul3A_1 : i32 to vector<16xi32>
    %mul3A_3 = arith.muli %iota3A, %mul3A_2 : vector<16xi32>
    %convert_element_type3A = arith.sitofp %mul3A_3 : vector<16xi32> to vector<16xf32>
    %jit3A = arith.constant 2 : i32
    %div3A = vector.broadcast %jit3A : i32 to vector<16xi32>
    %div3A_4 = arith.divsi %iota3A, %div3A : vector<16xi32>
    %sign3A = arith.constant 0 : i32
    %sign3A_5 = vector.broadcast %sign3A : i32 to vector<16xi32>
    %sign3A_6 = arith.cmpi sgt, %iota3A, %sign3A_5 : vector<16xi32>
    %sign3A_7 = arith.extui %sign3A_6 : vector<16xi1> to vector<16xi32>
    %sign3A_8 = arith.constant 0 : i32
    %sign3A_9 = vector.broadcast %sign3A_8 : i32 to vector<16xi32>
    %sign3A_10 = arith.cmpi slt, %iota3A, %sign3A_9 : vector<16xi32>
    %sign3A_11 = arith.extui %sign3A_10 : vector<16xi1> to vector<16xi32>
    %sign3A_12 = arith.subi %sign3A_7, %sign3A_11 : vector<16xi32>
    %sign3A_13 = arith.constant 0 : i32
    %sign3A_14 = arith.cmpi sgt, %jit3A, %sign3A_13 : i32
    %sign3A_15 = arith.extui %sign3A_14 : i1 to i32
    %sign3A_16 = arith.constant 0 : i32
    %sign3A_17 = arith.cmpi slt, %jit3A, %sign3A_16 : i32
    %sign3A_18 = arith.extui %sign3A_17 : i1 to i32
    %sign3A_19 = arith.subi %sign3A_15, %sign3A_18 : i32
    %ne3A = vector.broadcast %sign3A_19 : i32 to vector<16xi32>
    %ne3A_20 = arith.cmpi ne, %sign3A_12, %ne3A : vector<16xi32>
    %rem3A = vector.broadcast %jit3A : i32 to vector<16xi32>
    %rem3A_21 = arith.remsi %iota3A, %rem3A : vector<16xi32>
    %ne3A_22 = arith.constant 0 : i32
    %ne3A_23 = vector.broadcast %ne3A_22 : i32 to vector<16xi32>
    %ne3A_24 = arith.cmpi ne, %rem3A_21, %ne3A_23 : vector<16xi32>
    %and3A = arith.andi %ne3A_20, %ne3A_24 : vector<16xi1>
    %sub3A = arith.constant 1 : i32
    %sub3A_25 = vector.broadcast %sub3A : i32 to vector<16xi32>
    %sub3A_26 = arith.subi %div3A_4, %sub3A_25 : vector<16xi32>
    %select_n3A = arith.select %and3A, %sub3A_26, %div3A_4 : vector<16xi1>, vector<16xi32>
    %mul3A_27 = arith.constant 130 : i32
    %mul3A_28 = vector.broadcast %mul3A_27 : i32 to vector<16xi32>
    %mul3A_29 = arith.muli %select_n3A, %mul3A_28 : vector<16xi32>
    %add3A_30 = arith.constant 7 : i32
    %add3A_31 = vector.broadcast %add3A_30 : i32 to vector<16xi32>
    %add3A_32 = arith.addi %mul3A_29, %add3A_31 : vector<16xi32>
    %jit3A_33 = arith.constant 2 : i32
    %eq3A = arith.constant 0 : i32
    %eq3A_34 = arith.cmpi eq, %jit3A_33, %eq3A : i32
    %jit3A_35 = arith.constant 1 : i32
    %select_n3A_36 = arith.select %eq3A_34, %jit3A_35, %jit3A_33 : i32
    %rem3A_37 = vector.broadcast %select_n3A_36 : i32 to vector<16xi32>
    %rem3A_38 = arith.remsi %iota3A, %rem3A_37 : vector<16xi32>
    %ne3A_39 = arith.constant 0 : i32
    %ne3A_40 = vector.broadcast %ne3A_39 : i32 to vector<16xi32>
    %ne3A_41 = arith.cmpi ne, %rem3A_38, %ne3A_40 : vector<16xi32>
    %lt3A = arith.constant 0 : i32
    %lt3A_42 = vector.broadcast %lt3A : i32 to vector<16xi32>
    %lt3A_43 = arith.cmpi slt, %rem3A_38, %lt3A_42 : vector<16xi32>
    %lt3A_44 = arith.constant 0 : i32
    %lt3A_45 = arith.cmpi slt, %select_n3A_36, %lt3A_44 : i32
    %ne3A_46 = vector.broadcast %lt3A_45 : i1 to vector<16xi1>
    %ne3A_47 = vector.broadcast %ne3A_46 : vector<16xi1> to vector<16xi1>
    %ne3A_48 = arith.xori %lt3A_43, %ne3A_47 : vector<16xi1>
    %and3A_49 = arith.andi %ne3A_48, %ne3A_41 : vector<16xi1>
    %add3A_50 = vector.broadcast %select_n3A_36 : i32 to vector<16xi32>
    %add3A_51 = arith.addi %rem3A_38, %add3A_50 : vector<16xi32>
    %select_n3A_52 = arith.select %and3A_49, %add3A_51, %rem3A_38 : vector<16xi1>, vector<16xi32>
    %mul3A_53 = arith.constant 129 : i32
    %mul3A_54 = vector.broadcast %mul3A_53 : i32 to vector<16xi32>
    %mul3A_55 = arith.muli %select_n3A_52, %mul3A_54 : vector<16xi32>
    %add3A_56 = arith.addi %add3A_32, %mul3A_55 : vector<16xi32>
    tpu.vector_store_idx %arg4[%add3A_56], %convert_element_type3A : memref<1056xf32, #tpu.memory_space<vmem>>[vector<16xi32>], vector<16xf32>,
    %add3A_57 = arith.constant 0 : i32
    %add3A_58 = vector.broadcast %add3A_57 : i32 to vector<16xi32>
    %add3A_59 = arith.addi %iota3A, %add3A_58 : vector<16xi32>
    %jit3A_60 = arith.constant 3 : i32
    %div3A_61 = vector.broadcast %jit3A_60 : i32 to vector<16xi32>
    %div3A_62 = arith.divsi %add3A_59, %div3A_61 : vector<16xi32>
    %sign3A_63 = arith.constant 0 : i32
    %sign3A_64 = vector.broadcast %sign3A_63 : i32 to vector<16xi32>
    %sign3A_65 = arith.cmpi sgt, %add3A_59, %sign3A_64 : vector<16xi32>
    %sign3A_66 = arith.extui %sign3A_65 : vector<16xi1> to vector<16xi32>
    %sign3A_67 = arith.constant 0 : i32
    %sign3A_68 = vector.broadcast %sign3A_67 : i32 to vector<16xi32>
    %sign3A_69 = arith.cmpi slt, %add3A_59, %sign3A_68 : vector<16xi32>
    %sign3A_70 = arith.extui %sign3A_69 : vector<16xi1> to vector<16xi32>
    %sign3A_71 = arith.subi %sign3A_66, %sign3A_70 : vector<16xi32>
    %sign3A_72 = arith.constant 0 : i32
    %sign3A_73 = arith.cmpi sgt, %jit3A_60, %sign3A_72 : i32
    %sign3A_74 = arith.extui %sign3A_73 : i1 to i32
    %sign3A_75 = arith.constant 0 : i32
    %sign3A_76 = arith.cmpi slt, %jit3A_60, %sign3A_75 : i32
    %sign3A_77 = arith.extui %sign3A_76 : i1 to i32
    %sign3A_78 = arith.subi %sign3A_74, %sign3A_77 : i32
    %ne3A_79 = vector.broadcast %sign3A_78 : i32 to vector<16xi32>
    %ne3A_80 = arith.cmpi ne, %sign3A_71, %ne3A_79 : vector<16xi32>
    %rem3A_81 = vector.broadcast %jit3A_60 : i32 to vector<16xi32>
    %rem3A_82 = arith.remsi %add3A_59, %rem3A_81 : vector<16xi32>
    %ne3A_83 = arith.constant 0 : i32
    %ne3A_84 = vector.broadcast %ne3A_83 : i32 to vector<16xi32>
    %ne3A_85 = arith.cmpi ne, %rem3A_82, %ne3A_84 : vector<16xi32>
    %and3A_86 = arith.andi %ne3A_80, %ne3A_85 : vector<16xi1>
    %sub3A_87 = arith.constant 1 : i32
    %sub3A_88 = vector.broadcast %sub3A_87 : i32 to vector<16xi32>
    %sub3A_89 = arith.subi %div3A_62, %sub3A_88 : vector<16xi32>
    %select_n3A_90 = arith.select %and3A_86, %sub3A_89, %div3A_62 : vector<16xi1>, vector<16xi32>
    %add3A_91 = arith.constant 7 : i32
    %add3A_92 = vector.broadcast %add3A_91 : i32 to vector<16xi32>
    %add3A_93 = arith.addi %add3A_92, %select_n3A_90 : vector<16xi32>
    %jit3A_94 = arith.constant 3 : i32
    %eq3A_95 = arith.constant 0 : i32
    %eq3A_96 = arith.cmpi eq, %jit3A_94, %eq3A_95 : i32
    %jit3A_97 = arith.constant 1 : i32
    %select_n3A_98 = arith.select %eq3A_96, %jit3A_97, %jit3A_94 : i32
    %rem3A_99 = vector.broadcast %select_n3A_98 : i32 to vector<16xi32>
    %rem3A_100 = arith.remsi %add3A_59, %rem3A_99 : vector<16xi32>
    %ne3A_101 = arith.constant 0 : i32
    %ne3A_102 = vector.broadcast %ne3A_101 : i32 to vector<16xi32>
    %ne3A_103 = arith.cmpi ne, %rem3A_100, %ne3A_102 : vector<16xi32>
    %lt3A_104 = arith.constant 0 : i32
    %lt3A_105 = vector.broadcast %lt3A_104 : i32 to vector<16xi32>
    %lt3A_106 = arith.cmpi slt, %rem3A_100, %lt3A_105 : vector<16xi32>
    %lt3A_107 = arith.constant 0 : i32
    %lt3A_108 = arith.cmpi slt, %select_n3A_98, %lt3A_107 : i32
    %ne3A_109 = vector.broadcast %lt3A_108 : i1 to vector<16xi1>
    %ne3A_110 = vector.broadcast %ne3A_109 : vector<16xi1> to vector<16xi1>
    %ne3A_111 = arith.xori %lt3A_106, %ne3A_110 : vector<16xi1>
    %and3A_112 = arith.andi %ne3A_111, %ne3A_103 : vector<16xi1>
    %add3A_113 = vector.broadcast %select_n3A_98 : i32 to vector<16xi32>
    %add3A_114 = arith.addi %rem3A_100, %add3A_113 : vector<16xi32>
    %select_n3A_115 = arith.select %and3A_112, %add3A_114, %rem3A_100 : vector<16xi1>, vector<16xi32>
    %add3A_116 = arith.addi %add3A_93, %select_n3A_115 : vector<16xi32>
    %jit3A_117 = arith.constant 3 : i32
    %eq3A_118 = arith.constant 0 : i32
    %eq3A_119 = arith.cmpi eq, %jit3A_117, %eq3A_118 : i32
    %jit3A_120 = arith.constant 1 : i32
    %select_n3A_121 = arith.select %eq3A_119, %jit3A_120, %jit3A_117 : i32
    %rem3A_122 = vector.broadcast %select_n3A_121 : i32 to vector<16xi32>
    %rem3A_123 = arith.remsi %add3A_59, %rem3A_122 : vector<16xi32>
    %ne3A_124 = arith.constant 0 : i32
    %ne3A_125 = vector.broadcast %ne3A_124 : i32 to vector<16xi32>
    %ne3A_126 = arith.cmpi ne, %rem3A_123, %ne3A_125 : vector<16xi32>
    %lt3A_127 = arith.constant 0 : i32
    %lt3A_128 = vector.broadcast %lt3A_127 : i32 to vector<16xi32>
    %lt3A_129 = arith.cmpi slt, %rem3A_123, %lt3A_128 : vector<16xi32>
    %lt3A_130 = arith.constant 0 : i32
    %lt3A_131 = arith.cmpi slt, %select_n3A_121, %lt3A_130 : i32
    %ne3A_132 = vector.broadcast %lt3A_131 : i1 to vector<16xi1>
    %ne3A_133 = vector.broadcast %ne3A_132 : vector<16xi1> to vector<16xi1>
    %ne3A_134 = arith.xori %lt3A_129, %ne3A_133 : vector<16xi1>
    %and3A_135 = arith.andi %ne3A_134, %ne3A_126 : vector<16xi1>
    %add3A_136 = vector.broadcast %select_n3A_121 : i32 to vector<16xi32>
    %add3A_137 = arith.addi %rem3A_123, %add3A_136 : vector<16xi32>
    %select_n3A_138 = arith.select %and3A_135, %add3A_137, %rem3A_123 : vector<16xi1>, vector<16xi32>
    %mul3A_139 = arith.constant 3 : i32
    %mul3A_140 = vector.broadcast %mul3A_139 : i32 to vector<16xi32>
    %mul3A_141 = arith.muli %select_n3A_138, %mul3A_140 : vector<16xi32>
    %add3A_142 = arith.constant 16 : i32
    %add3A_143 = vector.broadcast %add3A_142 : i32 to vector<16xi32>
    %add3A_144 = arith.addi %iota3A, %add3A_143 : vector<16xi32>
    %jit3A_145 = arith.constant 3 : i32
    %div3A_146 = vector.broadcast %jit3A_145 : i32 to vector<16xi32>
    %div3A_147 = arith.divsi %add3A_144, %div3A_146 : vector<16xi32>
    %sign3A_148 = arith.constant 0 : i32
    %sign3A_149 = vector.broadcast %sign3A_148 : i32 to vector<16xi32>
    %sign3A_150 = arith.cmpi sgt, %add3A_144, %sign3A_149 : vector<16xi32>
    %sign3A_151 = arith.extui %sign3A_150 : vector<16xi1> to vector<16xi32>
    %sign3A_152 = arith.constant 0 : i32
    %sign3A_153 = vector.broadcast %sign3A_152 : i32 to vector<16xi32>
    %sign3A_154 = arith.cmpi slt, %add3A_144, %sign3A_153 : vector<16xi32>
    %sign3A_155 = arith.extui %sign3A_154 : vector<16xi1> to vector<16xi32>
    %sign3A_156 = arith.subi %sign3A_151, %sign3A_155 : vector<16xi32>
    %sign3A_157 = arith.constant 0 : i32
    %sign3A_158 = arith.cmpi sgt, %jit3A_145, %sign3A_157 : i32
    %sign3A_159 = arith.extui %sign3A_158 : i1 to i32
    %sign3A_160 = arith.constant 0 : i32
    %sign3A_161 = arith.cmpi slt, %jit3A_145, %sign3A_160 : i32
    %sign3A_162 = arith.extui %sign3A_161 : i1 to i32
    %sign3A_163 = arith.subi %sign3A_159, %sign3A_162 : i32
    %ne3A_164 = vector.broadcast %sign3A_163 : i32 to vector<16xi32>
    %ne3A_165 = arith.cmpi ne, %sign3A_156, %ne3A_164 : vector<16xi32>
    %rem3A_166 = vector.broadcast %jit3A_145 : i32 to vector<16xi32>
    %rem3A_167 = arith.remsi %add3A_144, %rem3A_166 : vector<16xi32>
    %ne3A_168 = arith.constant 0 : i32
    %ne3A_169 = vector.broadcast %ne3A_168 : i32 to vector<16xi32>
    %ne3A_170 = arith.cmpi ne, %rem3A_167, %ne3A_169 : vector<16xi32>
    %and3A_171 = arith.andi %ne3A_165, %ne3A_170 : vector<16xi1>
    %sub3A_172 = arith.constant 1 : i32
    %sub3A_173 = vector.broadcast %sub3A_172 : i32 to vector<16xi32>
    %sub3A_174 = arith.subi %div3A_147, %sub3A_173 : vector<16xi32>
    %select_n3A_175 = arith.select %and3A_171, %sub3A_174, %div3A_147 : vector<16xi1>, vector<16xi32>
    %add3A_176 = arith.constant 7 : i32
    %add3A_177 = vector.broadcast %add3A_176 : i32 to vector<16xi32>
    %add3A_178 = arith.addi %add3A_177, %select_n3A_175 : vector<16xi32>
    %jit3A_179 = arith.constant 3 : i32
    %eq3A_180 = arith.constant 0 : i32
    %eq3A_181 = arith.cmpi eq, %jit3A_179, %eq3A_180 : i32
    %jit3A_182 = arith.constant 1 : i32
    %select_n3A_183 = arith.select %eq3A_181, %jit3A_182, %jit3A_179 : i32
    %rem3A_184 = vector.broadcast %select_n3A_183 : i32 to vector<16xi32>
    %rem3A_185 = arith.remsi %add3A_144, %rem3A_184 : vector<16xi32>
    %ne3A_186 = arith.constant 0 : i32
    %ne3A_187 = vector.broadcast %ne3A_186 : i32 to vector<16xi32>
    %ne3A_188 = arith.cmpi ne, %rem3A_185, %ne3A_187 : vector<16xi32>
    %lt3A_189 = arith.constant 0 : i32
    %lt3A_190 = vector.broadcast %lt3A_189 : i32 to vector<16xi32>
    %lt3A_191 = arith.cmpi slt, %rem3A_185, %lt3A_190 : vector<16xi32>
    %lt3A_192 = arith.constant 0 : i32
    %lt3A_193 = arith.cmpi slt, %select_n3A_183, %lt3A_192 : i32
    %ne3A_194 = vector.broadcast %lt3A_193 : i1 to vector<16xi1>
    %ne3A_195 = vector.broadcast %ne3A_194 : vector<16xi1> to vector<16xi1>
    %ne3A_196 = arith.xori %lt3A_191, %ne3A_195 : vector<16xi1>
    %and3A_197 = arith.andi %ne3A_196, %ne3A_188 : vector<16xi1>
    %add3A_198 = vector.broadcast %select_n3A_183 : i32 to vector<16xi32>
    %add3A_199 = arith.addi %rem3A_185, %add3A_198 : vector<16xi32>
    %select_n3A_200 = arith.select %and3A_197, %add3A_199, %rem3A_185 : vector<16xi1>, vector<16xi32>
    %add3A_201 = arith.addi %add3A_178, %select_n3A_200 : vector<16xi32>
    %jit3A_202 = arith.constant 3 : i32
    %eq3A_203 = arith.constant 0 : i32
    %eq3A_204 = arith.cmpi eq, %jit3A_202, %eq3A_203 : i32
    %jit3A_205 = arith.constant 1 : i32
    %select_n3A_206 = arith.select %eq3A_204, %jit3A_205, %jit3A_202 : i32
    %rem3A_207 = vector.broadcast %select_n3A_206 : i32 to vector<16xi32>
    %rem3A_208 = arith.remsi %add3A_144, %rem3A_207 : vector<16xi32>
    %ne3A_209 = arith.constant 0 : i32
    %ne3A_210 = vector.broadcast %ne3A_209 : i32 to vector<16xi32>
    %ne3A_211 = arith.cmpi ne, %rem3A_208, %ne3A_210 : vector<16xi32>
    %lt3A_212 = arith.constant 0 : i32
    %lt3A_213 = vector.broadcast %lt3A_212 : i32 to vector<16xi32>
    %lt3A_214 = arith.cmpi slt, %rem3A_208, %lt3A_213 : vector<16xi32>
    %lt3A_215 = arith.constant 0 : i32
    %lt3A_216 = arith.cmpi slt, %select_n3A_206, %lt3A_215 : i32
    %ne3A_217 = vector.broadcast %lt3A_216 : i1 to vector<16xi1>
    %ne3A_218 = vector.broadcast %ne3A_217 : vector<16xi1> to vector<16xi1>
    %ne3A_219 = arith.xori %lt3A_214, %ne3A_218 : vector<16xi1>
    %and3A_220 = arith.andi %ne3A_219, %ne3A_211 : vector<16xi1>
    %add3A_221 = vector.broadcast %select_n3A_206 : i32 to vector<16xi32>
    %add3A_222 = arith.addi %rem3A_208, %add3A_221 : vector<16xi32>
    %select_n3A_223 = arith.select %and3A_220, %add3A_222, %rem3A_208 : vector<16xi1>, vector<16xi32>
    %mul3A_224 = arith.constant 3 : i32
    %mul3A_225 = vector.broadcast %mul3A_224 : i32 to vector<16xi32>
    %mul3A_226 = arith.muli %select_n3A_223, %mul3A_225 : vector<16xi32>
    %add3A_227 = arith.constant 32 : i32
    %add3A_228 = vector.broadcast %add3A_227 : i32 to vector<16xi32>
    %add3A_229 = arith.addi %iota3A, %add3A_228 : vector<16xi32>
    %jit3A_230 = arith.constant 3 : i32
    %div3A_231 = vector.broadcast %jit3A_230 : i32 to vector<16xi32>
    %div3A_232 = arith.divsi %add3A_229, %div3A_231 : vector<16xi32>
    %sign3A_233 = arith.constant 0 : i32
    %sign3A_234 = vector.broadcast %sign3A_233 : i32 to vector<16xi32>
    %sign3A_235 = arith.cmpi sgt, %add3A_229, %sign3A_234 : vector<16xi32>
    %sign3A_236 = arith.extui %sign3A_235 : vector<16xi1> to vector<16xi32>
    %sign3A_237 = arith.constant 0 : i32
    %sign3A_238 = vector.broadcast %sign3A_237 : i32 to vector<16xi32>
    %sign3A_239 = arith.cmpi slt, %add3A_229, %sign3A_238 : vector<16xi32>
    %sign3A_240 = arith.extui %sign3A_239 : vector<16xi1> to vector<16xi32>
    %sign3A_241 = arith.subi %sign3A_236, %sign3A_240 : vector<16xi32>
    %sign3A_242 = arith.constant 0 : i32
    %sign3A_243 = arith.cmpi sgt, %jit3A_230, %sign3A_242 : i32
    %sign3A_244 = arith.extui %sign3A_243 : i1 to i32
    %sign3A_245 = arith.constant 0 : i32
    %sign3A_246 = arith.cmpi slt, %jit3A_230, %sign3A_245 : i32
    %sign3A_247 = arith.extui %sign3A_246 : i1 to i32
    %sign3A_248 = arith.subi %sign3A_244, %sign3A_247 : i32
    %ne3A_249 = vector.broadcast %sign3A_248 : i32 to vector<16xi32>
    %ne3A_250 = arith.cmpi ne, %sign3A_241, %ne3A_249 : vector<16xi32>
    %rem3A_251 = vector.broadcast %jit3A_230 : i32 to vector<16xi32>
    %rem3A_252 = arith.remsi %add3A_229, %rem3A_251 : vector<16xi32>
    %ne3A_253 = arith.constant 0 : i32
    %ne3A_254 = vector.broadcast %ne3A_253 : i32 to vector<16xi32>
    %ne3A_255 = arith.cmpi ne, %rem3A_252, %ne3A_254 : vector<16xi32>
    %and3A_256 = arith.andi %ne3A_250, %ne3A_255 : vector<16xi1>
    %sub3A_257 = arith.constant 1 : i32
    %sub3A_258 = vector.broadcast %sub3A_257 : i32 to vector<16xi32>
    %sub3A_259 = arith.subi %div3A_232, %sub3A_258 : vector<16xi32>
    %select_n3A_260 = arith.select %and3A_256, %sub3A_259, %div3A_232 : vector<16xi1>, vector<16xi32>
    %add3A_261 = arith.constant 7 : i32
    %add3A_262 = vector.broadcast %add3A_261 : i32 to vector<16xi32>
    %add3A_263 = arith.addi %add3A_262, %select_n3A_260 : vector<16xi32>
    %jit3A_264 = arith.constant 3 : i32
    %eq3A_265 = arith.constant 0 : i32
    %eq3A_266 = arith.cmpi eq, %jit3A_264, %eq3A_265 : i32
    %jit3A_267 = arith.constant 1 : i32
    %select_n3A_268 = arith.select %eq3A_266, %jit3A_267, %jit3A_264 : i32
    %rem3A_269 = vector.broadcast %select_n3A_268 : i32 to vector<16xi32>
    %rem3A_270 = arith.remsi %add3A_229, %rem3A_269 : vector<16xi32>
    %ne3A_271 = arith.constant 0 : i32
    %ne3A_272 = vector.broadcast %ne3A_271 : i32 to vector<16xi32>
    %ne3A_273 = arith.cmpi ne, %rem3A_270, %ne3A_272 : vector<16xi32>
    %lt3A_274 = arith.constant 0 : i32
    %lt3A_275 = vector.broadcast %lt3A_274 : i32 to vector<16xi32>
    %lt3A_276 = arith.cmpi slt, %rem3A_270, %lt3A_275 : vector<16xi32>
    %lt3A_277 = arith.constant 0 : i32
    %lt3A_278 = arith.cmpi slt, %select_n3A_268, %lt3A_277 : i32
    %ne3A_279 = vector.broadcast %lt3A_278 : i1 to vector<16xi1>
    %ne3A_280 = vector.broadcast %ne3A_279 : vector<16xi1> to vector<16xi1>
    %ne3A_281 = arith.xori %lt3A_276, %ne3A_280 : vector<16xi1>
    %and3A_282 = arith.andi %ne3A_281, %ne3A_273 : vector<16xi1>
    %add3A_283 = vector.broadcast %select_n3A_268 : i32 to vector<16xi32>
    %add3A_284 = arith.addi %rem3A_270, %add3A_283 : vector<16xi32>
    %select_n3A_285 = arith.select %and3A_282, %add3A_284, %rem3A_270 : vector<16xi1>, vector<16xi32>
    %add3A_286 = arith.addi %add3A_263, %select_n3A_285 : vector<16xi32>
    %jit3A_287 = arith.constant 3 : i32
    %eq3A_288 = arith.constant 0 : i32
    %eq3A_289 = arith.cmpi eq, %jit3A_287, %eq3A_288 : i32
    %jit3A_290 = arith.constant 1 : i32
    %select_n3A_291 = arith.select %eq3A_289, %jit3A_290, %jit3A_287 : i32
    %rem3A_292 = vector.broadcast %select_n3A_291 : i32 to vector<16xi32>
    %rem3A_293 = arith.remsi %add3A_229, %rem3A_292 : vector<16xi32>
    %ne3A_294 = arith.constant 0 : i32
    %ne3A_295 = vector.broadcast %ne3A_294 : i32 to vector<16xi32>
    %ne3A_296 = arith.cmpi ne, %rem3A_293, %ne3A_295 : vector<16xi32>
    %lt3A_297 = arith.constant 0 : i32
    %lt3A_298 = vector.broadcast %lt3A_297 : i32 to vector<16xi32>
    %lt3A_299 = arith.cmpi slt, %rem3A_293, %lt3A_298 : vector<16xi32>
    %lt3A_300 = arith.constant 0 : i32
    %lt3A_301 = arith.cmpi slt, %select_n3A_291, %lt3A_300 : i32
    %ne3A_302 = vector.broadcast %lt3A_301 : i1 to vector<16xi1>
    %ne3A_303 = vector.broadcast %ne3A_302 : vector<16xi1> to vector<16xi1>
    %ne3A_304 = arith.xori %lt3A_299, %ne3A_303 : vector<16xi1>
    %and3A_305 = arith.andi %ne3A_304, %ne3A_296 : vector<16xi1>
    %add3A_306 = vector.broadcast %select_n3A_291 : i32 to vector<16xi32>
    %add3A_307 = arith.addi %rem3A_293, %add3A_306 : vector<16xi32>
    %select_n3A_308 = arith.select %and3A_305, %add3A_307, %rem3A_293 : vector<16xi1>, vector<16xi32>
    %mul3A_309 = arith.constant 3 : i32
    %mul3A_310 = vector.broadcast %mul3A_309 : i32 to vector<16xi32>
    %mul3A_311 = arith.muli %select_n3A_308, %mul3A_310 : vector<16xi32>
    %scan3A = arith.constant 0 : i32
    %scan3A_312 = arith.constant 0 : i32
    %scan3A_313 = arith.constant 32 : i32
    %scan3A_314 = arith.addi %scan3A_312, %scan3A_313 : i32
    %scan3A_315 = arith.constant 1 : i32
    %scan3A_316 = scf.for %scan3A_337 = %scan3A_312 to %scan3A_314 step %scan3A_315 iter_args(%scan3A_338 = %scan3A) -> (i32)  : i32 {
      %jit3A_339 = arith.constant 8 : i32
      %eq3A_340 = arith.constant 0 : i32
      %eq3A_341 = arith.cmpi eq, %jit3A_339, %eq3A_340 : i32
      %jit3A_342 = arith.constant 1 : i32
      %select_n3A_343 = arith.select %eq3A_341, %jit3A_342, %jit3A_339 : i32
      %rem3A_344 = arith.remsi %scan3A_337, %select_n3A_343 : i32
      %ne3A_345 = arith.constant 0 : i32
      %ne3A_346 = arith.cmpi ne, %rem3A_344, %ne3A_345 : i32
      %lt3A_347 = arith.constant 0 : i32
      %lt3A_348 = arith.cmpi slt, %rem3A_344, %lt3A_347 : i32
      %lt3A_349 = arith.constant 0 : i32
      %lt3A_350 = arith.cmpi slt, %select_n3A_343, %lt3A_349 : i32
      %ne3A_351 = arith.xori %lt3A_348, %lt3A_350 : i1
      %and3A_352 = arith.andi %ne3A_351, %ne3A_346 : i1
      %add3A_353 = arith.addi %rem3A_344, %select_n3A_343 : i32
      %select_n3A_354 = arith.select %and3A_352, %add3A_353, %rem3A_344 : i32
      %mul3A_355 = arith.constant 4 : i32
      %mul3A_356 = arith.muli %add3A, %mul3A_355 : i32
      %jit3A_357 = arith.constant 8 : i32
      %div3A_358 = arith.divsi %scan3A_337, %jit3A_357 : i32
      %sign3A_359 = arith.constant 0 : i32
      %sign3A_360 = arith.cmpi sgt, %scan3A_337, %sign3A_359 : i32
      %sign3A_361 = arith.extui %sign3A_360 : i1 to i32
      %sign3A_362 = arith.constant 0 : i32
      %sign3A_363 = arith.cmpi slt, %scan3A_337, %sign3A_362 : i32
      %sign3A_364 = arith.extui %sign3A_363 : i1 to i32
      %sign3A_365 = arith.subi %sign3A_361, %sign3A_364 : i32
      %sign3A_366 = arith.constant 0 : i32
      %sign3A_367 = arith.cmpi sgt, %jit3A_357, %sign3A_366 : i32
      %sign3A_368 = arith.extui %sign3A_367 : i1 to i32
      %sign3A_369 = arith.constant 0 : i32
      %sign3A_370 = arith.cmpi slt, %jit3A_357, %sign3A_369 : i32
      %sign3A_371 = arith.extui %sign3A_370 : i1 to i32
      %sign3A_372 = arith.subi %sign3A_368, %sign3A_371 : i32
      %ne3A_373 = arith.cmpi ne, %sign3A_365, %sign3A_372 : i32
      %rem3A_374 = arith.remsi %scan3A_337, %jit3A_357 : i32
      %ne3A_375 = arith.constant 0 : i32
      %ne3A_376 = arith.cmpi ne, %rem3A_374, %ne3A_375 : i32
      %and3A_377 = arith.andi %ne3A_373, %ne3A_376 : i1
      %sub3A_378 = arith.constant 1 : i32
      %sub3A_379 = arith.subi %div3A_358, %sub3A_378 : i32
      %select_n3A_380 = arith.select %and3A_377, %sub3A_379, %div3A_358 : i32
      %add3A_381 = arith.addi %mul3A_356, %select_n3A_380 : i32
      %jit3A_382 = arith.constant 8 : i32
      %div3A_383 = arith.divsi %add3A_381, %jit3A_382 : i32
      %sign3A_384 = arith.constant 0 : i32
      %sign3A_385 = arith.cmpi sgt, %add3A_381, %sign3A_384 : i32
      %sign3A_386 = arith.extui %sign3A_385 : i1 to i32
      %sign3A_387 = arith.constant 0 : i32
      %sign3A_388 = arith.cmpi slt, %add3A_381, %sign3A_387 : i32
      %sign3A_389 = arith.extui %sign3A_388 : i1 to i32
      %sign3A_390 = arith.subi %sign3A_386, %sign3A_389 : i32
      %sign3A_391 = arith.constant 0 : i32
      %sign3A_392 = arith.cmpi sgt, %jit3A_382, %sign3A_391 : i32
      %sign3A_393 = arith.extui %sign3A_392 : i1 to i32
      %sign3A_394 = arith.constant 0 : i32
      %sign3A_395 = arith.cmpi slt, %jit3A_382, %sign3A_394 : i32
      %sign3A_396 = arith.extui %sign3A_395 : i1 to i32
      %sign3A_397 = arith.subi %sign3A_393, %sign3A_396 : i32
      %ne3A_398 = arith.cmpi ne, %sign3A_390, %sign3A_397 : i32
      %rem3A_399 = arith.remsi %add3A_381, %jit3A_382 : i32
      %ne3A_400 = arith.constant 0 : i32
      %ne3A_401 = arith.cmpi ne, %rem3A_399, %ne3A_400 : i32
      %and3A_402 = arith.andi %ne3A_398, %ne3A_401 : i1
      %sub3A_403 = arith.constant 1 : i32
      %sub3A_404 = arith.subi %div3A_383, %sub3A_403 : i32
      %select_n3A_405 = arith.select %and3A_402, %sub3A_404, %div3A_383 : i32
      %jit3A_406 = arith.constant 8 : i32
      %eq3A_407 = arith.constant 0 : i32
      %eq3A_408 = arith.cmpi eq, %jit3A_406, %eq3A_407 : i32
      %jit3A_409 = arith.constant 1 : i32
      %select_n3A_410 = arith.select %eq3A_408, %jit3A_409, %jit3A_406 : i32
      %rem3A_411 = arith.remsi %add3A_381, %select_n3A_410 : i32
      %ne3A_412 = arith.constant 0 : i32
      %ne3A_413 = arith.cmpi ne, %rem3A_411, %ne3A_412 : i32
      %lt3A_414 = arith.constant 0 : i32
      %lt3A_415 = arith.cmpi slt, %rem3A_411, %lt3A_414 : i32
      %lt3A_416 = arith.constant 0 : i32
      %lt3A_417 = arith.cmpi slt, %select_n3A_410, %lt3A_416 : i32
      %ne3A_418 = arith.xori %lt3A_415, %lt3A_417 : i1
      %and3A_419 = arith.andi %ne3A_418, %ne3A_413 : i1
      %add3A_420 = arith.addi %rem3A_411, %select_n3A_410 : i32
      %select_n3A_421 = arith.select %and3A_419, %add3A_420, %rem3A_411 : i32
      %eq3A_422 = arith.constant 0 : i32
      %eq3A_423 = arith.cmpi eq, %select_n3A_354, %eq3A_422 : i32
      %convert_element_type3A_424 = arith.extui %eq3A_423 : i1 to i32
      %cond3A = arith.constant 0 : i32
      %cond3A_425 = arith.cmpi ne, %convert_element_type3A_424, %cond3A : i32
      scf.if %cond3A_425 {
        %mul3A_469 = arith.constant 8 : i32
        %mul3A_470 = arith.muli %add3A_381, %mul3A_469 : i32
        %mul3A_471 = arith.constant 128 : i32
        %mul3A_472 = arith.muli %mul3A_470, %mul3A_471 : i32
        "tpu.region"() ({
          %run_scoped3A = tpu.sem_alloc : memref<!tpu.dma_semaphore, #tpu.memory_space<semaphore_mem>>
          %dma_start3A = tpu.memref_slice %arg2[%mul3A_472] : memref<131072xf32, #tpu.memory_space<hbm>> -> memref<1024xf32, #tpu.memory_space<hbm>>
          %dma_start3A_792 = tpu.memref_slice %arg2[%mul3A_472] : memref<131072xf32, #tpu.memory_space<hbm>> -> memref<1024xf32, #tpu.memory_space<hbm>>
          tpu.enqueue_dma source(%dma_start3A_792 : memref<1024xf32, #tpu.memory_space<hbm>>) target(%arg5 : memref<1024xf32, #tpu.memory_space<vmem>>) target_semaphore(%run_scoped3A : memref<!tpu.dma_semaphore, #tpu.memory_space<semaphore_mem>>)
          %dma_wait3A_793 = tpu.memref_slice %arg2[%mul3A_472] : memref<131072xf32, #tpu.memory_space<hbm>> -> memref<1024xf32, #tpu.memory_space<hbm>>
          %dma_wait3A_794 = tpu.memref_slice %arg2[%mul3A_472] : memref<131072xf32, #tpu.memory_space<hbm>> -> memref<1024xf32, #tpu.memory_space<hbm>>
          tpu.wait_dma2 semaphore(%run_scoped3A : memref<!tpu.dma_semaphore, #tpu.memory_space<semaphore_mem>>) src(%dma_wait3A_794 : memref<1024xf32, #tpu.memory_space<hbm>>) dst(%arg5 : memref<1024xf32, #tpu.memory_space<vmem>>)
          tpu.yield
        }) : () -> ()
        %get3A = arith.constant 0 : index
        %get3A_473 = tpu.vector_load %arg5[%get3A] {strides = array<i32>} : memref<1024xf32, #tpu.memory_space<vmem>>, vector<16xf32>,
        %add3A_474 = arith.constant 8 : i32
        %add3A_475 = vector.broadcast %add3A_474 : i32 to vector<16xi32>
        %add3A_476 = arith.addi %iota3A, %add3A_475 : vector<16xi32>
        tpu.vector_store_idx %arg4[%add3A_476], %get3A_473 : memref<1056xf32, #tpu.memory_space<vmem>>[vector<16xi32>], vector<16xf32>,
        %get3A_477 = arith.constant 16 : index
        %get3A_478 = tpu.vector_load %arg5[%get3A_477] {strides = array<i32>} : memref<1024xf32, #tpu.memory_space<vmem>>, vector<16xf32>,
        %add3A_479 = arith.constant 24 : i32
        %add3A_480 = vector.broadcast %add3A_479 : i32 to vector<16xi32>
        %add3A_481 = arith.addi %iota3A, %add3A_480 : vector<16xi32>
        tpu.vector_store_idx %arg4[%add3A_481], %get3A_478 : memref<1056xf32, #tpu.memory_space<vmem>>[vector<16xi32>], vector<16xf32>,
        %get3A_482 = arith.constant 32 : index
        %get3A_483 = tpu.vector_load %arg5[%get3A_482] {strides = array<i32>} : memref<1024xf32, #tpu.memory_space<vmem>>, vector<16xf32>,
        %add3A_484 = arith.constant 40 : i32
        %add3A_485 = vector.broadcast %add3A_484 : i32 to vector<16xi32>
        %add3A_486 = arith.addi %iota3A, %add3A_485 : vector<16xi32>
        tpu.vector_store_idx %arg4[%add3A_486], %get3A_483 : memref<1056xf32, #tpu.memory_space<vmem>>[vector<16xi32>], vector<16xf32>,
        %get3A_487 = arith.constant 48 : index
        %get3A_488 = tpu.vector_load %arg5[%get3A_487] {strides = array<i32>} : memref<1024xf32, #tpu.memory_space<vmem>>, vector<16xf32>,
        %add3A_489 = arith.constant 56 : i32
        %add3A_490 = vector.broadcast %add3A_489 : i32 to vector<16xi32>
        %add3A_491 = arith.addi %iota3A, %add3A_490 : vector<16xi32>
        tpu.vector_store_idx %arg4[%add3A_491], %get3A_488 : memref<1056xf32, #tpu.memory_space<vmem>>[vector<16xi32>], vector<16xf32>,
        %get3A_492 = arith.constant 64 : index
        %get3A_493 = tpu.vector_load %arg5[%get3A_492] {strides = array<i32>} : memref<1024xf32, #tpu.memory_space<vmem>>, vector<16xf32>,
        %add3A_494 = arith.constant 72 : i32
        %add3A_495 = vector.broadcast %add3A_494 : i32 to vector<16xi32>
        %add3A_496 = arith.addi %iota3A, %add3A_495 : vector<16xi32>
        tpu.vector_store_idx %arg4[%add3A_496], %get3A_493 : memref<1056xf32, #tpu.memory_space<vmem>>[vector<16xi32>], vector<16xf32>,
        %get3A_497 = arith.constant 80 : index
        %get3A_498 = tpu.vector_load %arg5[%get3A_497] {strides = array<i32>} : memref<1024xf32, #tpu.memory_space<vmem>>, vector<16xf32>,
        %add3A_499 = arith.constant 88 : i32
        %add3A_500 = vector.broadcast %add3A_499 : i32 to vector<16xi32>
        %add3A_501 = arith.addi %iota3A, %add3A_500 : vector<16xi32>
        tpu.vector_store_idx %arg4[%add3A_501], %get3A_498 : memref<1056xf32, #tpu.memory_space<vmem>>[vector<16xi32>], vector<16xf32>,
        %get3A_502 = arith.constant 96 : index
        %get3A_503 = tpu.vector_load %arg5[%get3A_502] {strides = array<i32>} : memref<1024xf32, #tpu.memory_space<vmem>>, vector<16xf32>,
        %add3A_504 = arith.constant 104 : i32
        %add3A_505 = vector.broadcast %add3A_504 : i32 to vector<16xi32>
        %add3A_506 = arith.addi %iota3A, %add3A_505 : vector<16xi32>
        tpu.vector_store_idx %arg4[%add3A_506], %get3A_503 : memref<1056xf32, #tpu.memory_space<vmem>>[vector<16xi32>], vector<16xf32>,
        %get3A_507 = arith.constant 112 : index
        %get3A_508 = tpu.vector_load %arg5[%get3A_507] {strides = array<i32>} : memref<1024xf32, #tpu.memory_space<vmem>>, vector<16xf32>,
        %add3A_509 = arith.constant 120 : i32
        %add3A_510 = vector.broadcast %add3A_509 : i32 to vector<16xi32>
        %add3A_511 = arith.addi %iota3A, %add3A_510 : vector<16xi32>
        tpu.vector_store_idx %arg4[%add3A_511], %get3A_508 : memref<1056xf32, #tpu.memory_space<vmem>>[vector<16xi32>], vector<16xf32>,
        %get3A_512 = arith.constant 128 : index
        %get3A_513 = tpu.vector_load %arg5[%get3A_512] {strides = array<i32>} : memref<1024xf32, #tpu.memory_space<vmem>>, vector<16xf32>,
        %add3A_514 = arith.constant 138 : i32
        %add3A_515 = vector.broadcast %add3A_514 : i32 to vector<16xi32>
        %add3A_516 = arith.addi %iota3A, %add3A_515 : vector<16xi32>
        tpu.vector_store_idx %arg4[%add3A_516], %get3A_513 : memref<1056xf32, #tpu.memory_space<vmem>>[vector<16xi32>], vector<16xf32>,
        %get3A_517 = arith.constant 144 : index
        %get3A_518 = tpu.vector_load %arg5[%get3A_517] {strides = array<i32>} : memref<1024xf32, #tpu.memory_space<vmem>>, vector<16xf32>,
        %add3A_519 = arith.constant 154 : i32
        %add3A_520 = vector.broadcast %add3A_519 : i32 to vector<16xi32>
        %add3A_521 = arith.addi %iota3A, %add3A_520 : vector<16xi32>
        tpu.vector_store_idx %arg4[%add3A_521], %get3A_518 : memref<1056xf32, #tpu.memory_space<vmem>>[vector<16xi32>], vector<16xf32>,
        %get3A_522 = arith.constant 160 : index
        %get3A_523 = tpu.vector_load %arg5[%get3A_522] {strides = array<i32>} : memref<1024xf32, #tpu.memory_space<vmem>>, vector<16xf32>,
        %add3A_524 = arith.constant 170 : i32
        %add3A_525 = vector.broadcast %add3A_524 : i32 to vector<16xi32>
        %add3A_526 = arith.addi %iota3A, %add3A_525 : vector<16xi32>
        tpu.vector_store_idx %arg4[%add3A_526], %get3A_523 : memref<1056xf32, #tpu.memory_space<vmem>>[vector<16xi32>], vector<16xf32>,
        %get3A_527 = arith.constant 176 : index
        %get3A_528 = tpu.vector_load %arg5[%get3A_527] {strides = array<i32>} : memref<1024xf32, #tpu.memory_space<vmem>>, vector<16xf32>,
        %add3A_529 = arith.constant 186 : i32
        %add3A_530 = vector.broadcast %add3A_529 : i32 to vector<16xi32>
        %add3A_531 = arith.addi %iota3A, %add3A_530 : vector<16xi32>
        tpu.vector_store_idx %arg4[%add3A_531], %get3A_528 : memref<1056xf32, #tpu.memory_space<vmem>>[vector<16xi32>], vector<16xf32>,
        %get3A_532 = arith.constant 192 : index
        %get3A_533 = tpu.vector_load %arg5[%get3A_532] {strides = array<i32>} : memref<1024xf32, #tpu.memory_space<vmem>>, vector<16xf32>,
        %add3A_534 = arith.constant 202 : i32
        %add3A_535 = vector.broadcast %add3A_534 : i32 to vector<16xi32>
        %add3A_536 = arith.addi %iota3A, %add3A_535 : vector<16xi32>
        tpu.vector_store_idx %arg4[%add3A_536], %get3A_533 : memref<1056xf32, #tpu.memory_space<vmem>>[vector<16xi32>], vector<16xf32>,
        %get3A_537 = arith.constant 208 : index
        %get3A_538 = tpu.vector_load %arg5[%get3A_537] {strides = array<i32>} : memref<1024xf32, #tpu.memory_space<vmem>>, vector<16xf32>,
        %add3A_539 = arith.constant 218 : i32
        %add3A_540 = vector.broadcast %add3A_539 : i32 to vector<16xi32>
        %add3A_541 = arith.addi %iota3A, %add3A_540 : vector<16xi32>
        tpu.vector_store_idx %arg4[%add3A_541], %get3A_538 : memref<1056xf32, #tpu.memory_space<vmem>>[vector<16xi32>], vector<16xf32>,
        %get3A_542 = arith.constant 224 : index
        %get3A_543 = tpu.vector_load %arg5[%get3A_542] {strides = array<i32>} : memref<1024xf32, #tpu.memory_space<vmem>>, vector<16xf32>,
        %add3A_544 = arith.constant 234 : i32
        %add3A_545 = vector.broadcast %add3A_544 : i32 to vector<16xi32>
        %add3A_546 = arith.addi %iota3A, %add3A_545 : vector<16xi32>
        tpu.vector_store_idx %arg4[%add3A_546], %get3A_543 : memref<1056xf32, #tpu.memory_space<vmem>>[vector<16xi32>], vector<16xf32>,
        %get3A_547 = arith.constant 240 : index
        %get3A_548 = tpu.vector_load %arg5[%get3A_547] {strides = array<i32>} : memref<1024xf32, #tpu.memory_space<vmem>>, vector<16xf32>,
        %add3A_549 = arith.constant 250 : i32
        %add3A_550 = vector.broadcast %add3A_549 : i32 to vector<16xi32>
        %add3A_551 = arith.addi %iota3A, %add3A_550 : vector<16xi32>
        tpu.vector_store_idx %arg4[%add3A_551], %get3A_548 : memref<1056xf32, #tpu.memory_space<vmem>>[vector<16xi32>], vector<16xf32>,
        %get3A_552 = arith.constant 256 : index
        %get3A_553 = tpu.vector_load %arg5[%get3A_552] {strides = array<i32>} : memref<1024xf32, #tpu.memory_space<vmem>>, vector<16xf32>,
        %add3A_554 = arith.constant 268 : i32
        %add3A_555 = vector.broadcast %add3A_554 : i32 to vector<16xi32>
        %add3A_556 = arith.addi %iota3A, %add3A_555 : vector<16xi32>
        tpu.vector_store_idx %arg4[%add3A_556], %get3A_553 : memref<1056xf32, #tpu.memory_space<vmem>>[vector<16xi32>], vector<16xf32>,
        %get3A_557 = arith.constant 272 : index
        %get3A_558 = tpu.vector_load %arg5[%get3A_557] {strides = array<i32>} : memref<1024xf32, #tpu.memory_space<vmem>>, vector<16xf32>,
        %add3A_559 = arith.constant 284 : i32
        %add3A_560 = vector.broadcast %add3A_559 : i32 to vector<16xi32>
        %add3A_561 = arith.addi %iota3A, %add3A_560 : vector<16xi32>
        tpu.vector_store_idx %arg4[%add3A_561], %get3A_558 : memref<1056xf32, #tpu.memory_space<vmem>>[vector<16xi32>], vector<16xf32>,
        %get3A_562 = arith.constant 288 : index
        %get3A_563 = tpu.vector_load %arg5[%get3A_562] {strides = array<i32>} : memref<1024xf32, #tpu.memory_space<vmem>>, vector<16xf32>,
        %add3A_564 = arith.constant 300 : i32
        %add3A_565 = vector.broadcast %add3A_564 : i32 to vector<16xi32>
        %add3A_566 = arith.addi %iota3A, %add3A_565 : vector<16xi32>
        tpu.vector_store_idx %arg4[%add3A_566], %get3A_563 : memref<1056xf32, #tpu.memory_space<vmem>>[vector<16xi32>], vector<16xf32>,
        %get3A_567 = arith.constant 304 : index
        %get3A_568 = tpu.vector_load %arg5[%get3A_567] {strides = array<i32>} : memref<1024xf32, #tpu.memory_space<vmem>>, vector<16xf32>,
        %add3A_569 = arith.constant 316 : i32
        %add3A_570 = vector.broadcast %add3A_569 : i32 to vector<16xi32>
        %add3A_571 = arith.addi %iota3A, %add3A_570 : vector<16xi32>
        tpu.vector_store_idx %arg4[%add3A_571], %get3A_568 : memref<1056xf32, #tpu.memory_space<vmem>>[vector<16xi32>], vector<16xf32>,
        %get3A_572 = arith.constant 320 : index
        %get3A_573 = tpu.vector_load %arg5[%get3A_572] {strides = array<i32>} : memref<1024xf32, #tpu.memory_space<vmem>>, vector<16xf32>,
        %add3A_574 = arith.constant 332 : i32
        %add3A_575 = vector.broadcast %add3A_574 : i32 to vector<16xi32>
        %add3A_576 = arith.addi %iota3A, %add3A_575 : vector<16xi32>
        tpu.vector_store_idx %arg4[%add3A_576], %get3A_573 : memref<1056xf32, #tpu.memory_space<vmem>>[vector<16xi32>], vector<16xf32>,
        %get3A_577 = arith.constant 336 : index
        %get3A_578 = tpu.vector_load %arg5[%get3A_577] {strides = array<i32>} : memref<1024xf32, #tpu.memory_space<vmem>>, vector<16xf32>,
        %add3A_579 = arith.constant 348 : i32
        %add3A_580 = vector.broadcast %add3A_579 : i32 to vector<16xi32>
        %add3A_581 = arith.addi %iota3A, %add3A_580 : vector<16xi32>
        tpu.vector_store_idx %arg4[%add3A_581], %get3A_578 : memref<1056xf32, #tpu.memory_space<vmem>>[vector<16xi32>], vector<16xf32>,
        %get3A_582 = arith.constant 352 : index
        %get3A_583 = tpu.vector_load %arg5[%get3A_582] {strides = array<i32>} : memref<1024xf32, #tpu.memory_space<vmem>>, vector<16xf32>,
        %add3A_584 = arith.constant 364 : i32
        %add3A_585 = vector.broadcast %add3A_584 : i32 to vector<16xi32>
        %add3A_586 = arith.addi %iota3A, %add3A_585 : vector<16xi32>
        tpu.vector_store_idx %arg4[%add3A_586], %get3A_583 : memref<1056xf32, #tpu.memory_space<vmem>>[vector<16xi32>], vector<16xf32>,
        %get3A_587 = arith.constant 368 : index
        %get3A_588 = tpu.vector_load %arg5[%get3A_587] {strides = array<i32>} : memref<1024xf32, #tpu.memory_space<vmem>>, vector<16xf32>,
        %add3A_589 = arith.constant 380 : i32
        %add3A_590 = vector.broadcast %add3A_589 : i32 to vector<16xi32>
        %add3A_591 = arith.addi %iota3A, %add3A_590 : vector<16xi32>
        tpu.vector_store_idx %arg4[%add3A_591], %get3A_588 : memref<1056xf32, #tpu.memory_space<vmem>>[vector<16xi32>], vector<16xf32>,
        %get3A_592 = arith.constant 384 : index
        %get3A_593 = tpu.vector_load %arg5[%get3A_592] {strides = array<i32>} : memref<1024xf32, #tpu.memory_space<vmem>>, vector<16xf32>,
        %add3A_594 = arith.constant 398 : i32
        %add3A_595 = vector.broadcast %add3A_594 : i32 to vector<16xi32>
        %add3A_596 = arith.addi %iota3A, %add3A_595 : vector<16xi32>
        tpu.vector_store_idx %arg4[%add3A_596], %get3A_593 : memref<1056xf32, #tpu.memory_space<vmem>>[vector<16xi32>], vector<16xf32>,
        %get3A_597 = arith.constant 400 : index
        %get3A_598 = tpu.vector_load %arg5[%get3A_597] {strides = array<i32>} : memref<1024xf32, #tpu.memory_space<vmem>>, vector<16xf32>,
        %add3A_599 = arith.constant 414 : i32
        %add3A_600 = vector.broadcast %add3A_599 : i32 to vector<16xi32>
        %add3A_601 = arith.addi %iota3A, %add3A_600 : vector<16xi32>
        tpu.vector_store_idx %arg4[%add3A_601], %get3A_598 : memref<1056xf32, #tpu.memory_space<vmem>>[vector<16xi32>], vector<16xf32>,
        %get3A_602 = arith.constant 416 : index
        %get3A_603 = tpu.vector_load %arg5[%get3A_602] {strides = array<i32>} : memref<1024xf32, #tpu.memory_space<vmem>>, vector<16xf32>,
        %add3A_604 = arith.constant 430 : i32
        %add3A_605 = vector.broadcast %add3A_604 : i32 to vector<16xi32>
        %add3A_606 = arith.addi %iota3A, %add3A_605 : vector<16xi32>
        tpu.vector_store_idx %arg4[%add3A_606], %get3A_603 : memref<1056xf32, #tpu.memory_space<vmem>>[vector<16xi32>], vector<16xf32>,
        %get3A_607 = arith.constant 432 : index
        %get3A_608 = tpu.vector_load %arg5[%get3A_607] {strides = array<i32>} : memref<1024xf32, #tpu.memory_space<vmem>>, vector<16xf32>,
        %add3A_609 = arith.constant 446 : i32
        %add3A_610 = vector.broadcast %add3A_609 : i32 to vector<16xi32>
        %add3A_611 = arith.addi %iota3A, %add3A_610 : vector<16xi32>
        tpu.vector_store_idx %arg4[%add3A_611], %get3A_608 : memref<1056xf32, #tpu.memory_space<vmem>>[vector<16xi32>], vector<16xf32>,
        %get3A_612 = arith.constant 448 : index
        %get3A_613 = tpu.vector_load %arg5[%get3A_612] {strides = array<i32>} : memref<1024xf32, #tpu.memory_space<vmem>>, vector<16xf32>,
        %add3A_614 = arith.constant 462 : i32
        %add3A_615 = vector.broadcast %add3A_614 : i32 to vector<16xi32>
        %add3A_616 = arith.addi %iota3A, %add3A_615 : vector<16xi32>
        tpu.vector_store_idx %arg4[%add3A_616], %get3A_613 : memref<1056xf32, #tpu.memory_space<vmem>>[vector<16xi32>], vector<16xf32>,
        %get3A_617 = arith.constant 464 : index
        %get3A_618 = tpu.vector_load %arg5[%get3A_617] {strides = array<i32>} : memref<1024xf32, #tpu.memory_space<vmem>>, vector<16xf32>,
        %add3A_619 = arith.constant 478 : i32
        %add3A_620 = vector.broadcast %add3A_619 : i32 to vector<16xi32>
        %add3A_621 = arith.addi %iota3A, %add3A_620 : vector<16xi32>
        tpu.vector_store_idx %arg4[%add3A_621], %get3A_618 : memref<1056xf32, #tpu.memory_space<vmem>>[vector<16xi32>], vector<16xf32>,
        %get3A_622 = arith.constant 480 : index
        %get3A_623 = tpu.vector_load %arg5[%get3A_622] {strides = array<i32>} : memref<1024xf32, #tpu.memory_space<vmem>>, vector<16xf32>,
        %add3A_624 = arith.constant 494 : i32
        %add3A_625 = vector.broadcast %add3A_624 : i32 to vector<16xi32>
        %add3A_626 = arith.addi %iota3A, %add3A_625 : vector<16xi32>
        tpu.vector_store_idx %arg4[%add3A_626], %get3A_623 : memref<1056xf32, #tpu.memory_space<vmem>>[vector<16xi32>], vector<16xf32>,
        %get3A_627 = arith.constant 496 : index
        %get3A_628 = tpu.vector_load %arg5[%get3A_627] {strides = array<i32>} : memref<1024xf32, #tpu.memory_space<vmem>>, vector<16xf32>,
        %add3A_629 = arith.constant 510 : i32
        %add3A_630 = vector.broadcast %add3A_629 : i32 to vector<16xi32>
        %add3A_631 = arith.addi %iota3A, %add3A_630 : vector<16xi32>
        tpu.vector_store_idx %arg4[%add3A_631], %get3A_628 : memref<1056xf32, #tpu.memory_space<vmem>>[vector<16xi32>], vector<16xf32>,
        %get3A_632 = arith.constant 512 : index
        %get3A_633 = tpu.vector_load %arg5[%get3A_632] {strides = array<i32>} : memref<1024xf32, #tpu.memory_space<vmem>>, vector<16xf32>,
        %add3A_634 = arith.constant 528 : i32
        %add3A_635 = vector.broadcast %add3A_634 : i32 to vector<16xi32>
        %add3A_636 = arith.addi %iota3A, %add3A_635 : vector<16xi32>
        tpu.vector_store_idx %arg4[%add3A_636], %get3A_633 : memref<1056xf32, #tpu.memory_space<vmem>>[vector<16xi32>], vector<16xf32>,
        %get3A_637 = arith.constant 528 : index
        %get3A_638 = tpu.vector_load %arg5[%get3A_637] {strides = array<i32>} : memref<1024xf32, #tpu.memory_space<vmem>>, vector<16xf32>,
        %add3A_639 = arith.constant 544 : i32
        %add3A_640 = vector.broadcast %add3A_639 : i32 to vector<16xi32>
        %add3A_641 = arith.addi %iota3A, %add3A_640 : vector<16xi32>
        tpu.vector_store_idx %arg4[%add3A_641], %get3A_638 : memref<1056xf32, #tpu.memory_space<vmem>>[vector<16xi32>], vector<16xf32>,
        %get3A_642 = arith.constant 544 : index
        %get3A_643 = tpu.vector_load %arg5[%get3A_642] {strides = array<i32>} : memref<1024xf32, #tpu.memory_space<vmem>>, vector<16xf32>,
        %add3A_644 = arith.constant 560 : i32
        %add3A_645 = vector.broadcast %add3A_644 : i32 to vector<16xi32>
        %add3A_646 = arith.addi %iota3A, %add3A_645 : vector<16xi32>
        tpu.vector_store_idx %arg4[%add3A_646], %get3A_643 : memref<1056xf32, #tpu.memory_space<vmem>>[vector<16xi32>], vector<16xf32>,
        %get3A_647 = arith.constant 560 : index
        %get3A_648 = tpu.vector_load %arg5[%get3A_647] {strides = array<i32>} : memref<1024xf32, #tpu.memory_space<vmem>>, vector<16xf32>,
        %add3A_649 = arith.constant 576 : i32
        %add3A_650 = vector.broadcast %add3A_649 : i32 to vector<16xi32>
        %add3A_651 = arith.addi %iota3A, %add3A_650 : vector<16xi32>
        tpu.vector_store_idx %arg4[%add3A_651], %get3A_648 : memref<1056xf32, #tpu.memory_space<vmem>>[vector<16xi32>], vector<16xf32>,
        %get3A_652 = arith.constant 576 : index
        %get3A_653 = tpu.vector_load %arg5[%get3A_652] {strides = array<i32>} : memref<1024xf32, #tpu.memory_space<vmem>>, vector<16xf32>,
        %add3A_654 = arith.constant 592 : i32
        %add3A_655 = vector.broadcast %add3A_654 : i32 to vector<16xi32>
        %add3A_656 = arith.addi %iota3A, %add3A_655 : vector<16xi32>
        tpu.vector_store_idx %arg4[%add3A_656], %get3A_653 : memref<1056xf32, #tpu.memory_space<vmem>>[vector<16xi32>], vector<16xf32>,
        %get3A_657 = arith.constant 592 : index
        %get3A_658 = tpu.vector_load %arg5[%get3A_657] {strides = array<i32>} : memref<1024xf32, #tpu.memory_space<vmem>>, vector<16xf32>,
        %add3A_659 = arith.constant 608 : i32
        %add3A_660 = vector.broadcast %add3A_659 : i32 to vector<16xi32>
        %add3A_661 = arith.addi %iota3A, %add3A_660 : vector<16xi32>
        tpu.vector_store_idx %arg4[%add3A_661], %get3A_658 : memref<1056xf32, #tpu.memory_space<vmem>>[vector<16xi32>], vector<16xf32>,
        %get3A_662 = arith.constant 608 : index
        %get3A_663 = tpu.vector_load %arg5[%get3A_662] {strides = array<i32>} : memref<1024xf32, #tpu.memory_space<vmem>>, vector<16xf32>,
        %add3A_664 = arith.constant 624 : i32
        %add3A_665 = vector.broadcast %add3A_664 : i32 to vector<16xi32>
        %add3A_666 = arith.addi %iota3A, %add3A_665 : vector<16xi32>
        tpu.vector_store_idx %arg4[%add3A_666], %get3A_663 : memref<1056xf32, #tpu.memory_space<vmem>>[vector<16xi32>], vector<16xf32>,
        %get3A_667 = arith.constant 624 : index
        %get3A_668 = tpu.vector_load %arg5[%get3A_667] {strides = array<i32>} : memref<1024xf32, #tpu.memory_space<vmem>>, vector<16xf32>,
        %add3A_669 = arith.constant 640 : i32
        %add3A_670 = vector.broadcast %add3A_669 : i32 to vector<16xi32>
        %add3A_671 = arith.addi %iota3A, %add3A_670 : vector<16xi32>
        tpu.vector_store_idx %arg4[%add3A_671], %get3A_668 : memref<1056xf32, #tpu.memory_space<vmem>>[vector<16xi32>], vector<16xf32>,
        %get3A_672 = arith.constant 640 : index
        %get3A_673 = tpu.vector_load %arg5[%get3A_672] {strides = array<i32>} : memref<1024xf32, #tpu.memory_space<vmem>>, vector<16xf32>,
        %add3A_674 = arith.constant 658 : i32
        %add3A_675 = vector.broadcast %add3A_674 : i32 to vector<16xi32>
        %add3A_676 = arith.addi %iota3A, %add3A_675 : vector<16xi32>
        tpu.vector_store_idx %arg4[%add3A_676], %get3A_673 : memref<1056xf32, #tpu.memory_space<vmem>>[vector<16xi32>], vector<16xf32>,
        %get3A_677 = arith.constant 656 : index
        %get3A_678 = tpu.vector_load %arg5[%get3A_677] {strides = array<i32>} : memref<1024xf32, #tpu.memory_space<vmem>>, vector<16xf32>,
        %add3A_679 = arith.constant 674 : i32
        %add3A_680 = vector.broadcast %add3A_679 : i32 to vector<16xi32>
        %add3A_681 = arith.addi %iota3A, %add3A_680 : vector<16xi32>
        tpu.vector_store_idx %arg4[%add3A_681], %get3A_678 : memref<1056xf32, #tpu.memory_space<vmem>>[vector<16xi32>], vector<16xf32>,
        %get3A_682 = arith.constant 672 : index
        %get3A_683 = tpu.vector_load %arg5[%get3A_682] {strides = array<i32>} : memref<1024xf32, #tpu.memory_space<vmem>>, vector<16xf32>,
        %add3A_684 = arith.constant 690 : i32
        %add3A_685 = vector.broadcast %add3A_684 : i32 to vector<16xi32>
        %add3A_686 = arith.addi %iota3A, %add3A_685 : vector<16xi32>
        tpu.vector_store_idx %arg4[%add3A_686], %get3A_683 : memref<1056xf32, #tpu.memory_space<vmem>>[vector<16xi32>], vector<16xf32>,
        %get3A_687 = arith.constant 688 : index
        %get3A_688 = tpu.vector_load %arg5[%get3A_687] {strides = array<i32>} : memref<1024xf32, #tpu.memory_space<vmem>>, vector<16xf32>,
        %add3A_689 = arith.constant 706 : i32
        %add3A_690 = vector.broadcast %add3A_689 : i32 to vector<16xi32>
        %add3A_691 = arith.addi %iota3A, %add3A_690 : vector<16xi32>
        tpu.vector_store_idx %arg4[%add3A_691], %get3A_688 : memref<1056xf32, #tpu.memory_space<vmem>>[vector<16xi32>], vector<16xf32>,
        %get3A_692 = arith.constant 704 : index
        %get3A_693 = tpu.vector_load %arg5[%get3A_692] {strides = array<i32>} : memref<1024xf32, #tpu.memory_space<vmem>>, vector<16xf32>,
        %add3A_694 = arith.constant 722 : i32
        %add3A_695 = vector.broadcast %add3A_694 : i32 to vector<16xi32>
        %add3A_696 = arith.addi %iota3A, %add3A_695 : vector<16xi32>
        tpu.vector_store_idx %arg4[%add3A_696], %get3A_693 : memref<1056xf32, #tpu.memory_space<vmem>>[vector<16xi32>], vector<16xf32>,
        %get3A_697 = arith.constant 720 : index
        %get3A_698 = tpu.vector_load %arg5[%get3A_697] {strides = array<i32>} : memref<1024xf32, #tpu.memory_space<vmem>>, vector<16xf32>,
        %add3A_699 = arith.constant 738 : i32
        %add3A_700 = vector.broadcast %add3A_699 : i32 to vector<16xi32>
        %add3A_701 = arith.addi %iota3A, %add3A_700 : vector<16xi32>
        tpu.vector_store_idx %arg4[%add3A_701], %get3A_698 : memref<1056xf32, #tpu.memory_space<vmem>>[vector<16xi32>], vector<16xf32>,
        %get3A_702 = arith.constant 736 : index
        %get3A_703 = tpu.vector_load %arg5[%get3A_702] {strides = array<i32>} : memref<1024xf32, #tpu.memory_space<vmem>>, vector<16xf32>,
        %add3A_704 = arith.constant 754 : i32
        %add3A_705 = vector.broadcast %add3A_704 : i32 to vector<16xi32>
        %add3A_706 = arith.addi %iota3A, %add3A_705 : vector<16xi32>
        tpu.vector_store_idx %arg4[%add3A_706], %get3A_703 : memref<1056xf32, #tpu.memory_space<vmem>>[vector<16xi32>], vector<16xf32>,
        %get3A_707 = arith.constant 752 : index
        %get3A_708 = tpu.vector_load %arg5[%get3A_707] {strides = array<i32>} : memref<1024xf32, #tpu.memory_space<vmem>>, vector<16xf32>,
        %add3A_709 = arith.constant 770 : i32
        %add3A_710 = vector.broadcast %add3A_709 : i32 to vector<16xi32>
        %add3A_711 = arith.addi %iota3A, %add3A_710 : vector<16xi32>
        tpu.vector_store_idx %arg4[%add3A_711], %get3A_708 : memref<1056xf32, #tpu.memory_space<vmem>>[vector<16xi32>], vector<16xf32>,
        %get3A_712 = arith.constant 768 : index
        %get3A_713 = tpu.vector_load %arg5[%get3A_712] {strides = array<i32>} : memref<1024xf32, #tpu.memory_space<vmem>>, vector<16xf32>,
        %add3A_714 = arith.constant 788 : i32
        %add3A_715 = vector.broadcast %add3A_714 : i32 to vector<16xi32>
        %add3A_716 = arith.addi %iota3A, %add3A_715 : vector<16xi32>
        tpu.vector_store_idx %arg4[%add3A_716], %get3A_713 : memref<1056xf32, #tpu.memory_space<vmem>>[vector<16xi32>], vector<16xf32>,
        %get3A_717 = arith.constant 784 : index
        %get3A_718 = tpu.vector_load %arg5[%get3A_717] {strides = array<i32>} : memref<1024xf32, #tpu.memory_space<vmem>>, vector<16xf32>,
        %add3A_719 = arith.constant 804 : i32
        %add3A_720 = vector.broadcast %add3A_719 : i32 to vector<16xi32>
        %add3A_721 = arith.addi %iota3A, %add3A_720 : vector<16xi32>
        tpu.vector_store_idx %arg4[%add3A_721], %get3A_718 : memref<1056xf32, #tpu.memory_space<vmem>>[vector<16xi32>], vector<16xf32>,
        %get3A_722 = arith.constant 800 : index
        %get3A_723 = tpu.vector_load %arg5[%get3A_722] {strides = array<i32>} : memref<1024xf32, #tpu.memory_space<vmem>>, vector<16xf32>,
        %add3A_724 = arith.constant 820 : i32
        %add3A_725 = vector.broadcast %add3A_724 : i32 to vector<16xi32>
        %add3A_726 = arith.addi %iota3A, %add3A_725 : vector<16xi32>
        tpu.vector_store_idx %arg4[%add3A_726], %get3A_723 : memref<1056xf32, #tpu.memory_space<vmem>>[vector<16xi32>], vector<16xf32>,
        %get3A_727 = arith.constant 816 : index
        %get3A_728 = tpu.vector_load %arg5[%get3A_727] {strides = array<i32>} : memref<1024xf32, #tpu.memory_space<vmem>>, vector<16xf32>,
        %add3A_729 = arith.constant 836 : i32
        %add3A_730 = vector.broadcast %add3A_729 : i32 to vector<16xi32>
        %add3A_731 = arith.addi %iota3A, %add3A_730 : vector<16xi32>
        tpu.vector_store_idx %arg4[%add3A_731], %get3A_728 : memref<1056xf32, #tpu.memory_space<vmem>>[vector<16xi32>], vector<16xf32>,
        %get3A_732 = arith.constant 832 : index
        %get3A_733 = tpu.vector_load %arg5[%get3A_732] {strides = array<i32>} : memref<1024xf32, #tpu.memory_space<vmem>>, vector<16xf32>,
        %add3A_734 = arith.constant 852 : i32
        %add3A_735 = vector.broadcast %add3A_734 : i32 to vector<16xi32>
        %add3A_736 = arith.addi %iota3A, %add3A_735 : vector<16xi32>
        tpu.vector_store_idx %arg4[%add3A_736], %get3A_733 : memref<1056xf32, #tpu.memory_space<vmem>>[vector<16xi32>], vector<16xf32>,
        %get3A_737 = arith.constant 848 : index
        %get3A_738 = tpu.vector_load %arg5[%get3A_737] {strides = array<i32>} : memref<1024xf32, #tpu.memory_space<vmem>>, vector<16xf32>,
        %add3A_739 = arith.constant 868 : i32
        %add3A_740 = vector.broadcast %add3A_739 : i32 to vector<16xi32>
        %add3A_741 = arith.addi %iota3A, %add3A_740 : vector<16xi32>
        tpu.vector_store_idx %arg4[%add3A_741], %get3A_738 : memref<1056xf32, #tpu.memory_space<vmem>>[vector<16xi32>], vector<16xf32>,
        %get3A_742 = arith.constant 864 : index
        %get3A_743 = tpu.vector_load %arg5[%get3A_742] {strides = array<i32>} : memref<1024xf32, #tpu.memory_space<vmem>>, vector<16xf32>,
        %add3A_744 = arith.constant 884 : i32
        %add3A_745 = vector.broadcast %add3A_744 : i32 to vector<16xi32>
        %add3A_746 = arith.addi %iota3A, %add3A_745 : vector<16xi32>
        tpu.vector_store_idx %arg4[%add3A_746], %get3A_743 : memref<1056xf32, #tpu.memory_space<vmem>>[vector<16xi32>], vector<16xf32>,
        %get3A_747 = arith.constant 880 : index
        %get3A_748 = tpu.vector_load %arg5[%get3A_747] {strides = array<i32>} : memref<1024xf32, #tpu.memory_space<vmem>>, vector<16xf32>,
        %add3A_749 = arith.constant 900 : i32
        %add3A_750 = vector.broadcast %add3A_749 : i32 to vector<16xi32>
        %add3A_751 = arith.addi %iota3A, %add3A_750 : vector<16xi32>
        tpu.vector_store_idx %arg4[%add3A_751], %get3A_748 : memref<1056xf32, #tpu.memory_space<vmem>>[vector<16xi32>], vector<16xf32>,
        %get3A_752 = arith.constant 896 : index
        %get3A_753 = tpu.vector_load %arg5[%get3A_752] {strides = array<i32>} : memref<1024xf32, #tpu.memory_space<vmem>>, vector<16xf32>,
        %add3A_754 = arith.constant 918 : i32
        %add3A_755 = vector.broadcast %add3A_754 : i32 to vector<16xi32>
        %add3A_756 = arith.addi %iota3A, %add3A_755 : vector<16xi32>
        tpu.vector_store_idx %arg4[%add3A_756], %get3A_753 : memref<1056xf32, #tpu.memory_space<vmem>>[vector<16xi32>], vector<16xf32>,
        %get3A_757 = arith.constant 912 : index
        %get3A_758 = tpu.vector_load %arg5[%get3A_757] {strides = array<i32>} : memref<1024xf32, #tpu.memory_space<vmem>>, vector<16xf32>,
        %add3A_759 = arith.constant 934 : i32
        %add3A_760 = vector.broadcast %add3A_759 : i32 to vector<16xi32>
        %add3A_761 = arith.addi %iota3A, %add3A_760 : vector<16xi32>
        tpu.vector_store_idx %arg4[%add3A_761], %get3A_758 : memref<1056xf32, #tpu.memory_space<vmem>>[vector<16xi32>], vector<16xf32>,
        %get3A_762 = arith.constant 928 : index
        %get3A_763 = tpu.vector_load %arg5[%get3A_762] {strides = array<i32>} : memref<1024xf32, #tpu.memory_space<vmem>>, vector<16xf32>,
        %add3A_764 = arith.constant 950 : i32
        %add3A_765 = vector.broadcast %add3A_764 : i32 to vector<16xi32>
        %add3A_766 = arith.addi %iota3A, %add3A_765 : vector<16xi32>
        tpu.vector_store_idx %arg4[%add3A_766], %get3A_763 : memref<1056xf32, #tpu.memory_space<vmem>>[vector<16xi32>], vector<16xf32>,
        %get3A_767 = arith.constant 944 : index
        %get3A_768 = tpu.vector_load %arg5[%get3A_767] {strides = array<i32>} : memref<1024xf32, #tpu.memory_space<vmem>>, vector<16xf32>,
        %add3A_769 = arith.constant 966 : i32
        %add3A_770 = vector.broadcast %add3A_769 : i32 to vector<16xi32>
        %add3A_771 = arith.addi %iota3A, %add3A_770 : vector<16xi32>
        tpu.vector_store_idx %arg4[%add3A_771], %get3A_768 : memref<1056xf32, #tpu.memory_space<vmem>>[vector<16xi32>], vector<16xf32>,
        %get3A_772 = arith.constant 960 : index
        %get3A_773 = tpu.vector_load %arg5[%get3A_772] {strides = array<i32>} : memref<1024xf32, #tpu.memory_space<vmem>>, vector<16xf32>,
        %add3A_774 = arith.constant 982 : i32
        %add3A_775 = vector.broadcast %add3A_774 : i32 to vector<16xi32>
        %add3A_776 = arith.addi %iota3A, %add3A_775 : vector<16xi32>
        tpu.vector_store_idx %arg4[%add3A_776], %get3A_773 : memref<1056xf32, #tpu.memory_space<vmem>>[vector<16xi32>], vector<16xf32>,
        %get3A_777 = arith.constant 976 : index
        %get3A_778 = tpu.vector_load %arg5[%get3A_777] {strides = array<i32>} : memref<1024xf32, #tpu.memory_space<vmem>>, vector<16xf32>,
        %add3A_779 = arith.constant 998 : i32
        %add3A_780 = vector.broadcast %add3A_779 : i32 to vector<16xi32>
        %add3A_781 = arith.addi %iota3A, %add3A_780 : vector<16xi32>
        tpu.vector_store_idx %arg4[%add3A_781], %get3A_778 : memref<1056xf32, #tpu.memory_space<vmem>>[vector<16xi32>], vector<16xf32>,
        %get3A_782 = arith.constant 992 : index
        %get3A_783 = tpu.vector_load %arg5[%get3A_782] {strides = array<i32>} : memref<1024xf32, #tpu.memory_space<vmem>>, vector<16xf32>,
        %add3A_784 = arith.constant 1014 : i32
        %add3A_785 = vector.broadcast %add3A_784 : i32 to vector<16xi32>
        %add3A_786 = arith.addi %iota3A, %add3A_785 : vector<16xi32>
        tpu.vector_store_idx %arg4[%add3A_786], %get3A_783 : memref<1056xf32, #tpu.memory_space<vmem>>[vector<16xi32>], vector<16xf32>,
        %get3A_787 = arith.constant 1008 : index
        %get3A_788 = tpu.vector_load %arg5[%get3A_787] {strides = array<i32>} : memref<1024xf32, #tpu.memory_space<vmem>>, vector<16xf32>,
        %add3A_789 = arith.constant 1030 : i32
        %add3A_790 = vector.broadcast %add3A_789 : i32 to vector<16xi32>
        %add3A_791 = arith.addi %iota3A, %add3A_790 : vector<16xi32>
        tpu.vector_store_idx %arg4[%add3A_791], %get3A_788 : memref<1056xf32, #tpu.memory_space<vmem>>[vector<16xi32>], vector<16xf32>,
      } else {
      }
      %jit3A_426 = arith.constant 2 : i32
      %eq3A_427 = arith.constant 0 : i32
      %eq3A_428 = arith.cmpi eq, %jit3A_426, %eq3A_427 : i32
      %jit3A_429 = arith.constant 1 : i32
      %select_n3A_430 = arith.select %eq3A_428, %jit3A_429, %jit3A_426 : i32
      %rem3A_431 = arith.remsi %scan3A_337, %select_n3A_430 : i32
      %ne3A_432 = arith.constant 0 : i32
      %ne3A_433 = arith.cmpi ne, %rem3A_431, %ne3A_432 : i32
      %lt3A_434 = arith.constant 0 : i32
      %lt3A_435 = arith.cmpi slt, %rem3A_431, %lt3A_434 : i32
      %lt3A_436 = arith.constant 0 : i32
      %lt3A_437 = arith.cmpi slt, %select_n3A_430, %lt3A_436 : i32
      %ne3A_438 = arith.xori %lt3A_435, %lt3A_437 : i1
      %and3A_439 = arith.andi %ne3A_438, %ne3A_433 : i1
      %add3A_440 = arith.addi %rem3A_431, %select_n3A_430 : i32
      %select_n3A_441 = arith.select %and3A_439, %add3A_440, %rem3A_431 : i32
      %eq3A_442 = arith.constant 0 : i32
      %eq3A_443 = arith.cmpi eq, %select_n3A_441, %eq3A_442 : i32
      %convert_element_type3A_444 = arith.extui %eq3A_443 : i1 to i32
      %cond3A_445 = arith.constant 0 : i32
      %cond3A_446 = arith.cmpi ne, %convert_element_type3A_444, %cond3A_445 : i32
      scf.if %cond3A_446 {
        %ge3A = arith.constant 2 : i32
        %ge3A_469 = arith.cmpi sge, %scan3A_337, %ge3A : i32
        %convert_element_type3A_470 = arith.extui %ge3A_469 : i1 to i32
        %cond3A_471 = arith.constant 0 : i32
        %cond3A_472 = arith.cmpi ne, %convert_element_type3A_470, %cond3A_471 : i32
        scf.if %cond3A_472 {
          %dma_wait3A_482 = arith.constant 0 : i32
          %dma_wait3A_483 = arith.constant 0 : i32
          %dma_wait3A_484 = arith.constant 0 : i32
          %dma_wait3A_485 = arith.constant 0 : i32
          %dma_wait3A_486 = tpu.memref_slice %arg3[%dma_wait3A_482, %dma_wait3A_483, %dma_wait3A_484, %dma_wait3A_485] : memref<16x8x512x384xf32, #tpu.memory_space<hbm>> -> memref<1x1x64x384xf32, #tpu.memory_space<hbm>>
          %dma_wait3A_487 = tpu.memref_squeeze %dma_wait3A_486 : memref<1x1x64x384xf32, #tpu.memory_space<hbm>> -> memref<64x384xf32, #tpu.memory_space<hbm>>
          %dma_wait3A_488 = arith.constant 0 : i32
          %dma_wait3A_489 = arith.constant 0 : i32
          %dma_wait3A_490 = tpu.memref_slice %arg3[%dma_wait3A_482, %dma_wait3A_483, %dma_wait3A_488, %dma_wait3A_489] : memref<16x8x512x384xf32, #tpu.memory_space<hbm>> -> memref<1x1x64x384xf32, #tpu.memory_space<hbm>>
          %dma_wait3A_491 = tpu.memref_squeeze %dma_wait3A_490 : memref<1x1x64x384xf32, #tpu.memory_space<hbm>> -> memref<64x384xf32, #tpu.memory_space<hbm>>
          tpu.wait_dma2 semaphore(%arg8 : memref<!tpu.dma_semaphore, #tpu.memory_space<semaphore_mem>>) src(%arg6 : memref<64x384xf32, #tpu.memory_space<vmem>>) dst(%dma_wait3A_491 : memref<64x384xf32, #tpu.memory_space<hbm>>)
        } else {
        }
        %parallel_loop3A = arith.constant 0 : i32
        %parallel_loop3A_473 = arith.constant 64 : i32
        %parallel_loop3A_474 = arith.constant 1 : i32
        scf.for %parallel_loop3A_482 = %parallel_loop3A to %parallel_loop3A_473 step %parallel_loop3A_474  : i32 {
          %parallel_loop3A_483 = arith.constant 64 : i32
          %parallel_loop3A_484 = arith.muli %select_n3A_354, %parallel_loop3A_483 : i32
          %parallel_loop3A_485 = arith.addi %parallel_loop3A_484, %parallel_loop3A_482 : i32
          %parallel_loop3A_486 = arith.constant 64 : i32
          %parallel_loop3A_487 = arith.divsi %parallel_loop3A_485, %parallel_loop3A_486 : i32
          %parallel_loop3A_488 = arith.constant 0 : i32
          %parallel_loop3A_489 = arith.cmpi sgt, %parallel_loop3A_485, %parallel_loop3A_488 : i32
          %parallel_loop3A_490 = arith.extui %parallel_loop3A_489 : i1 to i32
          %parallel_loop3A_491 = arith.constant 0 : i32
          %parallel_loop3A_492 = arith.cmpi slt, %parallel_loop3A_485, %parallel_loop3A_491 : i32
          %parallel_loop3A_493 = arith.extui %parallel_loop3A_492 : i1 to i32
          %parallel_loop3A_494 = arith.subi %parallel_loop3A_490, %parallel_loop3A_493 : i32
          %parallel_loop3A_495 = arith.constant 0 : i32
          %parallel_loop3A_496 = arith.cmpi sgt, %parallel_loop3A_486, %parallel_loop3A_495 : i32
          %parallel_loop3A_497 = arith.extui %parallel_loop3A_496 : i1 to i32
          %parallel_loop3A_498 = arith.constant 0 : i32
          %parallel_loop3A_499 = arith.cmpi slt, %parallel_loop3A_486, %parallel_loop3A_498 : i32
          %parallel_loop3A_500 = arith.extui %parallel_loop3A_499 : i1 to i32
          %parallel_loop3A_501 = arith.subi %parallel_loop3A_497, %parallel_loop3A_500 : i32
          %parallel_loop3A_502 = arith.cmpi ne, %parallel_loop3A_494, %parallel_loop3A_501 : i32
          %parallel_loop3A_503 = arith.remsi %parallel_loop3A_485, %parallel_loop3A_486 : i32
          %parallel_loop3A_504 = arith.constant 0 : i32
          %parallel_loop3A_505 = arith.cmpi ne, %parallel_loop3A_503, %parallel_loop3A_504 : i32
          %parallel_loop3A_506 = arith.andi %parallel_loop3A_502, %parallel_loop3A_505 : i1
          %parallel_loop3A_507 = arith.constant 1 : i32
          %parallel_loop3A_508 = arith.subi %parallel_loop3A_487, %parallel_loop3A_507 : i32
          %parallel_loop3A_509 = arith.select %parallel_loop3A_506, %parallel_loop3A_508, %parallel_loop3A_487 : i32
          %parallel_loop3A_510 = arith.constant 8 : i32
          %parallel_loop3A_511 = arith.divsi %parallel_loop3A_485, %parallel_loop3A_510 : i32
          %parallel_loop3A_512 = arith.constant 0 : i32
          %parallel_loop3A_513 = arith.cmpi sgt, %parallel_loop3A_485, %parallel_loop3A_512 : i32
          %parallel_loop3A_514 = arith.extui %parallel_loop3A_513 : i1 to i32
          %parallel_loop3A_515 = arith.constant 0 : i32
          %parallel_loop3A_516 = arith.cmpi slt, %parallel_loop3A_485, %parallel_loop3A_515 : i32
          %parallel_loop3A_517 = arith.extui %parallel_loop3A_516 : i1 to i32
          %parallel_loop3A_518 = arith.subi %parallel_loop3A_514, %parallel_loop3A_517 : i32
          %parallel_loop3A_519 = arith.constant 0 : i32
          %parallel_loop3A_520 = arith.cmpi sgt, %parallel_loop3A_510, %parallel_loop3A_519 : i32
          %parallel_loop3A_521 = arith.extui %parallel_loop3A_520 : i1 to i32
          %parallel_loop3A_522 = arith.constant 0 : i32
          %parallel_loop3A_523 = arith.cmpi slt, %parallel_loop3A_510, %parallel_loop3A_522 : i32
          %parallel_loop3A_524 = arith.extui %parallel_loop3A_523 : i1 to i32
          %parallel_loop3A_525 = arith.subi %parallel_loop3A_521, %parallel_loop3A_524 : i32
          %parallel_loop3A_526 = arith.cmpi ne, %parallel_loop3A_518, %parallel_loop3A_525 : i32
          %parallel_loop3A_527 = arith.remsi %parallel_loop3A_485, %parallel_loop3A_510 : i32
          %parallel_loop3A_528 = arith.constant 0 : i32
          %parallel_loop3A_529 = arith.cmpi ne, %parallel_loop3A_527, %parallel_loop3A_528 : i32
          %parallel_loop3A_530 = arith.andi %parallel_loop3A_526, %parallel_loop3A_529 : i1
          %parallel_loop3A_531 = arith.constant 1 : i32
          %parallel_loop3A_532 = arith.subi %parallel_loop3A_511, %parallel_loop3A_531 : i32
          %parallel_loop3A_533 = arith.select %parallel_loop3A_530, %parallel_loop3A_532, %parallel_loop3A_511 : i32
          %parallel_loop3A_534 = arith.constant 8 : i32
          %parallel_loop3A_535 = arith.constant 0 : i32
          %parallel_loop3A_536 = arith.cmpi eq, %parallel_loop3A_534, %parallel_loop3A_535 : i32
          %parallel_loop3A_537 = arith.constant 1 : i32
          %parallel_loop3A_538 = arith.select %parallel_loop3A_536, %parallel_loop3A_537, %parallel_loop3A_534 : i32
          %parallel_loop3A_539 = arith.remsi %parallel_loop3A_533, %parallel_loop3A_538 : i32
          %parallel_loop3A_540 = arith.constant 0 : i32
          %parallel_loop3A_541 = arith.cmpi ne, %parallel_loop3A_539, %parallel_loop3A_540 : i32
          %parallel_loop3A_542 = arith.constant 0 : i32
          %parallel_loop3A_543 = arith.cmpi slt, %parallel_loop3A_539, %parallel_loop3A_542 : i32
          %parallel_loop3A_544 = arith.constant 0 : i32
          %parallel_loop3A_545 = arith.cmpi slt, %parallel_loop3A_538, %parallel_loop3A_544 : i32
          %parallel_loop3A_546 = arith.xori %parallel_loop3A_543, %parallel_loop3A_545 : i1
          %parallel_loop3A_547 = arith.andi %parallel_loop3A_546, %parallel_loop3A_541 : i1
          %parallel_loop3A_548 = arith.addi %parallel_loop3A_539, %parallel_loop3A_538 : i32
          %parallel_loop3A_549 = arith.select %parallel_loop3A_547, %parallel_loop3A_548, %parallel_loop3A_539 : i32
          %parallel_loop3A_550 = arith.constant 8 : i32
          %parallel_loop3A_551 = arith.constant 0 : i32
          %parallel_loop3A_552 = arith.cmpi eq, %parallel_loop3A_550, %parallel_loop3A_551 : i32
          %parallel_loop3A_553 = arith.constant 1 : i32
          %parallel_loop3A_554 = arith.select %parallel_loop3A_552, %parallel_loop3A_553, %parallel_loop3A_550 : i32
          %parallel_loop3A_555 = arith.remsi %parallel_loop3A_485, %parallel_loop3A_554 : i32
          %parallel_loop3A_556 = arith.constant 0 : i32
          %parallel_loop3A_557 = arith.cmpi ne, %parallel_loop3A_555, %parallel_loop3A_556 : i32
          %parallel_loop3A_558 = arith.constant 0 : i32
          %parallel_loop3A_559 = arith.cmpi slt, %parallel_loop3A_555, %parallel_loop3A_558 : i32
          %parallel_loop3A_560 = arith.constant 0 : i32
          %parallel_loop3A_561 = arith.cmpi slt, %parallel_loop3A_554, %parallel_loop3A_560 : i32
          %parallel_loop3A_562 = arith.xori %parallel_loop3A_559, %parallel_loop3A_561 : i1
          %parallel_loop3A_563 = arith.andi %parallel_loop3A_562, %parallel_loop3A_557 : i1
          %parallel_loop3A_564 = arith.addi %parallel_loop3A_555, %parallel_loop3A_554 : i32
          %parallel_loop3A_565 = arith.select %parallel_loop3A_563, %parallel_loop3A_564, %parallel_loop3A_555 : i32
          %parallel_loop3A_566 = arith.constant 8 : i32
          %parallel_loop3A_567 = arith.muli %parallel_loop3A_509, %parallel_loop3A_566 : i32
          %parallel_loop3A_568 = arith.addi %parallel_loop3A_549, %parallel_loop3A_567 : i32
          %parallel_loop3A_569 = arith.constant 64 : i32
          %parallel_loop3A_570 = arith.muli %parallel_loop3A_565, %parallel_loop3A_569 : i32
          %parallel_loop3A_571 = arith.addi %parallel_loop3A_568, %parallel_loop3A_570 : i32
          %parallel_loop3A_572 = vector.broadcast %parallel_loop3A_571 : i32 to vector<16xi32>
          %parallel_loop3A_573 = arith.shrsi %parallel_loop3A_572, %mul3A_141 : vector<16xi32>
          %parallel_loop3A_574 = arith.constant 7 : i32
          %parallel_loop3A_575 = vector.broadcast %parallel_loop3A_574 : i32 to vector<16xi32>
          %parallel_loop3A_576 = arith.andi %parallel_loop3A_573, %parallel_loop3A_575 : vector<16xi32>
          %parallel_loop3A_577 = arith.constant 130 : i32
          %parallel_loop3A_578 = vector.broadcast %parallel_loop3A_577 : i32 to vector<16xi32>
          %parallel_loop3A_579 = arith.muli %parallel_loop3A_576, %parallel_loop3A_578 : vector<16xi32>
          %parallel_loop3A_580 = arith.addi %parallel_loop3A_579, %add3A_116 : vector<16xi32>
          %parallel_loop3A_581 = arith.constant 0 : i32
          %parallel_loop3A_582 = tpu.memref_slice %arg4[%parallel_loop3A_581] : memref<1056xf32, #tpu.memory_space<vmem>> -> memref<1056xf32, #tpu.memory_space<vmem>>
          %parallel_loop3A_583 = tpu.vector_load_idx %parallel_loop3A_582[%parallel_loop3A_580] : memref<1056xf32, #tpu.memory_space<vmem>>[vector<16xi32>], vector<16xf32>,
          %parallel_loop3A_584 = arith.index_cast %parallel_loop3A_482 : i32 to index
          %parallel_loop3A_585 = arith.constant 0 : index
          %parallel_loop3A_586 = tpu.vector_load %arg6[%parallel_loop3A_584, %parallel_loop3A_585] {strides = array<i32>} : memref<64x384xf32, #tpu.memory_space<vmem>>, vector<16xf32>,
          tpu.vector_store %arg6[%parallel_loop3A_584, %parallel_loop3A_585], %parallel_loop3A_583 {strides = array<i32>} : memref<64x384xf32, #tpu.memory_space<vmem>>, vector<16xf32>,
          %parallel_loop3A_587 = arith.constant 16 : i32
          %parallel_loop3A_588 = tpu.memref_slice %arg4[%parallel_loop3A_587] : memref<1056xf32, #tpu.memory_space<vmem>> -> memref<1040xf32, #tpu.memory_space<vmem>>
          %parallel_loop3A_589 = tpu.vector_load_idx %parallel_loop3A_588[%parallel_loop3A_580] : memref<1040xf32, #tpu.memory_space<vmem>>[vector<16xi32>], vector<16xf32>,
          %parallel_loop3A_590 = arith.index_cast %parallel_loop3A_482 : i32 to index
          %parallel_loop3A_591 = arith.constant 48 : index
          %parallel_loop3A_592 = tpu.vector_load %arg6[%parallel_loop3A_590, %parallel_loop3A_591] {strides = array<i32>} : memref<64x384xf32, #tpu.memory_space<vmem>>, vector<16xf32>,
          tpu.vector_store %arg6[%parallel_loop3A_590, %parallel_loop3A_591], %parallel_loop3A_589 {strides = array<i32>} : memref<64x384xf32, #tpu.memory_space<vmem>>, vector<16xf32>,
          %parallel_loop3A_593 = arith.constant 32 : i32
          %parallel_loop3A_594 = tpu.memref_slice %arg4[%parallel_loop3A_593] : memref<1056xf32, #tpu.memory_space<vmem>> -> memref<1024xf32, #tpu.memory_space<vmem>>
          %parallel_loop3A_595 = tpu.vector_load_idx %parallel_loop3A_594[%parallel_loop3A_580] : memref<1024xf32, #tpu.memory_space<vmem>>[vector<16xi32>], vector<16xf32>,
          %parallel_loop3A_596 = arith.index_cast %parallel_loop3A_482 : i32 to index
          %parallel_loop3A_597 = arith.constant 96 : index
          %parallel_loop3A_598 = tpu.vector_load %arg6[%parallel_loop3A_596, %parallel_loop3A_597] {strides = array<i32>} : memref<64x384xf32, #tpu.memory_space<vmem>>, vector<16xf32>,
          tpu.vector_store %arg6[%parallel_loop3A_596, %parallel_loop3A_597], %parallel_loop3A_595 {strides = array<i32>} : memref<64x384xf32, #tpu.memory_space<vmem>>, vector<16xf32>,
          %parallel_loop3A_599 = arith.constant 48 : i32
          %parallel_loop3A_600 = tpu.memref_slice %arg4[%parallel_loop3A_599] : memref<1056xf32, #tpu.memory_space<vmem>> -> memref<1008xf32, #tpu.memory_space<vmem>>
          %parallel_loop3A_601 = tpu.vector_load_idx %parallel_loop3A_600[%parallel_loop3A_580] : memref<1008xf32, #tpu.memory_space<vmem>>[vector<16xi32>], vector<16xf32>,
          %parallel_loop3A_602 = arith.index_cast %parallel_loop3A_482 : i32 to index
          %parallel_loop3A_603 = arith.constant 144 : index
          %parallel_loop3A_604 = tpu.vector_load %arg6[%parallel_loop3A_602, %parallel_loop3A_603] {strides = array<i32>} : memref<64x384xf32, #tpu.memory_space<vmem>>, vector<16xf32>,
          tpu.vector_store %arg6[%parallel_loop3A_602, %parallel_loop3A_603], %parallel_loop3A_601 {strides = array<i32>} : memref<64x384xf32, #tpu.memory_space<vmem>>, vector<16xf32>,
          %parallel_loop3A_605 = arith.constant 64 : i32
          %parallel_loop3A_606 = tpu.memref_slice %arg4[%parallel_loop3A_605] : memref<1056xf32, #tpu.memory_space<vmem>> -> memref<992xf32, #tpu.memory_space<vmem>>
          %parallel_loop3A_607 = tpu.vector_load_idx %parallel_loop3A_606[%parallel_loop3A_580] : memref<992xf32, #tpu.memory_space<vmem>>[vector<16xi32>], vector<16xf32>,
          %parallel_loop3A_608 = arith.index_cast %parallel_loop3A_482 : i32 to index
          %parallel_loop3A_609 = arith.constant 192 : index
          %parallel_loop3A_610 = tpu.vector_load %arg6[%parallel_loop3A_608, %parallel_loop3A_609] {strides = array<i32>} : memref<64x384xf32, #tpu.memory_space<vmem>>, vector<16xf32>,
          tpu.vector_store %arg6[%parallel_loop3A_608, %parallel_loop3A_609], %parallel_loop3A_607 {strides = array<i32>} : memref<64x384xf32, #tpu.memory_space<vmem>>, vector<16xf32>,
          %parallel_loop3A_611 = arith.constant 80 : i32
          %parallel_loop3A_612 = tpu.memref_slice %arg4[%parallel_loop3A_611] : memref<1056xf32, #tpu.memory_space<vmem>> -> memref<976xf32, #tpu.memory_space<vmem>>
          %parallel_loop3A_613 = tpu.vector_load_idx %parallel_loop3A_612[%parallel_loop3A_580] : memref<976xf32, #tpu.memory_space<vmem>>[vector<16xi32>], vector<16xf32>,
          %parallel_loop3A_614 = arith.index_cast %parallel_loop3A_482 : i32 to index
          %parallel_loop3A_615 = arith.constant 240 : index
          %parallel_loop3A_616 = tpu.vector_load %arg6[%parallel_loop3A_614, %parallel_loop3A_615] {strides = array<i32>} : memref<64x384xf32, #tpu.memory_space<vmem>>, vector<16xf32>,
          tpu.vector_store %arg6[%parallel_loop3A_614, %parallel_loop3A_615], %parallel_loop3A_613 {strides = array<i32>} : memref<64x384xf32, #tpu.memory_space<vmem>>, vector<16xf32>,
          %parallel_loop3A_617 = arith.constant 96 : i32
          %parallel_loop3A_618 = tpu.memref_slice %arg4[%parallel_loop3A_617] : memref<1056xf32, #tpu.memory_space<vmem>> -> memref<960xf32, #tpu.memory_space<vmem>>
          %parallel_loop3A_619 = tpu.vector_load_idx %parallel_loop3A_618[%parallel_loop3A_580] : memref<960xf32, #tpu.memory_space<vmem>>[vector<16xi32>], vector<16xf32>,
          %parallel_loop3A_620 = arith.index_cast %parallel_loop3A_482 : i32 to index
          %parallel_loop3A_621 = arith.constant 288 : index
          %parallel_loop3A_622 = tpu.vector_load %arg6[%parallel_loop3A_620, %parallel_loop3A_621] {strides = array<i32>} : memref<64x384xf32, #tpu.memory_space<vmem>>, vector<16xf32>,
          tpu.vector_store %arg6[%parallel_loop3A_620, %parallel_loop3A_621], %parallel_loop3A_619 {strides = array<i32>} : memref<64x384xf32, #tpu.memory_space<vmem>>, vector<16xf32>,
          %parallel_loop3A_623 = arith.constant 112 : i32
          %parallel_loop3A_624 = tpu.memref_slice %arg4[%parallel_loop3A_623] : memref<1056xf32, #tpu.memory_space<vmem>> -> memref<944xf32, #tpu.memory_space<vmem>>
          %parallel_loop3A_625 = tpu.vector_load_idx %parallel_loop3A_624[%parallel_loop3A_580] : memref<944xf32, #tpu.memory_space<vmem>>[vector<16xi32>], vector<16xf32>,
          %parallel_loop3A_626 = arith.index_cast %parallel_loop3A_482 : i32 to index
          %parallel_loop3A_627 = arith.constant 336 : index
          %parallel_loop3A_628 = tpu.vector_load %arg6[%parallel_loop3A_626, %parallel_loop3A_627] {strides = array<i32>} : memref<64x384xf32, #tpu.memory_space<vmem>>, vector<16xf32>,
          tpu.vector_store %arg6[%parallel_loop3A_626, %parallel_loop3A_627], %parallel_loop3A_625 {strides = array<i32>} : memref<64x384xf32, #tpu.memory_space<vmem>>, vector<16xf32>,
          %parallel_loop3A_629 = vector.broadcast %parallel_loop3A_571 : i32 to vector<16xi32>
          %parallel_loop3A_630 = arith.shrsi %parallel_loop3A_629, %mul3A_226 : vector<16xi32>
          %parallel_loop3A_631 = arith.constant 7 : i32
          %parallel_loop3A_632 = vector.broadcast %parallel_loop3A_631 : i32 to vector<16xi32>
          %parallel_loop3A_633 = arith.andi %parallel_loop3A_630, %parallel_loop3A_632 : vector<16xi32>
          %parallel_loop3A_634 = arith.constant 130 : i32
          %parallel_loop3A_635 = vector.broadcast %parallel_loop3A_634 : i32 to vector<16xi32>
          %parallel_loop3A_636 = arith.muli %parallel_loop3A_633, %parallel_loop3A_635 : vector<16xi32>
          %parallel_loop3A_637 = arith.addi %parallel_loop3A_636, %add3A_201 : vector<16xi32>
          %parallel_loop3A_638 = arith.constant 0 : i32
          %parallel_loop3A_639 = tpu.memref_slice %arg4[%parallel_loop3A_638] : memref<1056xf32, #tpu.memory_space<vmem>> -> memref<1056xf32, #tpu.memory_space<vmem>>
          %parallel_loop3A_640 = tpu.vector_load_idx %parallel_loop3A_639[%parallel_loop3A_637] : memref<1056xf32, #tpu.memory_space<vmem>>[vector<16xi32>], vector<16xf32>,
          %parallel_loop3A_641 = arith.index_cast %parallel_loop3A_482 : i32 to index
          %parallel_loop3A_642 = arith.constant 16 : index
          %parallel_loop3A_643 = tpu.vector_load %arg6[%parallel_loop3A_641, %parallel_loop3A_642] {strides = array<i32>} : memref<64x384xf32, #tpu.memory_space<vmem>>, vector<16xf32>,
          tpu.vector_store %arg6[%parallel_loop3A_641, %parallel_loop3A_642], %parallel_loop3A_640 {strides = array<i32>} : memref<64x384xf32, #tpu.memory_space<vmem>>, vector<16xf32>,
          %parallel_loop3A_644 = arith.constant 16 : i32
          %parallel_loop3A_645 = tpu.memref_slice %arg4[%parallel_loop3A_644] : memref<1056xf32, #tpu.memory_space<vmem>> -> memref<1040xf32, #tpu.memory_space<vmem>>
          %parallel_loop3A_646 = tpu.vector_load_idx %parallel_loop3A_645[%parallel_loop3A_637] : memref<1040xf32, #tpu.memory_space<vmem>>[vector<16xi32>], vector<16xf32>,
          %parallel_loop3A_647 = arith.index_cast %parallel_loop3A_482 : i32 to index
          %parallel_loop3A_648 = arith.constant 64 : index
          %parallel_loop3A_649 = tpu.vector_load %arg6[%parallel_loop3A_647, %parallel_loop3A_648] {strides = array<i32>} : memref<64x384xf32, #tpu.memory_space<vmem>>, vector<16xf32>,
          tpu.vector_store %arg6[%parallel_loop3A_647, %parallel_loop3A_648], %parallel_loop3A_646 {strides = array<i32>} : memref<64x384xf32, #tpu.memory_space<vmem>>, vector<16xf32>,
          %parallel_loop3A_650 = arith.constant 32 : i32
          %parallel_loop3A_651 = tpu.memref_slice %arg4[%parallel_loop3A_650] : memref<1056xf32, #tpu.memory_space<vmem>> -> memref<1024xf32, #tpu.memory_space<vmem>>
          %parallel_loop3A_652 = tpu.vector_load_idx %parallel_loop3A_651[%parallel_loop3A_637] : memref<1024xf32, #tpu.memory_space<vmem>>[vector<16xi32>], vector<16xf32>,
          %parallel_loop3A_653 = arith.index_cast %parallel_loop3A_482 : i32 to index
          %parallel_loop3A_654 = arith.constant 112 : index
          %parallel_loop3A_655 = tpu.vector_load %arg6[%parallel_loop3A_653, %parallel_loop3A_654] {strides = array<i32>} : memref<64x384xf32, #tpu.memory_space<vmem>>, vector<16xf32>,
          tpu.vector_store %arg6[%parallel_loop3A_653, %parallel_loop3A_654], %parallel_loop3A_652 {strides = array<i32>} : memref<64x384xf32, #tpu.memory_space<vmem>>, vector<16xf32>,
          %parallel_loop3A_656 = arith.constant 48 : i32
          %parallel_loop3A_657 = tpu.memref_slice %arg4[%parallel_loop3A_656] : memref<1056xf32, #tpu.memory_space<vmem>> -> memref<1008xf32, #tpu.memory_space<vmem>>
          %parallel_loop3A_658 = tpu.vector_load_idx %parallel_loop3A_657[%parallel_loop3A_637] : memref<1008xf32, #tpu.memory_space<vmem>>[vector<16xi32>], vector<16xf32>,
          %parallel_loop3A_659 = arith.index_cast %parallel_loop3A_482 : i32 to index
          %parallel_loop3A_660 = arith.constant 160 : index
          %parallel_loop3A_661 = tpu.vector_load %arg6[%parallel_loop3A_659, %parallel_loop3A_660] {strides = array<i32>} : memref<64x384xf32, #tpu.memory_space<vmem>>, vector<16xf32>,
          tpu.vector_store %arg6[%parallel_loop3A_659, %parallel_loop3A_660], %parallel_loop3A_658 {strides = array<i32>} : memref<64x384xf32, #tpu.memory_space<vmem>>, vector<16xf32>,
          %parallel_loop3A_662 = arith.constant 64 : i32
          %parallel_loop3A_663 = tpu.memref_slice %arg4[%parallel_loop3A_662] : memref<1056xf32, #tpu.memory_space<vmem>> -> memref<992xf32, #tpu.memory_space<vmem>>
          %parallel_loop3A_664 = tpu.vector_load_idx %parallel_loop3A_663[%parallel_loop3A_637] : memref<992xf32, #tpu.memory_space<vmem>>[vector<16xi32>], vector<16xf32>,
          %parallel_loop3A_665 = arith.index_cast %parallel_loop3A_482 : i32 to index
          %parallel_loop3A_666 = arith.constant 208 : index
          %parallel_loop3A_667 = tpu.vector_load %arg6[%parallel_loop3A_665, %parallel_loop3A_666] {strides = array<i32>} : memref<64x384xf32, #tpu.memory_space<vmem>>, vector<16xf32>,
          tpu.vector_store %arg6[%parallel_loop3A_665, %parallel_loop3A_666], %parallel_loop3A_664 {strides = array<i32>} : memref<64x384xf32, #tpu.memory_space<vmem>>, vector<16xf32>,
          %parallel_loop3A_668 = arith.constant 80 : i32
          %parallel_loop3A_669 = tpu.memref_slice %arg4[%parallel_loop3A_668] : memref<1056xf32, #tpu.memory_space<vmem>> -> memref<976xf32, #tpu.memory_space<vmem>>
          %parallel_loop3A_670 = tpu.vector_load_idx %parallel_loop3A_669[%parallel_loop3A_637] : memref<976xf32, #tpu.memory_space<vmem>>[vector<16xi32>], vector<16xf32>,
          %parallel_loop3A_671 = arith.index_cast %parallel_loop3A_482 : i32 to index
          %parallel_loop3A_672 = arith.constant 256 : index
          %parallel_loop3A_673 = tpu.vector_load %arg6[%parallel_loop3A_671, %parallel_loop3A_672] {strides = array<i32>} : memref<64x384xf32, #tpu.memory_space<vmem>>, vector<16xf32>,
          tpu.vector_store %arg6[%parallel_loop3A_671, %parallel_loop3A_672], %parallel_loop3A_670 {strides = array<i32>} : memref<64x384xf32, #tpu.memory_space<vmem>>, vector<16xf32>,
          %parallel_loop3A_674 = arith.constant 96 : i32
          %parallel_loop3A_675 = tpu.memref_slice %arg4[%parallel_loop3A_674] : memref<1056xf32, #tpu.memory_space<vmem>> -> memref<960xf32, #tpu.memory_space<vmem>>
          %parallel_loop3A_676 = tpu.vector_load_idx %parallel_loop3A_675[%parallel_loop3A_637] : memref<960xf32, #tpu.memory_space<vmem>>[vector<16xi32>], vector<16xf32>,
          %parallel_loop3A_677 = arith.index_cast %parallel_loop3A_482 : i32 to index
          %parallel_loop3A_678 = arith.constant 304 : index
          %parallel_loop3A_679 = tpu.vector_load %arg6[%parallel_loop3A_677, %parallel_loop3A_678] {strides = array<i32>} : memref<64x384xf32, #tpu.memory_space<vmem>>, vector<16xf32>,
          tpu.vector_store %arg6[%parallel_loop3A_677, %parallel_loop3A_678], %parallel_loop3A_676 {strides = array<i32>} : memref<64x384xf32, #tpu.memory_space<vmem>>, vector<16xf32>,
          %parallel_loop3A_680 = arith.constant 112 : i32
          %parallel_loop3A_681 = tpu.memref_slice %arg4[%parallel_loop3A_680] : memref<1056xf32, #tpu.memory_space<vmem>> -> memref<944xf32, #tpu.memory_space<vmem>>
          %parallel_loop3A_682 = tpu.vector_load_idx %parallel_loop3A_681[%parallel_loop3A_637] : memref<944xf32, #tpu.memory_space<vmem>>[vector<16xi32>], vector<16xf32>,
          %parallel_loop3A_683 = arith.index_cast %parallel_loop3A_482 : i32 to index
          %parallel_loop3A_684 = arith.constant 352 : index
          %parallel_loop3A_685 = tpu.vector_load %arg6[%parallel_loop3A_683, %parallel_loop3A_684] {strides = array<i32>} : memref<64x384xf32, #tpu.memory_space<vmem>>, vector<16xf32>,
          tpu.vector_store %arg6[%parallel_loop3A_683, %parallel_loop3A_684], %parallel_loop3A_682 {strides = array<i32>} : memref<64x384xf32, #tpu.memory_space<vmem>>, vector<16xf32>,
          %parallel_loop3A_686 = vector.broadcast %parallel_loop3A_571 : i32 to vector<16xi32>
          %parallel_loop3A_687 = arith.shrsi %parallel_loop3A_686, %mul3A_311 : vector<16xi32>
          %parallel_loop3A_688 = arith.constant 7 : i32
          %parallel_loop3A_689 = vector.broadcast %parallel_loop3A_688 : i32 to vector<16xi32>
          %parallel_loop3A_690 = arith.andi %parallel_loop3A_687, %parallel_loop3A_689 : vector<16xi32>
          %parallel_loop3A_691 = arith.constant 130 : i32
          %parallel_loop3A_692 = vector.broadcast %parallel_loop3A_691 : i32 to vector<16xi32>
          %parallel_loop3A_693 = arith.muli %parallel_loop3A_690, %parallel_loop3A_692 : vector<16xi32>
          %parallel_loop3A_694 = arith.addi %parallel_loop3A_693, %add3A_286 : vector<16xi32>
          %parallel_loop3A_695 = arith.constant 0 : i32
          %parallel_loop3A_696 = tpu.memref_slice %arg4[%parallel_loop3A_695] : memref<1056xf32, #tpu.memory_space<vmem>> -> memref<1056xf32, #tpu.memory_space<vmem>>
          %parallel_loop3A_697 = tpu.vector_load_idx %parallel_loop3A_696[%parallel_loop3A_694] : memref<1056xf32, #tpu.memory_space<vmem>>[vector<16xi32>], vector<16xf32>,
          %parallel_loop3A_698 = arith.index_cast %parallel_loop3A_482 : i32 to index
          %parallel_loop3A_699 = arith.constant 32 : index
          %parallel_loop3A_700 = tpu.vector_load %arg6[%parallel_loop3A_698, %parallel_loop3A_699] {strides = array<i32>} : memref<64x384xf32, #tpu.memory_space<vmem>>, vector<16xf32>,
          tpu.vector_store %arg6[%parallel_loop3A_698, %parallel_loop3A_699], %parallel_loop3A_697 {strides = array<i32>} : memref<64x384xf32, #tpu.memory_space<vmem>>, vector<16xf32>,
          %parallel_loop3A_701 = arith.constant 16 : i32
          %parallel_loop3A_702 = tpu.memref_slice %arg4[%parallel_loop3A_701] : memref<1056xf32, #tpu.memory_space<vmem>> -> memref<1040xf32, #tpu.memory_space<vmem>>
          %parallel_loop3A_703 = tpu.vector_load_idx %parallel_loop3A_702[%parallel_loop3A_694] : memref<1040xf32, #tpu.memory_space<vmem>>[vector<16xi32>], vector<16xf32>,
          %parallel_loop3A_704 = arith.index_cast %parallel_loop3A_482 : i32 to index
          %parallel_loop3A_705 = arith.constant 80 : index
          %parallel_loop3A_706 = tpu.vector_load %arg6[%parallel_loop3A_704, %parallel_loop3A_705] {strides = array<i32>} : memref<64x384xf32, #tpu.memory_space<vmem>>, vector<16xf32>,
          tpu.vector_store %arg6[%parallel_loop3A_704, %parallel_loop3A_705], %parallel_loop3A_703 {strides = array<i32>} : memref<64x384xf32, #tpu.memory_space<vmem>>, vector<16xf32>,
          %parallel_loop3A_707 = arith.constant 32 : i32
          %parallel_loop3A_708 = tpu.memref_slice %arg4[%parallel_loop3A_707] : memref<1056xf32, #tpu.memory_space<vmem>> -> memref<1024xf32, #tpu.memory_space<vmem>>
          %parallel_loop3A_709 = tpu.vector_load_idx %parallel_loop3A_708[%parallel_loop3A_694] : memref<1024xf32, #tpu.memory_space<vmem>>[vector<16xi32>], vector<16xf32>,
          %parallel_loop3A_710 = arith.index_cast %parallel_loop3A_482 : i32 to index
          %parallel_loop3A_711 = arith.constant 128 : index
          %parallel_loop3A_712 = tpu.vector_load %arg6[%parallel_loop3A_710, %parallel_loop3A_711] {strides = array<i32>} : memref<64x384xf32, #tpu.memory_space<vmem>>, vector<16xf32>,
          tpu.vector_store %arg6[%parallel_loop3A_710, %parallel_loop3A_711], %parallel_loop3A_709 {strides = array<i32>} : memref<64x384xf32, #tpu.memory_space<vmem>>, vector<16xf32>,
          %parallel_loop3A_713 = arith.constant 48 : i32
          %parallel_loop3A_714 = tpu.memref_slice %arg4[%parallel_loop3A_713] : memref<1056xf32, #tpu.memory_space<vmem>> -> memref<1008xf32, #tpu.memory_space<vmem>>
          %parallel_loop3A_715 = tpu.vector_load_idx %parallel_loop3A_714[%parallel_loop3A_694] : memref<1008xf32, #tpu.memory_space<vmem>>[vector<16xi32>], vector<16xf32>,
          %parallel_loop3A_716 = arith.index_cast %parallel_loop3A_482 : i32 to index
          %parallel_loop3A_717 = arith.constant 176 : index
          %parallel_loop3A_718 = tpu.vector_load %arg6[%parallel_loop3A_716, %parallel_loop3A_717] {strides = array<i32>} : memref<64x384xf32, #tpu.memory_space<vmem>>, vector<16xf32>,
          tpu.vector_store %arg6[%parallel_loop3A_716, %parallel_loop3A_717], %parallel_loop3A_715 {strides = array<i32>} : memref<64x384xf32, #tpu.memory_space<vmem>>, vector<16xf32>,
          %parallel_loop3A_719 = arith.constant 64 : i32
          %parallel_loop3A_720 = tpu.memref_slice %arg4[%parallel_loop3A_719] : memref<1056xf32, #tpu.memory_space<vmem>> -> memref<992xf32, #tpu.memory_space<vmem>>
          %parallel_loop3A_721 = tpu.vector_load_idx %parallel_loop3A_720[%parallel_loop3A_694] : memref<992xf32, #tpu.memory_space<vmem>>[vector<16xi32>], vector<16xf32>,
          %parallel_loop3A_722 = arith.index_cast %parallel_loop3A_482 : i32 to index
          %parallel_loop3A_723 = arith.constant 224 : index
          %parallel_loop3A_724 = tpu.vector_load %arg6[%parallel_loop3A_722, %parallel_loop3A_723] {strides = array<i32>} : memref<64x384xf32, #tpu.memory_space<vmem>>, vector<16xf32>,
          tpu.vector_store %arg6[%parallel_loop3A_722, %parallel_loop3A_723], %parallel_loop3A_721 {strides = array<i32>} : memref<64x384xf32, #tpu.memory_space<vmem>>, vector<16xf32>,
          %parallel_loop3A_725 = arith.constant 80 : i32
          %parallel_loop3A_726 = tpu.memref_slice %arg4[%parallel_loop3A_725] : memref<1056xf32, #tpu.memory_space<vmem>> -> memref<976xf32, #tpu.memory_space<vmem>>
          %parallel_loop3A_727 = tpu.vector_load_idx %parallel_loop3A_726[%parallel_loop3A_694] : memref<976xf32, #tpu.memory_space<vmem>>[vector<16xi32>], vector<16xf32>,
          %parallel_loop3A_728 = arith.index_cast %parallel_loop3A_482 : i32 to index
          %parallel_loop3A_729 = arith.constant 272 : index
          %parallel_loop3A_730 = tpu.vector_load %arg6[%parallel_loop3A_728, %parallel_loop3A_729] {strides = array<i32>} : memref<64x384xf32, #tpu.memory_space<vmem>>, vector<16xf32>,
          tpu.vector_store %arg6[%parallel_loop3A_728, %parallel_loop3A_729], %parallel_loop3A_727 {strides = array<i32>} : memref<64x384xf32, #tpu.memory_space<vmem>>, vector<16xf32>,
          %parallel_loop3A_731 = arith.constant 96 : i32
          %parallel_loop3A_732 = tpu.memref_slice %arg4[%parallel_loop3A_731] : memref<1056xf32, #tpu.memory_space<vmem>> -> memref<960xf32, #tpu.memory_space<vmem>>
          %parallel_loop3A_733 = tpu.vector_load_idx %parallel_loop3A_732[%parallel_loop3A_694] : memref<960xf32, #tpu.memory_space<vmem>>[vector<16xi32>], vector<16xf32>,
          %parallel_loop3A_734 = arith.index_cast %parallel_loop3A_482 : i32 to index
          %parallel_loop3A_735 = arith.constant 320 : index
          %parallel_loop3A_736 = tpu.vector_load %arg6[%parallel_loop3A_734, %parallel_loop3A_735] {strides = array<i32>} : memref<64x384xf32, #tpu.memory_space<vmem>>, vector<16xf32>,
          tpu.vector_store %arg6[%parallel_loop3A_734, %parallel_loop3A_735], %parallel_loop3A_733 {strides = array<i32>} : memref<64x384xf32, #tpu.memory_space<vmem>>, vector<16xf32>,
          %parallel_loop3A_737 = arith.constant 112 : i32
          %parallel_loop3A_738 = tpu.memref_slice %arg4[%parallel_loop3A_737] : memref<1056xf32, #tpu.memory_space<vmem>> -> memref<944xf32, #tpu.memory_space<vmem>>
          %parallel_loop3A_739 = tpu.vector_load_idx %parallel_loop3A_738[%parallel_loop3A_694] : memref<944xf32, #tpu.memory_space<vmem>>[vector<16xi32>], vector<16xf32>,
          %parallel_loop3A_740 = arith.index_cast %parallel_loop3A_482 : i32 to index
          %parallel_loop3A_741 = arith.constant 368 : index
          %parallel_loop3A_742 = tpu.vector_load %arg6[%parallel_loop3A_740, %parallel_loop3A_741] {strides = array<i32>} : memref<64x384xf32, #tpu.memory_space<vmem>>, vector<16xf32>,
          tpu.vector_store %arg6[%parallel_loop3A_740, %parallel_loop3A_741], %parallel_loop3A_739 {strides = array<i32>} : memref<64x384xf32, #tpu.memory_space<vmem>>, vector<16xf32>,
        } {sc.loop_unroll_factor = 8 : i64, sc.parallel_access}
        %mul3A_475 = arith.constant 64 : i32
        %mul3A_476 = arith.muli %select_n3A_354, %mul3A_475 : i32
        %dma_start3A = arith.constant 0 : i32
        %dma_start3A_477 = tpu.memref_slice %arg3[%select_n3A_405, %select_n3A_421, %mul3A_476, %dma_start3A] : memref<16x8x512x384xf32, #tpu.memory_space<hbm>> -> memref<1x1x64x384xf32, #tpu.memory_space<hbm>>
        %dma_start3A_478 = tpu.memref_squeeze %dma_start3A_477 : memref<1x1x64x384xf32, #tpu.memory_space<hbm>> -> memref<64x384xf32, #tpu.memory_space<hbm>>
        %dma_start3A_479 = arith.constant 0 : i32
        %dma_start3A_480 = tpu.memref_slice %arg3[%select_n3A_405, %select_n3A_421, %mul3A_476, %dma_start3A_479] : memref<16x8x512x384xf32, #tpu.memory_space<hbm>> -> memref<1x1x64x384xf32, #tpu.memory_space<hbm>>
        %dma_start3A_481 = tpu.memref_squeeze %dma_start3A_480 : memref<1x1x64x384xf32, #tpu.memory_space<hbm>> -> memref<64x384xf32, #tpu.memory_space<hbm>>
        tpu.enqueue_dma source(%arg6 : memref<64x384xf32, #tpu.memory_space<vmem>>) target(%dma_start3A_481 : memref<64x384xf32, #tpu.memory_space<hbm>>) target_semaphore(%arg8 : memref<!tpu.dma_semaphore, #tpu.memory_space<semaphore_mem>>)
      } else {
      }
      %jit3A_447 = arith.constant 2 : i32
      %eq3A_448 = arith.constant 0 : i32
      %eq3A_449 = arith.cmpi eq, %jit3A_447, %eq3A_448 : i32
      %jit3A_450 = arith.constant 1 : i32
      %select_n3A_451 = arith.select %eq3A_449, %jit3A_450, %jit3A_447 : i32
      %rem3A_452 = arith.remsi %scan3A_337, %select_n3A_451 : i32
      %ne3A_453 = arith.constant 0 : i32
      %ne3A_454 = arith.cmpi ne, %rem3A_452, %ne3A_453 : i32
      %lt3A_455 = arith.constant 0 : i32
      %lt3A_456 = arith.cmpi slt, %rem3A_452, %lt3A_455 : i32
      %lt3A_457 = arith.constant 0 : i32
      %lt3A_458 = arith.cmpi slt, %select_n3A_451, %lt3A_457 : i32
      %ne3A_459 = arith.xori %lt3A_456, %lt3A_458 : i1
      %and3A_460 = arith.andi %ne3A_459, %ne3A_454 : i1
      %add3A_461 = arith.addi %rem3A_452, %select_n3A_451 : i32
      %select_n3A_462 = arith.select %and3A_460, %add3A_461, %rem3A_452 : i32
      %eq3A_463 = arith.constant 1 : i32
      %eq3A_464 = arith.cmpi eq, %select_n3A_462, %eq3A_463 : i32
      %convert_element_type3A_465 = arith.extui %eq3A_464 : i1 to i32
      %cond3A_466 = arith.constant 0 : i32
      %cond3A_467 = arith.cmpi ne, %convert_element_type3A_465, %cond3A_466 : i32
      scf.if %cond3A_467 {
        %ge3A = arith.constant 2 : i32
        %ge3A_469 = arith.cmpi sge, %scan3A_337, %ge3A : i32
        %convert_element_type3A_470 = arith.extui %ge3A_469 : i1 to i32
        %cond3A_471 = arith.constant 0 : i32
        %cond3A_472 = arith.cmpi ne, %convert_element_type3A_470, %cond3A_471 : i32
        scf.if %cond3A_472 {
          %dma_wait3A_482 = arith.constant 0 : i32
          %dma_wait3A_483 = arith.constant 0 : i32
          %dma_wait3A_484 = arith.constant 0 : i32
          %dma_wait3A_485 = arith.constant 0 : i32
          %dma_wait3A_486 = tpu.memref_slice %arg3[%dma_wait3A_482, %dma_wait3A_483, %dma_wait3A_484, %dma_wait3A_485] : memref<16x8x512x384xf32, #tpu.memory_space<hbm>> -> memref<1x1x64x384xf32, #tpu.memory_space<hbm>>
          %dma_wait3A_487 = tpu.memref_squeeze %dma_wait3A_486 : memref<1x1x64x384xf32, #tpu.memory_space<hbm>> -> memref<64x384xf32, #tpu.memory_space<hbm>>
          %dma_wait3A_488 = arith.constant 0 : i32
          %dma_wait3A_489 = arith.constant 0 : i32
          %dma_wait3A_490 = tpu.memref_slice %arg3[%dma_wait3A_482, %dma_wait3A_483, %dma_wait3A_488, %dma_wait3A_489] : memref<16x8x512x384xf32, #tpu.memory_space<hbm>> -> memref<1x1x64x384xf32, #tpu.memory_space<hbm>>
          %dma_wait3A_491 = tpu.memref_squeeze %dma_wait3A_490 : memref<1x1x64x384xf32, #tpu.memory_space<hbm>> -> memref<64x384xf32, #tpu.memory_space<hbm>>
          tpu.wait_dma2 semaphore(%arg9 : memref<!tpu.dma_semaphore, #tpu.memory_space<semaphore_mem>>) src(%arg7 : memref<64x384xf32, #tpu.memory_space<vmem>>) dst(%dma_wait3A_491 : memref<64x384xf32, #tpu.memory_space<hbm>>)
        } else {
        }
        %parallel_loop3A = arith.constant 0 : i32
        %parallel_loop3A_473 = arith.constant 64 : i32
        %parallel_loop3A_474 = arith.constant 1 : i32
        scf.for %parallel_loop3A_482 = %parallel_loop3A to %parallel_loop3A_473 step %parallel_loop3A_474  : i32 {
          %parallel_loop3A_483 = arith.constant 64 : i32
          %parallel_loop3A_484 = arith.muli %select_n3A_354, %parallel_loop3A_483 : i32
          %parallel_loop3A_485 = arith.addi %parallel_loop3A_484, %parallel_loop3A_482 : i32
          %parallel_loop3A_486 = arith.constant 64 : i32
          %parallel_loop3A_487 = arith.divsi %parallel_loop3A_485, %parallel_loop3A_486 : i32
          %parallel_loop3A_488 = arith.constant 0 : i32
          %parallel_loop3A_489 = arith.cmpi sgt, %parallel_loop3A_485, %parallel_loop3A_488 : i32
          %parallel_loop3A_490 = arith.extui %parallel_loop3A_489 : i1 to i32
          %parallel_loop3A_491 = arith.constant 0 : i32
          %parallel_loop3A_492 = arith.cmpi slt, %parallel_loop3A_485, %parallel_loop3A_491 : i32
          %parallel_loop3A_493 = arith.extui %parallel_loop3A_492 : i1 to i32
          %parallel_loop3A_494 = arith.subi %parallel_loop3A_490, %parallel_loop3A_493 : i32
          %parallel_loop3A_495 = arith.constant 0 : i32
          %parallel_loop3A_496 = arith.cmpi sgt, %parallel_loop3A_486, %parallel_loop3A_495 : i32
          %parallel_loop3A_497 = arith.extui %parallel_loop3A_496 : i1 to i32
          %parallel_loop3A_498 = arith.constant 0 : i32
          %parallel_loop3A_499 = arith.cmpi slt, %parallel_loop3A_486, %parallel_loop3A_498 : i32
          %parallel_loop3A_500 = arith.extui %parallel_loop3A_499 : i1 to i32
          %parallel_loop3A_501 = arith.subi %parallel_loop3A_497, %parallel_loop3A_500 : i32
          %parallel_loop3A_502 = arith.cmpi ne, %parallel_loop3A_494, %parallel_loop3A_501 : i32
          %parallel_loop3A_503 = arith.remsi %parallel_loop3A_485, %parallel_loop3A_486 : i32
          %parallel_loop3A_504 = arith.constant 0 : i32
          %parallel_loop3A_505 = arith.cmpi ne, %parallel_loop3A_503, %parallel_loop3A_504 : i32
          %parallel_loop3A_506 = arith.andi %parallel_loop3A_502, %parallel_loop3A_505 : i1
          %parallel_loop3A_507 = arith.constant 1 : i32
          %parallel_loop3A_508 = arith.subi %parallel_loop3A_487, %parallel_loop3A_507 : i32
          %parallel_loop3A_509 = arith.select %parallel_loop3A_506, %parallel_loop3A_508, %parallel_loop3A_487 : i32
          %parallel_loop3A_510 = arith.constant 8 : i32
          %parallel_loop3A_511 = arith.divsi %parallel_loop3A_485, %parallel_loop3A_510 : i32
          %parallel_loop3A_512 = arith.constant 0 : i32
          %parallel_loop3A_513 = arith.cmpi sgt, %parallel_loop3A_485, %parallel_loop3A_512 : i32
          %parallel_loop3A_514 = arith.extui %parallel_loop3A_513 : i1 to i32
          %parallel_loop3A_515 = arith.constant 0 : i32
          %parallel_loop3A_516 = arith.cmpi slt, %parallel_loop3A_485, %parallel_loop3A_515 : i32
          %parallel_loop3A_517 = arith.extui %parallel_loop3A_516 : i1 to i32
          %parallel_loop3A_518 = arith.subi %parallel_loop3A_514, %parallel_loop3A_517 : i32
          %parallel_loop3A_519 = arith.constant 0 : i32
          %parallel_loop3A_520 = arith.cmpi sgt, %parallel_loop3A_510, %parallel_loop3A_519 : i32
          %parallel_loop3A_521 = arith.extui %parallel_loop3A_520 : i1 to i32
          %parallel_loop3A_522 = arith.constant 0 : i32
          %parallel_loop3A_523 = arith.cmpi slt, %parallel_loop3A_510, %parallel_loop3A_522 : i32
          %parallel_loop3A_524 = arith.extui %parallel_loop3A_523 : i1 to i32
          %parallel_loop3A_525 = arith.subi %parallel_loop3A_521, %parallel_loop3A_524 : i32
          %parallel_loop3A_526 = arith.cmpi ne, %parallel_loop3A_518, %parallel_loop3A_525 : i32
          %parallel_loop3A_527 = arith.remsi %parallel_loop3A_485, %parallel_loop3A_510 : i32
          %parallel_loop3A_528 = arith.constant 0 : i32
          %parallel_loop3A_529 = arith.cmpi ne, %parallel_loop3A_527, %parallel_loop3A_528 : i32
          %parallel_loop3A_530 = arith.andi %parallel_loop3A_526, %parallel_loop3A_529 : i1
          %parallel_loop3A_531 = arith.constant 1 : i32
          %parallel_loop3A_532 = arith.subi %parallel_loop3A_511, %parallel_loop3A_531 : i32
          %parallel_loop3A_533 = arith.select %parallel_loop3A_530, %parallel_loop3A_532, %parallel_loop3A_511 : i32
          %parallel_loop3A_534 = arith.constant 8 : i32
          %parallel_loop3A_535 = arith.constant 0 : i32
          %parallel_loop3A_536 = arith.cmpi eq, %parallel_loop3A_534, %parallel_loop3A_535 : i32
          %parallel_loop3A_537 = arith.constant 1 : i32
          %parallel_loop3A_538 = arith.select %parallel_loop3A_536, %parallel_loop3A_537, %parallel_loop3A_534 : i32
          %parallel_loop3A_539 = arith.remsi %parallel_loop3A_533, %parallel_loop3A_538 : i32
          %parallel_loop3A_540 = arith.constant 0 : i32
          %parallel_loop3A_541 = arith.cmpi ne, %parallel_loop3A_539, %parallel_loop3A_540 : i32
          %parallel_loop3A_542 = arith.constant 0 : i32
          %parallel_loop3A_543 = arith.cmpi slt, %parallel_loop3A_539, %parallel_loop3A_542 : i32
          %parallel_loop3A_544 = arith.constant 0 : i32
          %parallel_loop3A_545 = arith.cmpi slt, %parallel_loop3A_538, %parallel_loop3A_544 : i32
          %parallel_loop3A_546 = arith.xori %parallel_loop3A_543, %parallel_loop3A_545 : i1
          %parallel_loop3A_547 = arith.andi %parallel_loop3A_546, %parallel_loop3A_541 : i1
          %parallel_loop3A_548 = arith.addi %parallel_loop3A_539, %parallel_loop3A_538 : i32
          %parallel_loop3A_549 = arith.select %parallel_loop3A_547, %parallel_loop3A_548, %parallel_loop3A_539 : i32
          %parallel_loop3A_550 = arith.constant 8 : i32
          %parallel_loop3A_551 = arith.constant 0 : i32
          %parallel_loop3A_552 = arith.cmpi eq, %parallel_loop3A_550, %parallel_loop3A_551 : i32
          %parallel_loop3A_553 = arith.constant 1 : i32
          %parallel_loop3A_554 = arith.select %parallel_loop3A_552, %parallel_loop3A_553, %parallel_loop3A_550 : i32
          %parallel_loop3A_555 = arith.remsi %parallel_loop3A_485, %parallel_loop3A_554 : i32
          %parallel_loop3A_556 = arith.constant 0 : i32
          %parallel_loop3A_557 = arith.cmpi ne, %parallel_loop3A_555, %parallel_loop3A_556 : i32
          %parallel_loop3A_558 = arith.constant 0 : i32
          %parallel_loop3A_559 = arith.cmpi slt, %parallel_loop3A_555, %parallel_loop3A_558 : i32
          %parallel_loop3A_560 = arith.constant 0 : i32
          %parallel_loop3A_561 = arith.cmpi slt, %parallel_loop3A_554, %parallel_loop3A_560 : i32
          %parallel_loop3A_562 = arith.xori %parallel_loop3A_559, %parallel_loop3A_561 : i1
          %parallel_loop3A_563 = arith.andi %parallel_loop3A_562, %parallel_loop3A_557 : i1
          %parallel_loop3A_564 = arith.addi %parallel_loop3A_555, %parallel_loop3A_554 : i32
          %parallel_loop3A_565 = arith.select %parallel_loop3A_563, %parallel_loop3A_564, %parallel_loop3A_555 : i32
          %parallel_loop3A_566 = arith.constant 8 : i32
          %parallel_loop3A_567 = arith.muli %parallel_loop3A_509, %parallel_loop3A_566 : i32
          %parallel_loop3A_568 = arith.addi %parallel_loop3A_549, %parallel_loop3A_567 : i32
          %parallel_loop3A_569 = arith.constant 64 : i32
          %parallel_loop3A_570 = arith.muli %parallel_loop3A_565, %parallel_loop3A_569 : i32
          %parallel_loop3A_571 = arith.addi %parallel_loop3A_568, %parallel_loop3A_570 : i32
          %parallel_loop3A_572 = vector.broadcast %parallel_loop3A_571 : i32 to vector<16xi32>
          %parallel_loop3A_573 = arith.shrsi %parallel_loop3A_572, %mul3A_141 : vector<16xi32>
          %parallel_loop3A_574 = arith.constant 7 : i32
          %parallel_loop3A_575 = vector.broadcast %parallel_loop3A_574 : i32 to vector<16xi32>
          %parallel_loop3A_576 = arith.andi %parallel_loop3A_573, %parallel_loop3A_575 : vector<16xi32>
          %parallel_loop3A_577 = arith.constant 130 : i32
          %parallel_loop3A_578 = vector.broadcast %parallel_loop3A_577 : i32 to vector<16xi32>
          %parallel_loop3A_579 = arith.muli %parallel_loop3A_576, %parallel_loop3A_578 : vector<16xi32>
          %parallel_loop3A_580 = arith.addi %parallel_loop3A_579, %add3A_116 : vector<16xi32>
          %parallel_loop3A_581 = arith.constant 0 : i32
          %parallel_loop3A_582 = tpu.memref_slice %arg4[%parallel_loop3A_581] : memref<1056xf32, #tpu.memory_space<vmem>> -> memref<1056xf32, #tpu.memory_space<vmem>>
          %parallel_loop3A_583 = tpu.vector_load_idx %parallel_loop3A_582[%parallel_loop3A_580] : memref<1056xf32, #tpu.memory_space<vmem>>[vector<16xi32>], vector<16xf32>,
          %parallel_loop3A_584 = arith.index_cast %parallel_loop3A_482 : i32 to index
          %parallel_loop3A_585 = arith.constant 0 : index
          %parallel_loop3A_586 = tpu.vector_load %arg7[%parallel_loop3A_584, %parallel_loop3A_585] {strides = array<i32>} : memref<64x384xf32, #tpu.memory_space<vmem>>, vector<16xf32>,
          tpu.vector_store %arg7[%parallel_loop3A_584, %parallel_loop3A_585], %parallel_loop3A_583 {strides = array<i32>} : memref<64x384xf32, #tpu.memory_space<vmem>>, vector<16xf32>,
          %parallel_loop3A_587 = arith.constant 16 : i32
          %parallel_loop3A_588 = tpu.memref_slice %arg4[%parallel_loop3A_587] : memref<1056xf32, #tpu.memory_space<vmem>> -> memref<1040xf32, #tpu.memory_space<vmem>>
          %parallel_loop3A_589 = tpu.vector_load_idx %parallel_loop3A_588[%parallel_loop3A_580] : memref<1040xf32, #tpu.memory_space<vmem>>[vector<16xi32>], vector<16xf32>,
          %parallel_loop3A_590 = arith.index_cast %parallel_loop3A_482 : i32 to index
          %parallel_loop3A_591 = arith.constant 48 : index
          %parallel_loop3A_592 = tpu.vector_load %arg7[%parallel_loop3A_590, %parallel_loop3A_591] {strides = array<i32>} : memref<64x384xf32, #tpu.memory_space<vmem>>, vector<16xf32>,
          tpu.vector_store %arg7[%parallel_loop3A_590, %parallel_loop3A_591], %parallel_loop3A_589 {strides = array<i32>} : memref<64x384xf32, #tpu.memory_space<vmem>>, vector<16xf32>,
          %parallel_loop3A_593 = arith.constant 32 : i32
          %parallel_loop3A_594 = tpu.memref_slice %arg4[%parallel_loop3A_593] : memref<1056xf32, #tpu.memory_space<vmem>> -> memref<1024xf32, #tpu.memory_space<vmem>>
          %parallel_loop3A_595 = tpu.vector_load_idx %parallel_loop3A_594[%parallel_loop3A_580] : memref<1024xf32, #tpu.memory_space<vmem>>[vector<16xi32>], vector<16xf32>,
          %parallel_loop3A_596 = arith.index_cast %parallel_loop3A_482 : i32 to index
          %parallel_loop3A_597 = arith.constant 96 : index
          %parallel_loop3A_598 = tpu.vector_load %arg7[%parallel_loop3A_596, %parallel_loop3A_597] {strides = array<i32>} : memref<64x384xf32, #tpu.memory_space<vmem>>, vector<16xf32>,
          tpu.vector_store %arg7[%parallel_loop3A_596, %parallel_loop3A_597], %parallel_loop3A_595 {strides = array<i32>} : memref<64x384xf32, #tpu.memory_space<vmem>>, vector<16xf32>,
          %parallel_loop3A_599 = arith.constant 48 : i32
          %parallel_loop3A_600 = tpu.memref_slice %arg4[%parallel_loop3A_599] : memref<1056xf32, #tpu.memory_space<vmem>> -> memref<1008xf32, #tpu.memory_space<vmem>>
          %parallel_loop3A_601 = tpu.vector_load_idx %parallel_loop3A_600[%parallel_loop3A_580] : memref<1008xf32, #tpu.memory_space<vmem>>[vector<16xi32>], vector<16xf32>,
          %parallel_loop3A_602 = arith.index_cast %parallel_loop3A_482 : i32 to index
          %parallel_loop3A_603 = arith.constant 144 : index
          %parallel_loop3A_604 = tpu.vector_load %arg7[%parallel_loop3A_602, %parallel_loop3A_603] {strides = array<i32>} : memref<64x384xf32, #tpu.memory_space<vmem>>, vector<16xf32>,
          tpu.vector_store %arg7[%parallel_loop3A_602, %parallel_loop3A_603], %parallel_loop3A_601 {strides = array<i32>} : memref<64x384xf32, #tpu.memory_space<vmem>>, vector<16xf32>,
          %parallel_loop3A_605 = arith.constant 64 : i32
          %parallel_loop3A_606 = tpu.memref_slice %arg4[%parallel_loop3A_605] : memref<1056xf32, #tpu.memory_space<vmem>> -> memref<992xf32, #tpu.memory_space<vmem>>
          %parallel_loop3A_607 = tpu.vector_load_idx %parallel_loop3A_606[%parallel_loop3A_580] : memref<992xf32, #tpu.memory_space<vmem>>[vector<16xi32>], vector<16xf32>,
          %parallel_loop3A_608 = arith.index_cast %parallel_loop3A_482 : i32 to index
          %parallel_loop3A_609 = arith.constant 192 : index
          %parallel_loop3A_610 = tpu.vector_load %arg7[%parallel_loop3A_608, %parallel_loop3A_609] {strides = array<i32>} : memref<64x384xf32, #tpu.memory_space<vmem>>, vector<16xf32>,
          tpu.vector_store %arg7[%parallel_loop3A_608, %parallel_loop3A_609], %parallel_loop3A_607 {strides = array<i32>} : memref<64x384xf32, #tpu.memory_space<vmem>>, vector<16xf32>,
          %parallel_loop3A_611 = arith.constant 80 : i32
          %parallel_loop3A_612 = tpu.memref_slice %arg4[%parallel_loop3A_611] : memref<1056xf32, #tpu.memory_space<vmem>> -> memref<976xf32, #tpu.memory_space<vmem>>
          %parallel_loop3A_613 = tpu.vector_load_idx %parallel_loop3A_612[%parallel_loop3A_580] : memref<976xf32, #tpu.memory_space<vmem>>[vector<16xi32>], vector<16xf32>,
          %parallel_loop3A_614 = arith.index_cast %parallel_loop3A_482 : i32 to index
          %parallel_loop3A_615 = arith.constant 240 : index
          %parallel_loop3A_616 = tpu.vector_load %arg7[%parallel_loop3A_614, %parallel_loop3A_615] {strides = array<i32>} : memref<64x384xf32, #tpu.memory_space<vmem>>, vector<16xf32>,
          tpu.vector_store %arg7[%parallel_loop3A_614, %parallel_loop3A_615], %parallel_loop3A_613 {strides = array<i32>} : memref<64x384xf32, #tpu.memory_space<vmem>>, vector<16xf32>,
          %parallel_loop3A_617 = arith.constant 96 : i32
          %parallel_loop3A_618 = tpu.memref_slice %arg4[%parallel_loop3A_617] : memref<1056xf32, #tpu.memory_space<vmem>> -> memref<960xf32, #tpu.memory_space<vmem>>
          %parallel_loop3A_619 = tpu.vector_load_idx %parallel_loop3A_618[%parallel_loop3A_580] : memref<960xf32, #tpu.memory_space<vmem>>[vector<16xi32>], vector<16xf32>,
          %parallel_loop3A_620 = arith.index_cast %parallel_loop3A_482 : i32 to index
          %parallel_loop3A_621 = arith.constant 288 : index
          %parallel_loop3A_622 = tpu.vector_load %arg7[%parallel_loop3A_620, %parallel_loop3A_621] {strides = array<i32>} : memref<64x384xf32, #tpu.memory_space<vmem>>, vector<16xf32>,
          tpu.vector_store %arg7[%parallel_loop3A_620, %parallel_loop3A_621], %parallel_loop3A_619 {strides = array<i32>} : memref<64x384xf32, #tpu.memory_space<vmem>>, vector<16xf32>,
          %parallel_loop3A_623 = arith.constant 112 : i32
          %parallel_loop3A_624 = tpu.memref_slice %arg4[%parallel_loop3A_623] : memref<1056xf32, #tpu.memory_space<vmem>> -> memref<944xf32, #tpu.memory_space<vmem>>
          %parallel_loop3A_625 = tpu.vector_load_idx %parallel_loop3A_624[%parallel_loop3A_580] : memref<944xf32, #tpu.memory_space<vmem>>[vector<16xi32>], vector<16xf32>,
          %parallel_loop3A_626 = arith.index_cast %parallel_loop3A_482 : i32 to index
          %parallel_loop3A_627 = arith.constant 336 : index
          %parallel_loop3A_628 = tpu.vector_load %arg7[%parallel_loop3A_626, %parallel_loop3A_627] {strides = array<i32>} : memref<64x384xf32, #tpu.memory_space<vmem>>, vector<16xf32>,
          tpu.vector_store %arg7[%parallel_loop3A_626, %parallel_loop3A_627], %parallel_loop3A_625 {strides = array<i32>} : memref<64x384xf32, #tpu.memory_space<vmem>>, vector<16xf32>,
          %parallel_loop3A_629 = vector.broadcast %parallel_loop3A_571 : i32 to vector<16xi32>
          %parallel_loop3A_630 = arith.shrsi %parallel_loop3A_629, %mul3A_226 : vector<16xi32>
          %parallel_loop3A_631 = arith.constant 7 : i32
          %parallel_loop3A_632 = vector.broadcast %parallel_loop3A_631 : i32 to vector<16xi32>
          %parallel_loop3A_633 = arith.andi %parallel_loop3A_630, %parallel_loop3A_632 : vector<16xi32>
          %parallel_loop3A_634 = arith.constant 130 : i32
          %parallel_loop3A_635 = vector.broadcast %parallel_loop3A_634 : i32 to vector<16xi32>
          %parallel_loop3A_636 = arith.muli %parallel_loop3A_633, %parallel_loop3A_635 : vector<16xi32>
          %parallel_loop3A_637 = arith.addi %parallel_loop3A_636, %add3A_201 : vector<16xi32>
          %parallel_loop3A_638 = arith.constant 0 : i32
          %parallel_loop3A_639 = tpu.memref_slice %arg4[%parallel_loop3A_638] : memref<1056xf32, #tpu.memory_space<vmem>> -> memref<1056xf32, #tpu.memory_space<vmem>>
          %parallel_loop3A_640 = tpu.vector_load_idx %parallel_loop3A_639[%parallel_loop3A_637] : memref<1056xf32, #tpu.memory_space<vmem>>[vector<16xi32>], vector<16xf32>,
          %parallel_loop3A_641 = arith.index_cast %parallel_loop3A_482 : i32 to index
          %parallel_loop3A_642 = arith.constant 16 : index
          %parallel_loop3A_643 = tpu.vector_load %arg7[%parallel_loop3A_641, %parallel_loop3A_642] {strides = array<i32>} : memref<64x384xf32, #tpu.memory_space<vmem>>, vector<16xf32>,
          tpu.vector_store %arg7[%parallel_loop3A_641, %parallel_loop3A_642], %parallel_loop3A_640 {strides = array<i32>} : memref<64x384xf32, #tpu.memory_space<vmem>>, vector<16xf32>,
          %parallel_loop3A_644 = arith.constant 16 : i32
          %parallel_loop3A_645 = tpu.memref_slice %arg4[%parallel_loop3A_644] : memref<1056xf32, #tpu.memory_space<vmem>> -> memref<1040xf32, #tpu.memory_space<vmem>>
          %parallel_loop3A_646 = tpu.vector_load_idx %parallel_loop3A_645[%parallel_loop3A_637] : memref<1040xf32, #tpu.memory_space<vmem>>[vector<16xi32>], vector<16xf32>,
          %parallel_loop3A_647 = arith.index_cast %parallel_loop3A_482 : i32 to index
          %parallel_loop3A_648 = arith.constant 64 : index
          %parallel_loop3A_649 = tpu.vector_load %arg7[%parallel_loop3A_647, %parallel_loop3A_648] {strides = array<i32>} : memref<64x384xf32, #tpu.memory_space<vmem>>, vector<16xf32>,
          tpu.vector_store %arg7[%parallel_loop3A_647, %parallel_loop3A_648], %parallel_loop3A_646 {strides = array<i32>} : memref<64x384xf32, #tpu.memory_space<vmem>>, vector<16xf32>,
          %parallel_loop3A_650 = arith.constant 32 : i32
          %parallel_loop3A_651 = tpu.memref_slice %arg4[%parallel_loop3A_650] : memref<1056xf32, #tpu.memory_space<vmem>> -> memref<1024xf32, #tpu.memory_space<vmem>>
          %parallel_loop3A_652 = tpu.vector_load_idx %parallel_loop3A_651[%parallel_loop3A_637] : memref<1024xf32, #tpu.memory_space<vmem>>[vector<16xi32>], vector<16xf32>,
          %parallel_loop3A_653 = arith.index_cast %parallel_loop3A_482 : i32 to index
          %parallel_loop3A_654 = arith.constant 112 : index
          %parallel_loop3A_655 = tpu.vector_load %arg7[%parallel_loop3A_653, %parallel_loop3A_654] {strides = array<i32>} : memref<64x384xf32, #tpu.memory_space<vmem>>, vector<16xf32>,
          tpu.vector_store %arg7[%parallel_loop3A_653, %parallel_loop3A_654], %parallel_loop3A_652 {strides = array<i32>} : memref<64x384xf32, #tpu.memory_space<vmem>>, vector<16xf32>,
          %parallel_loop3A_656 = arith.constant 48 : i32
          %parallel_loop3A_657 = tpu.memref_slice %arg4[%parallel_loop3A_656] : memref<1056xf32, #tpu.memory_space<vmem>> -> memref<1008xf32, #tpu.memory_space<vmem>>
          %parallel_loop3A_658 = tpu.vector_load_idx %parallel_loop3A_657[%parallel_loop3A_637] : memref<1008xf32, #tpu.memory_space<vmem>>[vector<16xi32>], vector<16xf32>,
          %parallel_loop3A_659 = arith.index_cast %parallel_loop3A_482 : i32 to index
          %parallel_loop3A_660 = arith.constant 160 : index
          %parallel_loop3A_661 = tpu.vector_load %arg7[%parallel_loop3A_659, %parallel_loop3A_660] {strides = array<i32>} : memref<64x384xf32, #tpu.memory_space<vmem>>, vector<16xf32>,
          tpu.vector_store %arg7[%parallel_loop3A_659, %parallel_loop3A_660], %parallel_loop3A_658 {strides = array<i32>} : memref<64x384xf32, #tpu.memory_space<vmem>>, vector<16xf32>,
          %parallel_loop3A_662 = arith.constant 64 : i32
          %parallel_loop3A_663 = tpu.memref_slice %arg4[%parallel_loop3A_662] : memref<1056xf32, #tpu.memory_space<vmem>> -> memref<992xf32, #tpu.memory_space<vmem>>
          %parallel_loop3A_664 = tpu.vector_load_idx %parallel_loop3A_663[%parallel_loop3A_637] : memref<992xf32, #tpu.memory_space<vmem>>[vector<16xi32>], vector<16xf32>,
          %parallel_loop3A_665 = arith.index_cast %parallel_loop3A_482 : i32 to index
          %parallel_loop3A_666 = arith.constant 208 : index
          %parallel_loop3A_667 = tpu.vector_load %arg7[%parallel_loop3A_665, %parallel_loop3A_666] {strides = array<i32>} : memref<64x384xf32, #tpu.memory_space<vmem>>, vector<16xf32>,
          tpu.vector_store %arg7[%parallel_loop3A_665, %parallel_loop3A_666], %parallel_loop3A_664 {strides = array<i32>} : memref<64x384xf32, #tpu.memory_space<vmem>>, vector<16xf32>,
          %parallel_loop3A_668 = arith.constant 80 : i32
          %parallel_loop3A_669 = tpu.memref_slice %arg4[%parallel_loop3A_668] : memref<1056xf32, #tpu.memory_space<vmem>> -> memref<976xf32, #tpu.memory_space<vmem>>
          %parallel_loop3A_670 = tpu.vector_load_idx %parallel_loop3A_669[%parallel_loop3A_637] : memref<976xf32, #tpu.memory_space<vmem>>[vector<16xi32>], vector<16xf32>,
          %parallel_loop3A_671 = arith.index_cast %parallel_loop3A_482 : i32 to index
          %parallel_loop3A_672 = arith.constant 256 : index
          %parallel_loop3A_673 = tpu.vector_load %arg7[%parallel_loop3A_671, %parallel_loop3A_672] {strides = array<i32>} : memref<64x384xf32, #tpu.memory_space<vmem>>, vector<16xf32>,
          tpu.vector_store %arg7[%parallel_loop3A_671, %parallel_loop3A_672], %parallel_loop3A_670 {strides = array<i32>} : memref<64x384xf32, #tpu.memory_space<vmem>>, vector<16xf32>,
          %parallel_loop3A_674 = arith.constant 96 : i32
          %parallel_loop3A_675 = tpu.memref_slice %arg4[%parallel_loop3A_674] : memref<1056xf32, #tpu.memory_space<vmem>> -> memref<960xf32, #tpu.memory_space<vmem>>
          %parallel_loop3A_676 = tpu.vector_load_idx %parallel_loop3A_675[%parallel_loop3A_637] : memref<960xf32, #tpu.memory_space<vmem>>[vector<16xi32>], vector<16xf32>,
          %parallel_loop3A_677 = arith.index_cast %parallel_loop3A_482 : i32 to index
          %parallel_loop3A_678 = arith.constant 304 : index
          %parallel_loop3A_679 = tpu.vector_load %arg7[%parallel_loop3A_677, %parallel_loop3A_678] {strides = array<i32>} : memref<64x384xf32, #tpu.memory_space<vmem>>, vector<16xf32>,
          tpu.vector_store %arg7[%parallel_loop3A_677, %parallel_loop3A_678], %parallel_loop3A_676 {strides = array<i32>} : memref<64x384xf32, #tpu.memory_space<vmem>>, vector<16xf32>,
          %parallel_loop3A_680 = arith.constant 112 : i32
          %parallel_loop3A_681 = tpu.memref_slice %arg4[%parallel_loop3A_680] : memref<1056xf32, #tpu.memory_space<vmem>> -> memref<944xf32, #tpu.memory_space<vmem>>
          %parallel_loop3A_682 = tpu.vector_load_idx %parallel_loop3A_681[%parallel_loop3A_637] : memref<944xf32, #tpu.memory_space<vmem>>[vector<16xi32>], vector<16xf32>,
          %parallel_loop3A_683 = arith.index_cast %parallel_loop3A_482 : i32 to index
          %parallel_loop3A_684 = arith.constant 352 : index
          %parallel_loop3A_685 = tpu.vector_load %arg7[%parallel_loop3A_683, %parallel_loop3A_684] {strides = array<i32>} : memref<64x384xf32, #tpu.memory_space<vmem>>, vector<16xf32>,
          tpu.vector_store %arg7[%parallel_loop3A_683, %parallel_loop3A_684], %parallel_loop3A_682 {strides = array<i32>} : memref<64x384xf32, #tpu.memory_space<vmem>>, vector<16xf32>,
          %parallel_loop3A_686 = vector.broadcast %parallel_loop3A_571 : i32 to vector<16xi32>
          %parallel_loop3A_687 = arith.shrsi %parallel_loop3A_686, %mul3A_311 : vector<16xi32>
          %parallel_loop3A_688 = arith.constant 7 : i32
          %parallel_loop3A_689 = vector.broadcast %parallel_loop3A_688 : i32 to vector<16xi32>
          %parallel_loop3A_690 = arith.andi %parallel_loop3A_687, %parallel_loop3A_689 : vector<16xi32>
          %parallel_loop3A_691 = arith.constant 130 : i32
          %parallel_loop3A_692 = vector.broadcast %parallel_loop3A_691 : i32 to vector<16xi32>
          %parallel_loop3A_693 = arith.muli %parallel_loop3A_690, %parallel_loop3A_692 : vector<16xi32>
          %parallel_loop3A_694 = arith.addi %parallel_loop3A_693, %add3A_286 : vector<16xi32>
          %parallel_loop3A_695 = arith.constant 0 : i32
          %parallel_loop3A_696 = tpu.memref_slice %arg4[%parallel_loop3A_695] : memref<1056xf32, #tpu.memory_space<vmem>> -> memref<1056xf32, #tpu.memory_space<vmem>>
          %parallel_loop3A_697 = tpu.vector_load_idx %parallel_loop3A_696[%parallel_loop3A_694] : memref<1056xf32, #tpu.memory_space<vmem>>[vector<16xi32>], vector<16xf32>,
          %parallel_loop3A_698 = arith.index_cast %parallel_loop3A_482 : i32 to index
          %parallel_loop3A_699 = arith.constant 32 : index
          %parallel_loop3A_700 = tpu.vector_load %arg7[%parallel_loop3A_698, %parallel_loop3A_699] {strides = array<i32>} : memref<64x384xf32, #tpu.memory_space<vmem>>, vector<16xf32>,
          tpu.vector_store %arg7[%parallel_loop3A_698, %parallel_loop3A_699], %parallel_loop3A_697 {strides = array<i32>} : memref<64x384xf32, #tpu.memory_space<vmem>>, vector<16xf32>,
          %parallel_loop3A_701 = arith.constant 16 : i32
          %parallel_loop3A_702 = tpu.memref_slice %arg4[%parallel_loop3A_701] : memref<1056xf32, #tpu.memory_space<vmem>> -> memref<1040xf32, #tpu.memory_space<vmem>>
          %parallel_loop3A_703 = tpu.vector_load_idx %parallel_loop3A_702[%parallel_loop3A_694] : memref<1040xf32, #tpu.memory_space<vmem>>[vector<16xi32>], vector<16xf32>,
          %parallel_loop3A_704 = arith.index_cast %parallel_loop3A_482 : i32 to index
          %parallel_loop3A_705 = arith.constant 80 : index
          %parallel_loop3A_706 = tpu.vector_load %arg7[%parallel_loop3A_704, %parallel_loop3A_705] {strides = array<i32>} : memref<64x384xf32, #tpu.memory_space<vmem>>, vector<16xf32>,
          tpu.vector_store %arg7[%parallel_loop3A_704, %parallel_loop3A_705], %parallel_loop3A_703 {strides = array<i32>} : memref<64x384xf32, #tpu.memory_space<vmem>>, vector<16xf32>,
          %parallel_loop3A_707 = arith.constant 32 : i32
          %parallel_loop3A_708 = tpu.memref_slice %arg4[%parallel_loop3A_707] : memref<1056xf32, #tpu.memory_space<vmem>> -> memref<1024xf32, #tpu.memory_space<vmem>>
          %parallel_loop3A_709 = tpu.vector_load_idx %parallel_loop3A_708[%parallel_loop3A_694] : memref<1024xf32, #tpu.memory_space<vmem>>[vector<16xi32>], vector<16xf32>,
          %parallel_loop3A_710 = arith.index_cast %parallel_loop3A_482 : i32 to index
          %parallel_loop3A_711 = arith.constant 128 : index
          %parallel_loop3A_712 = tpu.vector_load %arg7[%parallel_loop3A_710, %parallel_loop3A_711] {strides = array<i32>} : memref<64x384xf32, #tpu.memory_space<vmem>>, vector<16xf32>,
          tpu.vector_store %arg7[%parallel_loop3A_710, %parallel_loop3A_711], %parallel_loop3A_709 {strides = array<i32>} : memref<64x384xf32, #tpu.memory_space<vmem>>, vector<16xf32>,
          %parallel_loop3A_713 = arith.constant 48 : i32
          %parallel_loop3A_714 = tpu.memref_slice %arg4[%parallel_loop3A_713] : memref<1056xf32, #tpu.memory_space<vmem>> -> memref<1008xf32, #tpu.memory_space<vmem>>
          %parallel_loop3A_715 = tpu.vector_load_idx %parallel_loop3A_714[%parallel_loop3A_694] : memref<1008xf32, #tpu.memory_space<vmem>>[vector<16xi32>], vector<16xf32>,
          %parallel_loop3A_716 = arith.index_cast %parallel_loop3A_482 : i32 to index
          %parallel_loop3A_717 = arith.constant 176 : index
          %parallel_loop3A_718 = tpu.vector_load %arg7[%parallel_loop3A_716, %parallel_loop3A_717] {strides = array<i32>} : memref<64x384xf32, #tpu.memory_space<vmem>>, vector<16xf32>,
          tpu.vector_store %arg7[%parallel_loop3A_716, %parallel_loop3A_717], %parallel_loop3A_715 {strides = array<i32>} : memref<64x384xf32, #tpu.memory_space<vmem>>, vector<16xf32>,
          %parallel_loop3A_719 = arith.constant 64 : i32
          %parallel_loop3A_720 = tpu.memref_slice %arg4[%parallel_loop3A_719] : memref<1056xf32, #tpu.memory_space<vmem>> -> memref<992xf32, #tpu.memory_space<vmem>>
          %parallel_loop3A_721 = tpu.vector_load_idx %parallel_loop3A_720[%parallel_loop3A_694] : memref<992xf32, #tpu.memory_space<vmem>>[vector<16xi32>], vector<16xf32>,
          %parallel_loop3A_722 = arith.index_cast %parallel_loop3A_482 : i32 to index
          %parallel_loop3A_723 = arith.constant 224 : index
          %parallel_loop3A_724 = tpu.vector_load %arg7[%parallel_loop3A_722, %parallel_loop3A_723] {strides = array<i32>} : memref<64x384xf32, #tpu.memory_space<vmem>>, vector<16xf32>,
          tpu.vector_store %arg7[%parallel_loop3A_722, %parallel_loop3A_723], %parallel_loop3A_721 {strides = array<i32>} : memref<64x384xf32, #tpu.memory_space<vmem>>, vector<16xf32>,
          %parallel_loop3A_725 = arith.constant 80 : i32
          %parallel_loop3A_726 = tpu.memref_slice %arg4[%parallel_loop3A_725] : memref<1056xf32, #tpu.memory_space<vmem>> -> memref<976xf32, #tpu.memory_space<vmem>>
          %parallel_loop3A_727 = tpu.vector_load_idx %parallel_loop3A_726[%parallel_loop3A_694] : memref<976xf32, #tpu.memory_space<vmem>>[vector<16xi32>], vector<16xf32>,
          %parallel_loop3A_728 = arith.index_cast %parallel_loop3A_482 : i32 to index
          %parallel_loop3A_729 = arith.constant 272 : index
          %parallel_loop3A_730 = tpu.vector_load %arg7[%parallel_loop3A_728, %parallel_loop3A_729] {strides = array<i32>} : memref<64x384xf32, #tpu.memory_space<vmem>>, vector<16xf32>,
          tpu.vector_store %arg7[%parallel_loop3A_728, %parallel_loop3A_729], %parallel_loop3A_727 {strides = array<i32>} : memref<64x384xf32, #tpu.memory_space<vmem>>, vector<16xf32>,
          %parallel_loop3A_731 = arith.constant 96 : i32
          %parallel_loop3A_732 = tpu.memref_slice %arg4[%parallel_loop3A_731] : memref<1056xf32, #tpu.memory_space<vmem>> -> memref<960xf32, #tpu.memory_space<vmem>>
          %parallel_loop3A_733 = tpu.vector_load_idx %parallel_loop3A_732[%parallel_loop3A_694] : memref<960xf32, #tpu.memory_space<vmem>>[vector<16xi32>], vector<16xf32>,
          %parallel_loop3A_734 = arith.index_cast %parallel_loop3A_482 : i32 to index
          %parallel_loop3A_735 = arith.constant 320 : index
          %parallel_loop3A_736 = tpu.vector_load %arg7[%parallel_loop3A_734, %parallel_loop3A_735] {strides = array<i32>} : memref<64x384xf32, #tpu.memory_space<vmem>>, vector<16xf32>,
          tpu.vector_store %arg7[%parallel_loop3A_734, %parallel_loop3A_735], %parallel_loop3A_733 {strides = array<i32>} : memref<64x384xf32, #tpu.memory_space<vmem>>, vector<16xf32>,
          %parallel_loop3A_737 = arith.constant 112 : i32
          %parallel_loop3A_738 = tpu.memref_slice %arg4[%parallel_loop3A_737] : memref<1056xf32, #tpu.memory_space<vmem>> -> memref<944xf32, #tpu.memory_space<vmem>>
          %parallel_loop3A_739 = tpu.vector_load_idx %parallel_loop3A_738[%parallel_loop3A_694] : memref<944xf32, #tpu.memory_space<vmem>>[vector<16xi32>], vector<16xf32>,
          %parallel_loop3A_740 = arith.index_cast %parallel_loop3A_482 : i32 to index
          %parallel_loop3A_741 = arith.constant 368 : index
          %parallel_loop3A_742 = tpu.vector_load %arg7[%parallel_loop3A_740, %parallel_loop3A_741] {strides = array<i32>} : memref<64x384xf32, #tpu.memory_space<vmem>>, vector<16xf32>,
          tpu.vector_store %arg7[%parallel_loop3A_740, %parallel_loop3A_741], %parallel_loop3A_739 {strides = array<i32>} : memref<64x384xf32, #tpu.memory_space<vmem>>, vector<16xf32>,
        } {sc.loop_unroll_factor = 8 : i64, sc.parallel_access}
        %mul3A_475 = arith.constant 64 : i32
        %mul3A_476 = arith.muli %select_n3A_354, %mul3A_475 : i32
        %dma_start3A = arith.constant 0 : i32
        %dma_start3A_477 = tpu.memref_slice %arg3[%select_n3A_405, %select_n3A_421, %mul3A_476, %dma_start3A] : memref<16x8x512x384xf32, #tpu.memory_space<hbm>> -> memref<1x1x64x384xf32, #tpu.memory_space<hbm>>
        %dma_start3A_478 = tpu.memref_squeeze %dma_start3A_477 : memref<1x1x64x384xf32, #tpu.memory_space<hbm>> -> memref<64x384xf32, #tpu.memory_space<hbm>>
        %dma_start3A_479 = arith.constant 0 : i32
        %dma_start3A_480 = tpu.memref_slice %arg3[%select_n3A_405, %select_n3A_421, %mul3A_476, %dma_start3A_479] : memref<16x8x512x384xf32, #tpu.memory_space<hbm>> -> memref<1x1x64x384xf32, #tpu.memory_space<hbm>>
        %dma_start3A_481 = tpu.memref_squeeze %dma_start3A_480 : memref<1x1x64x384xf32, #tpu.memory_space<hbm>> -> memref<64x384xf32, #tpu.memory_space<hbm>>
        tpu.enqueue_dma source(%arg7 : memref<64x384xf32, #tpu.memory_space<vmem>>) target(%dma_start3A_481 : memref<64x384xf32, #tpu.memory_space<hbm>>) target_semaphore(%arg9 : memref<!tpu.dma_semaphore, #tpu.memory_space<semaphore_mem>>)
      } else {
      }
      %scan3A_468 = arith.constant 0 : i32
      scf.yield %scan3A_468 : i32
    }
    %scan3A_317 = arith.constant 32 : i32
    %dma_wait3A = arith.constant 0 : i32
    %dma_wait3A_318 = arith.constant 0 : i32
    %dma_wait3A_319 = arith.constant 0 : i32
    %dma_wait3A_320 = arith.constant 0 : i32
    %dma_wait3A_321 = tpu.memref_slice %arg3[%dma_wait3A, %dma_wait3A_318, %dma_wait3A_319, %dma_wait3A_320] : memref<16x8x512x384xf32, #tpu.memory_space<hbm>> -> memref<1x1x64x384xf32, #tpu.memory_space<hbm>>
    %dma_wait3A_322 = tpu.memref_squeeze %dma_wait3A_321 : memref<1x1x64x384xf32, #tpu.memory_space<hbm>> -> memref<64x384xf32, #tpu.memory_space<hbm>>
    %dma_wait3A_323 = arith.constant 0 : i32
    %dma_wait3A_324 = arith.constant 0 : i32
    %dma_wait3A_325 = tpu.memref_slice %arg3[%dma_wait3A, %dma_wait3A_318, %dma_wait3A_323, %dma_wait3A_324] : memref<16x8x512x384xf32, #tpu.memory_space<hbm>> -> memref<1x1x64x384xf32, #tpu.memory_space<hbm>>
    %dma_wait3A_326 = tpu.memref_squeeze %dma_wait3A_325 : memref<1x1x64x384xf32, #tpu.memory_space<hbm>> -> memref<64x384xf32, #tpu.memory_space<hbm>>
    tpu.wait_dma2 semaphore(%arg8 : memref<!tpu.dma_semaphore, #tpu.memory_space<semaphore_mem>>) src(%arg6 : memref<64x384xf32, #tpu.memory_space<vmem>>) dst(%dma_wait3A_326 : memref<64x384xf32, #tpu.memory_space<hbm>>)
    %dma_wait3A_327 = arith.constant 0 : i32
    %dma_wait3A_328 = arith.constant 0 : i32
    %dma_wait3A_329 = arith.constant 0 : i32
    %dma_wait3A_330 = arith.constant 0 : i32
    %dma_wait3A_331 = tpu.memref_slice %arg3[%dma_wait3A_327, %dma_wait3A_328, %dma_wait3A_329, %dma_wait3A_330] : memref<16x8x512x384xf32, #tpu.memory_space<hbm>> -> memref<1x1x64x384xf32, #tpu.memory_space<hbm>>
    %dma_wait3A_332 = tpu.memref_squeeze %dma_wait3A_331 : memref<1x1x64x384xf32, #tpu.memory_space<hbm>> -> memref<64x384xf32, #tpu.memory_space<hbm>>
    %dma_wait3A_333 = arith.constant 0 : i32
    %dma_wait3A_334 = arith.constant 0 : i32
    %dma_wait3A_335 = tpu.memref_slice %arg3[%dma_wait3A_327, %dma_wait3A_328, %dma_wait3A_333, %dma_wait3A_334] : memref<16x8x512x384xf32, #tpu.memory_space<hbm>> -> memref<1x1x64x384xf32, #tpu.memory_space<hbm>>
    %dma_wait3A_336 = tpu.memref_squeeze %dma_wait3A_335 : memref<1x1x64x384xf32, #tpu.memory_space<hbm>> -> memref<64x384xf32, #tpu.memory_space<hbm>>
    tpu.wait_dma2 semaphore(%arg9 : memref<!tpu.dma_semaphore, #tpu.memory_space<semaphore_mem>>) src(%arg7 : memref<64x384xf32, #tpu.memory_space<vmem>>) dst(%dma_wait3A_336 : memref<64x384xf32, #tpu.memory_space<hbm>>)
    return
  }
}

</mosaic_0001>

<sc_bundles>
// kernel: kernel.3.cloned.1.call-start
scs
__scs_entry_jumppad:
0x0: {  	(pc) =	sbr.rel $0x88, $3  }
0x1: {  	(tag) =	ssettag $0x0;
	lr =	simm.s32 $0x1  }
0x2: {  	[smem:$0x3FA0] =	sst lr;
	_ =	strace $0xD0000000  }
0x3: {  	_ = 	snop  }
0x4: {  	_ = 	snop  }
0x5: {  	_ = 	snop  }
0x6: {  	_ = 	snop  }
0x7: {  	_ = 	snop  }
__scs_overlays_trampoline_lowered:
0x8: {  	[smem:$0x3FAF] =	sst s0  }
0x9: {  	[smem:$0x3FB0] =	sst s1  }
0xa: {  	[smem:$0x3FB1] =	sst s2  }
0xb: {  	[smem:$0x3FB2] =	sst s3  }
0xc: {  	[smem:$0x3FB3] =	sst s4  }
0xd: {  	[smem:$0x3FB4] =	sst s5  }
0xe: {  	[smem:$0x3FB5] =	sst s6  }
0xf: {  	[smem:$0x3FB6] =	sst s7  }
0x10: {  	[smem:$0x3FB7] =	sst s8  }
0x11: {  	[smem:$0x3FB8] =	sst s9;
	s0 =	simm.s32 @!p0 $0x0  }
0x12: {  	s1 =	sld [smem:$0x3F9E];
	s0 =	simm.s32 @p0 $0x1  }
0x13: {  	[smem:$0x3FB9] =	sst s0;
	s0 =	simm.s32 @!p1 $0x0  }
0x14: {  	s2 =	sld [smem:$0x3F9D];
	s0 =	simm.s32 @p1 $0x1  }
0x15: {  	[smem:$0x3FBA] =	sst s0;
	s0 =	simm.s32 @!p2 $0x0  }
0x16: {  	s3 =	sld [smem:$0x3FDB];
	s0 =	simm.s32 @p2 $0x1  }
0x17: {  	s4 =	simm.s32 $0x1BF5;
	[smem:$0x3FBC] =	sst s0  }
0x18: {  	s0 =	sld [smem:$0x3F9F];
	_ =	swait.ge [sflag:s4], $0x0  }
0x19: {  	s7 =	sld [smem:$0x3FA0]  }
0x1a: {  	s8 =	sadd.s32 $0xFFFFE003, lr  }
0x1b: {  	s9 =	sadd.s32 $0xFFFFFEF7, lr;
	s5 =	simm.s32 $0xFFFFFFFF;
	p2 =	slt.u32 s8, $0xFFFFF086  }
0x1c: {  	p1 =	slt.u32 s9, $0xF7A;
	s5 =	simm.s32 @!p2 $0x0  }
0x1d: {  	s5 =	simm.s32 @p1 $0x1;
	p0 =	seq.s32 s7, s2  }
0x1e: {  	s7 =	smul.u32 @!p0 $0xF7A, s2;
	p2 =	seq.s32 @!p0 s5, $0x0  }
0x1f: {  	s9 =	smul.u32 $0xF7A, s1;
	s8 =	simm.s32 @!p0 $0x1BF5;
	p2 =	por !p2, p0  }
0x20: {  	[sflag:s8] =	ssyncset.s32 @!p0 $0xFFFFF086;
	s6 =	sadd.s32 @!p0 s3, s7;
	s7 =	simm.s32 @!p0 $0x108  }
0x21: {  	s3 =	sadd.s32 s3, s9;
	s6 =	sadd.s32 @!p0 $0x88, s6;
	s7 =	simm.s32 @p2 $0x1082  }
0x22: {  	[simem:s7], [sflag:s8] =	dma.local @!p0 [hbm:s6], $0xF7A  }
0x23: {  	s9 =	sor.u32 $0xD0000000, s2;
	s6 =	simm.s32 $0x108;
	_ =	swait.ge @!p0 [sflag:s8], $0x0  }
0x24: {  	s3 =	sadd.s32 $0x88, s3;
	s6 =	simm.s32 @!p1 $0x1082;
	[sflag:s4] =	ssyncset.s32 $0xFFFFF086  }
0x25: {  	[simem:s6], [sflag:s4] =	dma.local [hbm:s3], $0xF7A  }
0x26: {  	[smem:$0x3FA0] =	sst s1;
	(tag) =	ssettag s2;
	_ =	strace s9  }
0x27: {  	s1 =	sld [smem:$0x3FB0]  }
0x28: {  	s2 =	sld [smem:$0x3FB1]  }
0x29: {  	s4 =	sld [smem:$0x3FB3]  }
0x2a: {  	p0 =	seq.s32 s5, $0x0;
	s5 =	sld [smem:$0x3FB4]  }
0x2b: {  	s6 =	sld [smem:$0x3FB5]  }
0x2c: {  	s7 =	sld [smem:$0x3FB6]  }
0x2d: {  	s3 =	simm.s32 $0x108;
	s8 =	sld [smem:$0x3FB7]  }
0x2e: {  	s3 =	simm.s32 @!p0 $0x1082;
	s9 =	sld [smem:$0x3FB8]  }
0x2f: {  	lr =	sadd.s32 s0, s3;
	s0 =	sld [smem:$0x3FAF]  }
0x30: {  	s3 =	sld [smem:$0x3FB2]  }
0x31: {  	[smem:$0x3FBB] =	sst s10  }
0x32: {  	s10 =	sld [smem:$0x3FB9];
	_ =	sdelay $0x3  }
0x33: {  	p0 =	seq.s32 s10, $0x1;
	s10 =	sld [smem:$0x3FBB];
	_ =	sdelay $0x3  }
0x34: {  	[smem:$0x3FBB] =	sst s10  }
0x35: {  	s10 =	sld [smem:$0x3FBA];
	_ =	sdelay $0x3  }
0x36: {  	p1 =	seq.s32 s10, $0x1;
	s10 =	sld [smem:$0x3FBB];
	_ =	sdelay $0x3  }
0x37: {  	[smem:$0x3FBB] =	sst s10  }
0x38: {  	s10 =	sld [smem:$0x3FBC]  }
0x39: {  	_ = 	snop;
	(pc) =	sbr.ind lr, $3  }
0x3a: {  	_ = 	snop  }
0x3b: {  	_ = 	snop  }
0x3c: {  	p2 =	seq.s32 s10, $0x1;
	s10 =	sld [smem:$0x3FBB]  }
0x3d: {  	_ =	shalt  }
0x3e: {  	_ =	shalt  }
0x3f: {  	_ =	shalt  }
0x40: {  	_ =	shalt  }
0x41: {  	_ =	shalt  }
0x42: {  	_ =	shalt  }
0x43: {  	_ =	shalt  }
0x44: {  	_ =	shalt  }
0x45: {  	_ =	shalt  }
0x46: {  	_ =	shalt  }
0x47: {  	_ =	shalt  }
0x48: {  	_ =	shalt  }
0x49: {  	_ =	shalt  }
0x4a: {  	_ =	shalt  }
0x4b: {  	_ =	shalt  }
0x4c: {  	_ =	shalt  }
0x4d: {  	_ =	shalt  }
0x4e: {  	_ =	shalt  }
0x4f: {  	_ =	shalt  }
0x50: {  	_ =	shalt  }
0x51: {  	_ =	shalt  }
0x52: {  	_ =	shalt  }
0x53: {  	_ =	shalt  }
0x54: {  	_ =	shalt  }
0x55: {  	_ =	shalt  }
0x56: {  	_ =	shalt  }
0x57: {  	_ =	shalt  }
0x58: {  	_ =	shalt  }
0x59: {  	_ =	shalt  }
0x5a: {  	_ =	shalt  }
0x5b: {  	_ =	shalt  }
0x5c: {  	_ =	shalt  }
0x5d: {  	_ =	shalt  }
0x5e: {  	_ =	shalt  }
0x5f: {  	_ =	shalt  }
0x60: {  	_ =	shalt  }
0x61: {  	_ =	shalt  }
0x62: {  	_ =	shalt  }
0x63: {  	_ =	shalt  }
0x64: {  	_ =	shalt  }
0x65: {  	_ =	shalt  }
0x66: {  	_ =	shalt  }
0x67: {  	_ =	shalt  }
0x68: {  	_ =	shalt  }
0x69: {  	_ =	shalt  }
0x6a: {  	_ =	shalt  }
0x6b: {  	_ =	shalt  }
0x6c: {  	_ =	shalt  }
0x6d: {  	_ =	shalt  }
0x6e: {  	_ =	shalt  }
0x6f: {  	_ =	shalt  }
0x70: {  	_ =	shalt  }
0x71: {  	_ =	shalt  }
0x72: {  	_ =	shalt  }
0x73: {  	_ =	shalt  }
0x74: {  	_ =	shalt  }
0x75: {  	_ =	shalt  }
0x76: {  	_ =	shalt  }
0x77: {  	_ =	shalt  }
0x78: {  	_ =	shalt  }
0x79: {  	_ =	shalt  }
0x7a: {  	_ =	shalt  }
0x7b: {  	_ =	shalt  }
0x7c: {  	_ =	shalt  }
0x7d: {  	_ =	shalt  }
0x7e: {  	_ =	shalt  }
0x7f: {  	_ =	shalt  }
0x80: {  	_ =	shalt  }
0x81: {  	_ =	shalt  }
0x82: {  	_ =	shalt  }
0x83: {  	_ =	shalt  }
0x84: {  	_ =	shalt  }
0x85: {  	_ =	shalt  }
0x86: {  	_ =	shalt  }
0x87: {  	_ =	shalt  }
.Lfunc_end0:
.L_simem_size_0:
called_computation_lowered:
.L_overlay_start_0:
0x88: {  	s2 =	sld [smem:$0x3FD9]  }
0x89: {  	s3 =	sld [smem:$0x3FFE];
	_ =	sdelay $0x1  }
0x8a: {  	s1 =	srdreg.scid  }
0x8b: {  	s0 =	sand.u32 $0x1, s1  }
0x8c: {  	s18 =	sshll.u32 s0, $0xA;
	s2 =	sadd.s32 s3, s2  }
0x8d: {  	s2 =	sadd.s32 s2, s18  }
0x8e: {  	[smem:$0x3FC7] =	sst s2  }
0x8f: {  	_ = 	snop  }
0x90: {  	s2 =	sld [smem:$0x3FC9]  }
0x91: {  	s19 =	sld [smem:$0x3FD0];
	(tm) =	ssettm $0x1  }
0x92: {  	s4 =	sld [smem:$0x3FFB];
	_ =	sdelay $0x3  }
0x93: {  	_ =	strace s4  }
0x94: {  	s4 =	sld [smem:$0x3FFC];
	_ =	sdelay $0x3  }
0x95: {  	_ =	strace s4  }
0x96: {  	s4 =	sld [smem:$0x3FFD];
	_ =	sdelay $0x3  }
0x97: {  	_ =	strace s4  }
0x98: {  	_ =	strace $0x8FFFFFFF  }
0x99: {  	s20 =	sld [smem:$0x3FDB];
	_ =	sdelay $0x1  }
0x9a: {  	s5 =	simm.s32 $_scs_section_size  }
0x9b: {  	s6 =	simm.s32 $_size__tile_overlayer_lowered;
	s7 =	simm.s32 $_tile_overlayer_lowered  }
0x9c: {  	s23 =	simm.s32 $0x1BFF;
	s22 =	sshll.u32 s7, $0x1;
	s4 =	sadd.s32 s5, s20  }
0x9d: {  	s8 =	simm.s32 $0x0;
	s21 =	sshll.u32 s6, $0x1;
	s6 =	sadd.s32 s22, s4  }
0x9e: {  	[timem:s8], [sflag:s23] =	dma.local [hbm:s6], s21  }
0x9f: {  	_ =	swait.ge [sflag:s23], s21  }
0xa0: {  	s5 =	ssub.s32 $0x0, s21;
	[sflag:s23] =	ssyncset.done $0x0  }
0xa1: {  	[sflag:s23] =	ssyncadd.s32 s5;
	_ =	sdelay $0x1  }
0xa2: {  	s24 =	simm.s32 $0x1B8B  }
0xa3: {  	_ =	swait.ge [sflag:s24], $0x1  }
0xa4: {  	[sflag:s24] =	ssyncset.done $0x0  }
0xa5: {  	s25 =	simm.s32 $0x1B8E;
	[sflag:s24] =	ssyncadd.s32 $0xFFFFFFFF  }
0xa6: {  	s26 =	simm.s32 $execute0_lowered;
	[smem:$0x3FD2] =	sst s25  }
0xa7: {  	s5 =	sshll.u32 s26, $0x1;
	_ =	strace $0x80000046;
	[dreg:$0x1] =	wrdreg $0xFFFFFFFF  }
0xa8: {  	s28 =	simm.s32 $_size_execute0_lowered;
	s4 =	sadd.s32 s4, s5;
	[dreg:$0x0] =	wrdreg $0x0  }
0xa9: {  	s5 =	sshll.u32 s28, $0x1;
	[dreg:$0x2] =	wrdreg s4  }
0xaa: {  	[dreg:$0x3] =	wrdreg s5  }
0xab: {  	[dreg:$0x4] =	wrdreg $0xC0  }
0xac: {  	_ =	task [dreg:s8], $0x5FFFF  }
0xad: {  	[dreg:$0x1] =	wrdreg $0xFFFFFFFF  }
0xae: {  	[dreg:$0x0] =	wrdreg $0x60  }
0xaf: {  	[dreg:$0x2] =	wrdreg s2  }
0xb0: {  	[dreg:$0x3] =	wrdreg s19  }
0xb1: {  	[dreg:$0x4] =	wrdreg $0x9  }
0xb2: {  	_ =	task.clear_ibuf [dreg:s8], $0x5FFFF;
	_ =	strace $0x90000046  }
0xb3: {  	s29 =	simm.s32 $0x9;
	_ =	strace $0x80000048  }
0xb4: {  	_ =	swait.ge [sflag:s29], $0x1  }
0xb5: {  	[sflag:s29] =	ssyncadd.s32 $0xFFFFFFFF  }
0xb6: {  	_ =	strace $0x90000048  }
0xb7: {  	_ =	sfence  }
0xb8: {  	s30 =	sld [smem:$0x0];
	_ =	sdelay $0x2  }
0xb9: {  	s31 =	sshll.u32 s1, $0xD;
	s1 =	sshrl.u32 s1, $0x2  }
0xba: {  	s3 =	sand.u32 $0x4000, s31;
	s1 =	sadd.s32 s1, s30  }
0xbb: {  	s0 =	sor.u32 s3, s0;
	s1 =	sshll.u32 s1, $0x11  }
0xbc: {  	s0 =	sor.u32 s1, s0  }
0xbd: {  	s0 =	sadd.s32 $0x8F2B, s0  }
0xbe: {  	[sflag:s0] =	ssyncadd.remote.s32 $0x1  }
0xbf: {  	_ =	sfence.sel $0xFFFF  }
0xc0: {  	[dreg:$0x0] =	wrdreg $0xFFFFFFFF;
	(pc) =	sbr.abs _section_cstart, $3  }
0xc1: {  	[dreg:$0x1] =	wrdreg $0xFFFFFFFF  }
0xc2: {  	_ =	task.clear_ibuf [dreg:s8], $0x2FFFF;
	_ =	strace $0x9FFFFFFF  }
0xc3: {  	(tm) =	ssettm $0x7FFFFFFF  }
tec
execute0_lowered:
.L_overlay_start_1:
0x0: {  	(tag) =	ssettag $0x1  }
0x1: {  	v0 =	vimm.s32 $0x898807  }
0x2: {  	v0 =	vunpack.c.0.s8.s32 v0;
	_ =	sdelay $0x1  }
0x3: {  	vm0 =	vcmask $0xB00;
	v0 =	vand.u32 $0xFF, v0  }
0x4: {  	v0 =	vnsel vm0, $0x416, v0;
	vm0 =	vcmask $0xF0C  }
0x5: {  	v0 =	vsel vm0, $0x10A, v0;
	vm0 =	vcmask $0x1310  }
0x6: {  	v0 =	vsel vm0, $0x10B, v0;
	vm0 =	vcmask $0x1714  }
0x7: {  	v0 =	vsel vm0, $0x18C, v0;
	vm0 =	vcmask $0x1B18  }
0x8: {  	v0 =	vsel vm0, $0x18D, v0;
	vm0 =	vcmask $0x1F1C  }
0x9: {  	v0 =	vsel vm0, $0x20E, v0;
	vm0 =	vcmask $0x2320  }
0xa: {  	v0 =	vsel vm0, $0x20F, v0;
	vm0 =	vcmask $0x2724  }
0xb: {  	v0 =	vsel vm0, $0x290, v0;
	vm0 =	vcmask $0x2B28  }
0xc: {  	v0 =	vsel vm0, $0x291, v0;
	vm0 =	vcmask $0x2F2C  }
0xd: {  	v0 =	vsel vm0, $0x312, v0;
	vm0 =	vcmask $0x3330  }
0xe: {  	v0 =	vsel vm0, $0x313, v0;
	vm0 =	vcmask $0x3734  }
0xf: {  	vm2 =	vcmask $0x3B38;
	v1 =	vsel vm0, $0x394, v0  }
0x10: {  	v0 =	vlaneseq.u32;
	v1 =	vsel vm2, $0x395, v1  }
0x11: {  	[tilespmem:$0x1FD90] =	vst v1;
	v1 =	vadd.s32 $0x8, v0  }
0x12: {  	[tilespmem:$0x1FDA0] =	vst v1;
	v1 =	vadd.s32 $0x18, v0  }
0x13: {  	[tilespmem:$0x1FDB0] =	vst v1;
	v1 =	vadd.s32 $0x28, v0  }
0x14: {  	[tilespmem:$0x1FDC0] =	vst v1;
	v1 =	vadd.s32 $0x38, v0  }
0x15: {  	[tilespmem:$0x1FDD0] =	vst v1;
	v1 =	vadd.s32 $0x48, v0  }
0x16: {  	[tilespmem:$0x1FDE0] =	vst v1;
	v1 =	vadd.s32 $0x58, v0  }
0x17: {  	[tilespmem:$0x1FDF0] =	vst v1;
	v1 =	vadd.s32 $0x68, v0  }
0x18: {  	[tilespmem:$0x1FE00] =	vst v1;
	v1 =	vadd.s32 $0x78, v0  }
0x19: {  	[tilespmem:$0x1FE10] =	vst v1;
	v1 =	vadd.s32 $0x8A, v0  }
0x1a: {  	[tilespmem:$0x1FE20] =	vst v1;
	v1 =	vadd.s32 $0x9A, v0  }
0x1b: {  	[tilespmem:$0x1FE30] =	vst v1;
	v1 =	vadd.s32 $0xAA, v0  }
0x1c: {  	[tilespmem:$0x1FE40] =	vst v1;
	v1 =	vadd.s32 $0xBA, v0  }
0x1d: {  	[tilespmem:$0x1FE50] =	vst v1;
	v1 =	vadd.s32 $0xCA, v0  }
0x1e: {  	[tilespmem:$0x1FE60] =	vst v1;
	v1 =	vadd.s32 $0xDA, v0  }
0x1f: {  	[tilespmem:$0x1FE70] =	vst v1;
	v1 =	vadd.s32 $0xEA, v0  }
0x20: {  	[tilespmem:$0x1FE80] =	vst v1;
	v1 =	vadd.s32 $0xFA, v0  }
0x21: {  	[tilespmem:$0x1FE90] =	vst v1;
	v1 =	vadd.s32 $0x10C, v0  }
0x22: {  	[tilespmem:$0x1FEA0] =	vst v1;
	v1 =	vadd.s32 $0x11C, v0  }
0x23: {  	[tilespmem:$0x1FEB0] =	vst v1;
	v1 =	vadd.s32 $0x12C, v0  }
0x24: {  	[tilespmem:$0x1FEC0] =	vst v1;
	v1 =	vadd.s32 $0x13C, v0  }
0x25: {  	[tilespmem:$0x1FED0] =	vst v1;
	v1 =	vadd.s32 $0x14C, v0  }
0x26: {  	[tilespmem:$0x1FEE0] =	vst v1;
	v1 =	vadd.s32 $0x15C, v0  }
0x27: {  	[tilespmem:$0x1FEF0] =	vst v1;
	v1 =	vadd.s32 $0x16C, v0  }
0x28: {  	[tilespmem:$0x1FF00] =	vst v1;
	v1 =	vadd.s32 $0x17C, v0  }
0x29: {  	[tilespmem:$0x1FF10] =	vst v1;
	v1 =	vadd.s32 $0x18E, v0  }
0x2a: {  	[tilespmem:$0x1FF20] =	vst v1;
	v1 =	vadd.s32 $0x19E, v0  }
0x2b: {  	[tilespmem:$0x1FF30] =	vst v1;
	v1 =	vadd.s32 $0x1AE, v0  }
0x2c: {  	[tilespmem:$0x1FF40] =	vst v1;
	v1 =	vadd.s32 $0x1BE, v0  }
0x2d: {  	v2 =	vimm.s32 $0x6306300;
	v3 =	vimm.s32 $0xCDCBCBAB;
	[tilespmem:$0x1FF50] =	vst v1;
	v1 =	vadd.s32 $0x1CE, v0  }
0x2e: {  	v4 =	vimm.s32 $0xA9A98987;
	v5 =	vimm.s32 $0xFEFEDED;
	[tilespmem:$0x1FF60] =	vst v1;
	v1 =	vadd.s32 $0x1DE, v0  }
0x2f: {  	vm1 =	vcmask $0x3F24;
	vm3 =	vcmask $0x2F1C;
	[tilespmem:$0x1FF70] =	vst v1;
	v1 =	vadd.s32 $0x1EE, v0  }
0x30: {  	v3 =	vunpack.c.l.s4.s8 v3;
	v4 =	vunpack.c.l.s4.s8 v4;
	[tilespmem:$0x1FF80] =	vst v1;
	v1 =	vadd.s32 $0x1FE, v0  }
0x31: {  	v6 =	vimm.s32 $0x16151617;
	v2 =	vunpack.c.l.s4.s8 v2;
	[tilespmem:$0x1FF90] =	vst v1;
	v1 =	vor.u32 $0x210, v0  }
0x32: {  	v3 =	vunpack.c.0.s8.s32 v3;
	v4 =	vunpack.c.0.s8.s32 v4;
	[tilespmem:$0x1FFA0] =	vst v1;
	v1 =	vor.u32 $0x220, v0  }
0x33: {  	v5 =	vunpack.c.l.s4.s8 v5;
	v6 =	vunpack.c.0.s8.s32 v6;
	[tilespmem:$0x1FFB0] =	vst v1;
	v1 =	vor.u32 $0x230, v0  }
0x34: {  	v3 =	vcombine.low v4, v3;
	v4 =	vimm.s32 $0x12111211;
	[tilespmem:$0x1FFC0] =	vst v1;
	v1 =	vor.u32 $0x240, v0  }
0x35: {  	v2 =	vunpack.c.0.s8.s32 v2;
	v4 =	vunpack.c.0.s8.s32 v4;
	[tilespmem:$0x1FFD0] =	vst v1;
	v1 =	vor.u32 $0x250, v0  }
0x36: {  	v60 =	vand.u32 $0xF, v3;
	vm0 =	vcmask $0x2304;
	[tilespmem:$0x1FFE0] =	vst v1;
	v1 =	vor.u32 $0x260, v0  }
0x37: {  	v41 =	vor.u32 $0x270, v0;
	v42 =	vor.u32 $0x280, v0;
	[tilespmem:$0x1FFF0] =	vst v1;
	v1 =	vimm.s32 $0x30630636  }
0x38: {  	v43 =	vadd.s32 $0x292, v0;
	v44 =	vadd.s32 $0x2A2, v0;
	v1 =	vunpack.c.l.s4.s8 v1  }
0x39: {  	v45 =	vadd.s32 $0x2B2, v0;
	v46 =	vadd.s32 $0x2C2, v0;
	v47 =	vadd.s32 $0x2D2, v0  }
0x3a: {  	v48 =	vadd.s32 $0x2E2, v0;
	v49 =	vadd.s32 $0x2F2, v0;
	v1 =	vunpack.c.0.s8.s32 v1  }
0x3b: {  	v50 =	vadd.s32 $0x302, v0;
	v51 =	vadd.s32 $0x314, v0;
	v52 =	vadd.s32 $0x324, v0  }
0x3c: {  	v53 =	vadd.s32 $0x334, v0;
	v54 =	vadd.s32 $0x344, v0;
	v1 =	vnsel vm0, $0x0, v1  }
0x3d: {  	v56 =	vsel vm1, v2, v1;
	v1 =	vimm.s32 $0x1011100F;
	v2 =	vunpack.c.0.s8.s32 v5  }
0x3e: {  	v55 =	vadd.s32 $0x354, v0;
	v58 =	vadd.s32 $0x364, v0;
	v1 =	vunpack.c.0.s8.s32 v1  }
0x3f: {  	s7 =	rddreg [dreg:$0x0];
	v3 =	vadd.s32 $0x396, v0;
	v5 =	vimm.s32 $0x63063060;
	v2 =	vand.u32 $0xF, v2  }
0x40: {  	s1 =	rddreg [dreg:$0x1];
	s3 =	srdreg.scid;
	v1 =	vsel vm3, v1, v2;
	vm3 =	vcmask $0x3F30;
	v2 =	vunpack.c.l.s4.s8 v5  }
0x41: {  	s2 =	simm.s32 $0x0;
	s0 =	stileid.u32;
	s9 =	simm.s32 $0x3;
	v57 =	vsel vm3, v4, v1;
	v1 =	vimm.s32 $0x14131213;
	v4 =	vimm.s32 $0x6306303  }
0x42: {  	s11 =	simm.s32 $0x10;
	s12 =	simm.s32 $0x20;
	s13 =	simm.s32 $0x30;
	v5 =	vimm.s32 $0x14151415;
	v1 =	vunpack.c.0.s8.s32 v1;
	v4 =	vunpack.c.l.s4.s8 v4  }
0x43: {  	s14 =	simm.s32 $0x40;
	s15 =	simm.s32 $0x50;
	s16 =	simm.s32 $0x60;
	v7 =	vadd.s32 $0x3D6, v0;
	vm3 =	vcmask $0x1300;
	v5 =	vunpack.c.0.s8.s32 v5  }
0x44: {  	s17 =	simm.s32 $0x70;
	s18 =	simm.s32 $0x6880;
	s4 =	sand.u32 $0x1, s3;
	v1 =	vnsel vm3, $0x18, v1;
	vm3 =	vcmask $0x2314;
	v4 =	vunpack.c.0.s8.s32 v4  }
.Ltmp0:
0x45: {  	s20 =	simm.s32 $0x880;
	s5 =	ssub.s32 $0x2, s4;
	v1 =	vsel vm3, v5, v1;
	v5 =	vimm.s32 $0x30630630;
	vm3 =	vcmask $0x3724;
	(pc) =	sbr.rel .LBB2_1-.Ltmp0, $4  }
0x46: {  	s21 =	simm.s32 $0x0;
	[smem:$0x7FF] =	sst s2;
	s6 =	sshrl.u32 s5, $0x1;
	v59 =	vunpack.c.0.s8.s32 v2;
	v5 =	vunpack.c.l.s4.s8 v5;
	v1 =	vsel vm3, v6, v1  }
0x47: {  	s8 =	sshll.u32 s0, $0xA;
	s4 =	sshll.u32 s4, $0x2;
	s6 =	ssub.s32 s5, s6;
	v2 =	vnsel vm0, $0x6, v4;
	v4 =	vadd.s32 $0x3A6, v0;
	v6 =	vadd.s32 $0x3C6, v0  }
0x48: {  	s7 =	sadd.s32 s7, s8;
	s8 =	simm.s32 $0x480;
	s31 =	smax.u32 s6, $0x1;
	v62 =	vsel vm1, v59, v2;
	v63 =	vsel vm2, $0x17, v1;
	v2 =	vadd.s32 $0x374, v0  }
0x49: {  	s5 =	smul.u32 $0x180000, s0;
	_ =	strace $0x80000047;
	[dreg:$0x3] =	wrdreg s31;
	v1 =	vadd.s32 $0x384, v0;
	v61 =	vunpack.c.0.s8.s32 v5;
	v5 =	vadd.s32 $0x3B6, v0  }
.LBB2_12:
0x4a: {  	s0 =	simm.s32 $0x1  }
0x4b: {  	_ =	swait.ge [sflag:s0], $0x6000  }
0x4c: {  	[sflag:s0] =	ssyncset.done $0x0  }
0x4d: {  	s3 =	simm.s32 $0x2;
	[sflag:s0] =	ssyncadd.s32 $0xFFFFA000  }
0x4e: {  	_ =	swait.ge [sflag:s3], $0x6000  }
0x4f: {  	s21 =	sadd.s32 $0x1, s21;
	s31 =	rddreg [dreg:$0x3]  }
0x50: {  	p0 =	sne.s32 s21, s31  }
.Ltmp1:
0x51: {  	_ = 	snop;
	(pc) =	sbr.rel @!p0 .LBB2_13-.Ltmp1, $3  }
0x52: {  	_ =	sdelay $0x1  }
0x53: {  	[sflag:s3] =	ssyncset.done $0x0  }
0x54: {  	[sflag:s3] =	ssyncadd.s32 $0xFFFFA000  }
.LBB2_1:
0x55: {  	v8 =	vld [tilespmem:$0x1FD90];
	_ =	sdelay $0x3  }
.Ltmp2:
0x56: {  	_ = 	snop;
	(pc) =	sbr.rel .LBB2_2-.Ltmp2, $3  }
0x57: {  	_ =	sdelay $0x1  }
0x58: {  	v9 =	vimm.f32 $0.0e+00  }
0x59: {  	s22 =	simm.s32 $0x0;
	[tilespmem:v8+s2+$0x0] =	vst.idx.msk $0xffff, v9  }
.LBB2_11:
0x5a: {  	s22 =	sadd.s32 $0x1, s22  }
0x5b: {  	p0 =	sne.s32 s22, $0x20  }
.Ltmp3:
0x5c: {  	_ = 	snop;
	(pc) =	sbr.rel @!p0 .LBB2_12-.Ltmp3, $1  }
0x5d: {  	_ =	sdelay $0x3  }
.LBB2_2:
0x5e: {  	s23 =	sand.u32 $0x7, s22  }
0x5f: {  	p0 =	sne.s32 s23, $0x0  }
.Ltmp4:
0x60: {  	_ = 	snop;
	(pc) =	sbr.rel @p0 .LBB2_4-.Ltmp4, $3  }
0x61: {  	_ =	sdelay $0x1  }
0x62: {  	s24 =	sshrl.u32 s22, $0x3  }
0x63: {  	s24 =	sadd.s32 s4, s24  }
0x64: {  	s25 =	sshll.u32 s24, $0x7  }
0x65: {  	s25 =	sadd.s32 s7, s25  }
0x66: {  	[tilespmem:s8], [sflag:$0x3] =	stream.linear.gather [hbm4b:s25+s2], $0x400, $0x38;
	[tilespmem:$0xC880] =	vst v63  }
0x67: {  	_ =	swait.ge [sflag:s9], $0x400  }
0x68: {  	v9 =	vld [tilespmem:$0x1FDA0]  }
0x69: {  	[sflag:s9] =	ssyncset.done $0x0  }
0x6a: {  	[sflag:s9] =	ssyncadd.s32 $0xFFFFFC00  }
0x6b: {  	v8 =	vld [tilespmem:$0x480];
	_ =	sdelay $0x2  }
0x6c: {  	v30 =	vld [tilespmem:$0x1FDB0];
	_ =	sdelay $0x1  }
0x6d: {  	[tilespmem:v9+s2+$0x0] =	vst.idx.msk $0xffff, v8  }
0x6e: {  	v8 =	vld [tilespmem:$0x490];
	_ =	sdelay $0x2  }
0x6f: {  	v31 =	vld [tilespmem:$0x1FDC0];
	_ =	sdelay $0x1  }
0x70: {  	[tilespmem:v30+s2+$0x0] =	vst.idx.msk $0xffff, v8  }
0x71: {  	v8 =	vld [tilespmem:$0x4A0];
	_ =	sdelay $0x2  }
0x72: {  	v32 =	vld [tilespmem:$0x1FDD0];
	_ =	sdelay $0x1  }
0x73: {  	[tilespmem:v31+s2+$0x0] =	vst.idx.msk $0xffff, v8  }
0x74: {  	v8 =	vld [tilespmem:$0x4B0];
	_ =	sdelay $0x2  }
0x75: {  	v33 =	vld [tilespmem:$0x1FDE0];
	_ =	sdelay $0x1  }
0x76: {  	[tilespmem:v32+s2+$0x0] =	vst.idx.msk $0xffff, v8  }
0x77: {  	v8 =	vld [tilespmem:$0x4C0];
	_ =	sdelay $0x2  }
0x78: {  	v34 =	vld [tilespmem:$0x1FDF0];
	_ =	sdelay $0x1  }
0x79: {  	[tilespmem:v33+s2+$0x0] =	vst.idx.msk $0xffff, v8  }
0x7a: {  	v8 =	vld [tilespmem:$0x4D0];
	_ =	sdelay $0x2  }
0x7b: {  	v35 =	vld [tilespmem:$0x1FE00];
	_ =	sdelay $0x1  }
0x7c: {  	[tilespmem:v34+s2+$0x0] =	vst.idx.msk $0xffff, v8  }
0x7d: {  	v8 =	vld [tilespmem:$0x4E0];
	_ =	sdelay $0x2  }
0x7e: {  	v36 =	vld [tilespmem:$0x1FE10];
	_ =	sdelay $0x1  }
0x7f: {  	[tilespmem:v35+s2+$0x0] =	vst.idx.msk $0xffff, v8  }
0x80: {  	v8 =	vld [tilespmem:$0x4F0];
	_ =	sdelay $0x2  }
0x81: {  	v37 =	vld [tilespmem:$0x1FE20];
	_ =	sdelay $0x1  }
0x82: {  	[tilespmem:v36+s2+$0x0] =	vst.idx.msk $0xffff, v8  }
0x83: {  	v8 =	vld [tilespmem:$0x500];
	_ =	sdelay $0x2  }
0x84: {  	v38 =	vld [tilespmem:$0x1FE30];
	_ =	sdelay $0x1  }
0x85: {  	[tilespmem:v37+s2+$0x0] =	vst.idx.msk $0xffff, v8  }
0x86: {  	v8 =	vld [tilespmem:$0x510];
	_ =	sdelay $0x2  }
0x87: {  	v39 =	vld [tilespmem:$0x1FE40];
	_ =	sdelay $0x1  }
0x88: {  	[tilespmem:v38+s2+$0x0] =	vst.idx.msk $0xffff, v8  }
0x89: {  	v8 =	vld [tilespmem:$0x520];
	_ =	sdelay $0x2  }
0x8a: {  	v40 =	vld [tilespmem:$0x1FE50];
	_ =	sdelay $0x1  }
0x8b: {  	[tilespmem:v39+s2+$0x0] =	vst.idx.msk $0xffff, v8  }
0x8c: {  	v8 =	vld [tilespmem:$0x530];
	_ =	sdelay $0x2  }
0x8d: {  	v12 =	vld [tilespmem:$0x1FE60];
	_ =	sdelay $0x1  }
0x8e: {  	[tilespmem:v40+s2+$0x0] =	vst.idx.msk $0xffff, v8  }
0x8f: {  	v8 =	vld [tilespmem:$0x540];
	_ =	sdelay $0x2  }
0x90: {  	v13 =	vld [tilespmem:$0x1FE70];
	_ =	sdelay $0x1  }
0x91: {  	[tilespmem:v12+s2+$0x0] =	vst.idx.msk $0xffff, v8  }
0x92: {  	v8 =	vld [tilespmem:$0x550];
	_ =	sdelay $0x2  }
0x93: {  	v14 =	vld [tilespmem:$0x1FE80];
	_ =	sdelay $0x1  }
0x94: {  	[tilespmem:v13+s2+$0x0] =	vst.idx.msk $0xffff, v8  }
0x95: {  	v8 =	vld [tilespmem:$0x560];
	_ =	sdelay $0x2  }
0x96: {  	v15 =	vld [tilespmem:$0x1FE90];
	_ =	sdelay $0x1  }
0x97: {  	[tilespmem:v14+s2+$0x0] =	vst.idx.msk $0xffff, v8  }
0x98: {  	v8 =	vld [tilespmem:$0x570];
	_ =	sdelay $0x2  }
0x99: {  	v16 =	vld [tilespmem:$0x1FEA0];
	_ =	sdelay $0x1  }
0x9a: {  	[tilespmem:v15+s2+$0x0] =	vst.idx.msk $0xffff, v8  }
0x9b: {  	v8 =	vld [tilespmem:$0x580];
	_ =	sdelay $0x2  }
0x9c: {  	v17 =	vld [tilespmem:$0x1FEB0];
	_ =	sdelay $0x1  }
0x9d: {  	[tilespmem:v16+s2+$0x0] =	vst.idx.msk $0xffff, v8  }
0x9e: {  	v8 =	vld [tilespmem:$0x590];
	_ =	sdelay $0x2  }
0x9f: {  	v18 =	vld [tilespmem:$0x1FEC0];
	_ =	sdelay $0x1  }
0xa0: {  	[tilespmem:v17+s2+$0x0] =	vst.idx.msk $0xffff, v8  }
0xa1: {  	v8 =	vld [tilespmem:$0x5A0];
	_ =	sdelay $0x2  }
0xa2: {  	v19 =	vld [tilespmem:$0x1FED0];
	_ =	sdelay $0x1  }
0xa3: {  	[tilespmem:v18+s2+$0x0] =	vst.idx.msk $0xffff, v8  }
0xa4: {  	v8 =	vld [tilespmem:$0x5B0];
	_ =	sdelay $0x2  }
0xa5: {  	v20 =	vld [tilespmem:$0x1FEE0];
	_ =	sdelay $0x1  }
0xa6: {  	[tilespmem:v19+s2+$0x0] =	vst.idx.msk $0xffff, v8  }
0xa7: {  	v8 =	vld [tilespmem:$0x5C0];
	_ =	sdelay $0x2  }
0xa8: {  	v21 =	vld [tilespmem:$0x1FEF0];
	_ =	sdelay $0x1  }
0xa9: {  	[tilespmem:v20+s2+$0x0] =	vst.idx.msk $0xffff, v8  }
0xaa: {  	v8 =	vld [tilespmem:$0x5D0];
	_ =	sdelay $0x2  }
0xab: {  	v22 =	vld [tilespmem:$0x1FF00];
	_ =	sdelay $0x1  }
0xac: {  	[tilespmem:v21+s2+$0x0] =	vst.idx.msk $0xffff, v8  }
0xad: {  	v8 =	vld [tilespmem:$0x5E0];
	_ =	sdelay $0x2  }
0xae: {  	v23 =	vld [tilespmem:$0x1FF10];
	_ =	sdelay $0x1  }
0xaf: {  	[tilespmem:v22+s2+$0x0] =	vst.idx.msk $0xffff, v8  }
0xb0: {  	v8 =	vld [tilespmem:$0x5F0];
	_ =	sdelay $0x2  }
0xb1: {  	v24 =	vld [tilespmem:$0x1FF20];
	_ =	sdelay $0x1  }
0xb2: {  	[tilespmem:v23+s2+$0x0] =	vst.idx.msk $0xffff, v8  }
0xb3: {  	v8 =	vld [tilespmem:$0x600];
	_ =	sdelay $0x2  }
0xb4: {  	v25 =	vld [tilespmem:$0x1FF30];
	_ =	sdelay $0x1  }
0xb5: {  	[tilespmem:v24+s2+$0x0] =	vst.idx.msk $0xffff, v8  }
0xb6: {  	v8 =	vld [tilespmem:$0x610];
	_ =	sdelay $0x2  }
0xb7: {  	v26 =	vld [tilespmem:$0x1FF40];
	_ =	sdelay $0x1  }
0xb8: {  	[tilespmem:v25+s2+$0x0] =	vst.idx.msk $0xffff, v8  }
0xb9: {  	v8 =	vld [tilespmem:$0x620];
	_ =	sdelay $0x2  }
0xba: {  	v27 =	vld [tilespmem:$0x1FF50];
	_ =	sdelay $0x1  }
0xbb: {  	[tilespmem:v26+s2+$0x0] =	vst.idx.msk $0xffff, v8  }
0xbc: {  	v8 =	vld [tilespmem:$0x630];
	_ =	sdelay $0x2  }
0xbd: {  	v28 =	vld [tilespmem:$0x1FF60];
	_ =	sdelay $0x1  }
0xbe: {  	[tilespmem:v27+s2+$0x0] =	vst.idx.msk $0xffff, v8  }
0xbf: {  	v8 =	vld [tilespmem:$0x640];
	_ =	sdelay $0x2  }
0xc0: {  	v29 =	vld [tilespmem:$0x1FF70];
	_ =	sdelay $0x1  }
0xc1: {  	[tilespmem:v28+s2+$0x0] =	vst.idx.msk $0xffff, v8  }
0xc2: {  	v8 =	vld [tilespmem:$0x650];
	_ =	sdelay $0x2  }
0xc3: {  	v30 =	vld [tilespmem:$0x1FF80];
	_ =	sdelay $0x1  }
0xc4: {  	[tilespmem:v29+s2+$0x0] =	vst.idx.msk $0xffff, v8  }
0xc5: {  	v8 =	vld [tilespmem:$0x660];
	_ =	sdelay $0x2  }
0xc6: {  	v31 =	vld [tilespmem:$0x1FF90];
	_ =	sdelay $0x1  }
0xc7: {  	[tilespmem:v30+s2+$0x0] =	vst.idx.msk $0xffff, v8  }
0xc8: {  	v8 =	vld [tilespmem:$0x670];
	_ =	sdelay $0x2  }
0xc9: {  	v32 =	vld [tilespmem:$0x1FFA0];
	_ =	sdelay $0x1  }
0xca: {  	[tilespmem:v31+s2+$0x0] =	vst.idx.msk $0xffff, v8  }
0xcb: {  	v8 =	vld [tilespmem:$0x680];
	_ =	sdelay $0x2  }
0xcc: {  	v33 =	vld [tilespmem:$0x1FFB0];
	_ =	sdelay $0x1  }
0xcd: {  	[tilespmem:v32+s2+$0x0] =	vst.idx.msk $0xffff, v8  }
0xce: {  	v8 =	vld [tilespmem:$0x690];
	_ =	sdelay $0x2  }
0xcf: {  	v34 =	vld [tilespmem:$0x1FFC0];
	_ =	sdelay $0x1  }
0xd0: {  	[tilespmem:v33+s2+$0x0] =	vst.idx.msk $0xffff, v8  }
0xd1: {  	v8 =	vld [tilespmem:$0x6A0];
	_ =	sdelay $0x2  }
0xd2: {  	v35 =	vld [tilespmem:$0x1FFD0];
	_ =	sdelay $0x1  }
0xd3: {  	[tilespmem:v34+s2+$0x0] =	vst.idx.msk $0xffff, v8  }
0xd4: {  	v8 =	vld [tilespmem:$0x6B0];
	_ =	sdelay $0x2  }
0xd5: {  	v36 =	vld [tilespmem:$0x1FFE0];
	_ =	sdelay $0x1  }
0xd6: {  	[tilespmem:v35+s2+$0x0] =	vst.idx.msk $0xffff, v8  }
0xd7: {  	v8 =	vld [tilespmem:$0x6C0];
	_ =	sdelay $0x2  }
0xd8: {  	v37 =	vld [tilespmem:$0x1FFF0];
	_ =	sdelay $0x1  }
0xd9: {  	[tilespmem:v36+s2+$0x0] =	vst.idx.msk $0xffff, v8  }
0xda: {  	v8 =	vld [tilespmem:$0x6D0];
	_ =	sdelay $0x4  }
0xdb: {  	[tilespmem:v37+s2+$0x0] =	vst.idx.msk $0xffff, v8  }
0xdc: {  	v8 =	vld [tilespmem:$0x6E0];
	_ =	sdelay $0x4  }
0xdd: {  	[tilespmem:v41+s2+$0x0] =	vst.idx.msk $0xffff, v8  }
0xde: {  	v8 =	vld [tilespmem:$0x6F0];
	_ =	sdelay $0x4  }
0xdf: {  	[tilespmem:v42+s2+$0x0] =	vst.idx.msk $0xffff, v8  }
0xe0: {  	v8 =	vld [tilespmem:$0x700];
	_ =	sdelay $0x4  }
0xe1: {  	[tilespmem:v43+s2+$0x0] =	vst.idx.msk $0xffff, v8  }
0xe2: {  	v8 =	vld [tilespmem:$0x710];
	_ =	sdelay $0x4  }
0xe3: {  	[tilespmem:v44+s2+$0x0] =	vst.idx.msk $0xffff, v8  }
0xe4: {  	v8 =	vld [tilespmem:$0x720];
	_ =	sdelay $0x4  }
0xe5: {  	[tilespmem:v45+s2+$0x0] =	vst.idx.msk $0xffff, v8  }
0xe6: {  	v8 =	vld [tilespmem:$0x730];
	_ =	sdelay $0x4  }
0xe7: {  	[tilespmem:v46+s2+$0x0] =	vst.idx.msk $0xffff, v8  }
0xe8: {  	v8 =	vld [tilespmem:$0x740];
	_ =	sdelay $0x4  }
0xe9: {  	[tilespmem:v47+s2+$0x0] =	vst.idx.msk $0xffff, v8  }
0xea: {  	v8 =	vld [tilespmem:$0x750];
	_ =	sdelay $0x4  }
0xeb: {  	[tilespmem:v48+s2+$0x0] =	vst.idx.msk $0xffff, v8  }
0xec: {  	v8 =	vld [tilespmem:$0x760];
	_ =	sdelay $0x4  }
0xed: {  	[tilespmem:v49+s2+$0x0] =	vst.idx.msk $0xffff, v8  }
0xee: {  	v8 =	vld [tilespmem:$0x770];
	_ =	sdelay $0x4  }
0xef: {  	[tilespmem:v50+s2+$0x0] =	vst.idx.msk $0xffff, v8  }
0xf0: {  	v8 =	vld [tilespmem:$0x780];
	_ =	sdelay $0x4  }
0xf1: {  	[tilespmem:v51+s2+$0x0] =	vst.idx.msk $0xffff, v8  }
0xf2: {  	v8 =	vld [tilespmem:$0x790];
	_ =	sdelay $0x4  }
0xf3: {  	[tilespmem:v52+s2+$0x0] =	vst.idx.msk $0xffff, v8  }
0xf4: {  	v8 =	vld [tilespmem:$0x7A0];
	_ =	sdelay $0x4  }
0xf5: {  	[tilespmem:v53+s2+$0x0] =	vst.idx.msk $0xffff, v8  }
0xf6: {  	v8 =	vld [tilespmem:$0x7B0];
	_ =	sdelay $0x4  }
0xf7: {  	[tilespmem:v54+s2+$0x0] =	vst.idx.msk $0xffff, v8  }
0xf8: {  	v8 =	vld [tilespmem:$0x7C0];
	_ =	sdelay $0x4  }
0xf9: {  	[tilespmem:v55+s2+$0x0] =	vst.idx.msk $0xffff, v8  }
0xfa: {  	v8 =	vld [tilespmem:$0x7D0];
	_ =	sdelay $0x4  }
0xfb: {  	[tilespmem:v58+s2+$0x0] =	vst.idx.msk $0xffff, v8  }
0xfc: {  	v8 =	vld [tilespmem:$0x7E0];
	_ =	sdelay $0x4  }
0xfd: {  	[tilespmem:v2+s2+$0x0] =	vst.idx.msk $0xffff, v8  }
0xfe: {  	v8 =	vld [tilespmem:$0x7F0];
	_ =	sdelay $0x4  }
0xff: {  	[tilespmem:v1+s2+$0x0] =	vst.idx.msk $0xffff, v8  }
0x100: {  	v8 =	vld [tilespmem:$0x800];
	_ =	sdelay $0x4  }
0x101: {  	[tilespmem:v3+s2+$0x0] =	vst.idx.msk $0xffff, v8  }
0x102: {  	v8 =	vld [tilespmem:$0x810];
	_ =	sdelay $0x4  }
0x103: {  	[tilespmem:v4+s2+$0x0] =	vst.idx.msk $0xffff, v8  }
0x104: {  	v8 =	vld [tilespmem:$0x820];
	_ =	sdelay $0x4  }
0x105: {  	[tilespmem:v5+s2+$0x0] =	vst.idx.msk $0xffff, v8  }
0x106: {  	v8 =	vld [tilespmem:$0x830];
	_ =	sdelay $0x4  }
0x107: {  	[tilespmem:v6+s2+$0x0] =	vst.idx.msk $0xffff, v8  }
0x108: {  	v8 =	vld [tilespmem:$0x840];
	_ =	sdelay $0x4  }
0x109: {  	[tilespmem:v7+s2+$0x0] =	vst.idx.msk $0xffff, v8  }
0x10a: {  	v38 =	vadd.s32 $0x3E6, v0;
	v8 =	vld [tilespmem:$0x850];
	_ =	sdelay $0x4  }
0x10b: {  	[tilespmem:v38+s2+$0x0] =	vst.idx.msk $0xffff, v8  }
0x10c: {  	v39 =	vadd.s32 $0x3F6, v0;
	v8 =	vld [tilespmem:$0x860];
	_ =	sdelay $0x4  }
0x10d: {  	[tilespmem:v39+s2+$0x0] =	vst.idx.msk $0xffff, v8  }
0x10e: {  	v40 =	vadd.s32 $0x406, v0;
	v8 =	vld [tilespmem:$0x870];
	_ =	sdelay $0x4  }
0x10f: {  	[tilespmem:v40+s2+$0x0] =	vst.idx.msk $0xffff, v8  }
.LBB2_4:
0x110: {  	s25 =	sand.u32 $0x1, s22  }
0x111: {  	p0 =	seq.s32 s25, $0x1  }
.Ltmp5:
0x112: {  	_ = 	snop;
	(pc) =	sbr.rel @p0 .LBB2_8-.Ltmp5, $1  }
0x113: {  	_ =	sdelay $0x3  }
0x114: {  	s26 =	simm.s32 $0x0  }
0x115: {  	s26 =	sor.u32 s23, s26  }
0x116: {  	p1 =	por $0x0, $0x0;
	p0 =	seq.s32 s26, $0x0  }
0x117: {  	p0 =	por !p1, !p0  }
0x118: {  	s26 =	simm.s32 $0x1;
	p0 =	por !p0, !p0  }
0x119: {  	s26 =	simm.s32 @!p0 $0x0  }
0x11a: {  	s28 =	sshll.u32 s22, $0x3;
	s26 =	ssub.s32 s23, s26  }
0x11b: {  	s30 =	sadd.s32 $0x0, s28;
	s26 =	sshll.u32 s26, $0x3  }
0x11c: {  	s3 =	sor.u32 $0xC0, s30;
	s26 =	sadd.s32 $0x0, s26  }
0x11d: {  	v14 =	vmov s3;
	v16 =	vmov s26  }
0x11e: {  	v18 =	vshrl.u32 v14, v56;
	s26 =	sshll.u32 s23, $0x3;
	v8 =	vshra.s32 v16, v56  }
0x11f: {  	s19 =	sor.u32 $0x1C0, s30;
	v18 =	vand.u32 $0x7, v18;
	s29 =	sadd.s32 $0x0, s26;
	v8 =	vand.u32 $0x7, v8  }
0x120: {  	v9 =	vmov s19;
	v18 =	vmul.u32 $0x82, v18;
	s31 =	sor.u32 $0x40, s29;
	s0 =	sor.u32 $0x80, s29;
	s6 =	sor.u32 $0x100, s29;
	v8 =	vmul.u32 $0x82, v8  }
0x121: {  	s10 =	sor.u32 $0x140, s29;
	s29 =	sor.u32 $0x180, s29;
	v15 =	vmov s31;
	v13 =	vmov s0;
	v12 =	vmov s6  }
0x122: {  	v11 =	vmov s10;
	v10 =	vmov s29;
	v17 =	vshrl.u32 v13, v56  }
0x123: {  	v19 =	vshrl.u32 v12, v56;
	v20 =	vshrl.u32 v11, v56;
	v22 =	vshrl.u32 v10, v56  }
0x124: {  	v24 =	vadd.s32 v60, v8;
	v8 =	vshrl.u32 v15, v56;
	v17 =	vand.u32 $0x7, v17  }
0x125: {  	v19 =	vand.u32 $0x7, v19;
	v8 =	vand.u32 $0x7, v8;
	v17 =	vmul.u32 $0x82, v17  }
0x126: {  	p0 =	slt.u32 s22, $0x2;
	v20 =	vand.u32 $0x7, v20;
	v19 =	vmul.u32 $0x82, v19;
	v8 =	vmul.u32 $0x82, v8  }
0x127: {  	s0 =	simm.s32 @!p0 $0x1;
	v26 =	vmul.u32 $0x82, v20;
	v23 =	vadd.s32 v60, v17;
	v17 =	vand.u32 $0x7, v22  }
0x128: {  	_ =	swait.ge @!p0 [sflag:s0], $0x6000;
	v22 =	vadd.s32 v60, v18;
	v21 =	vadd.s32 v60, v8;
	v8 =	vshrl.u32 v9, v56  }
0x129: {  	[sflag:s0] =	ssyncset.done @!p0 $0x0;
	v20 =	vadd.s32 v60, v19;
	v8 =	vand.u32 $0x7, v8  }
0x12a: {  	[sflag:s0] =	ssyncadd.s32 @!p0 $0xFFFFA000;
	v19 =	vadd.s32 v60, v26;
	v17 =	vmul.u32 $0x82, v17;
	v8 =	vmul.u32 $0x82, v8  }
0x12b: {  	v25 =	vld.idx.msk [tilespmem:v24+s2+$0x0], $0xffff  }
0x12c: {  	s31 =	simm.s32 $0x0;
	v18 =	vadd.s32 v60, v17;
	v17 =	vadd.s32 v60, v8;
	v8 =	vld.idx.msk [tilespmem:v23+s2+$0x0], $0xffff  }
0x12d: {  	s0 =	smul.u32 $0x3000, s31;
	v27 =	vld.idx.msk [tilespmem:v22+s2+$0x0], $0xffff  }
0x12e: {  	v28 =	vld.idx.msk [tilespmem:v20+s2+$0x0], $0xffff  }
0x12f: {  	s29 =	sshra.s32 s0, $0x2;
	v29 =	vld.idx.msk [tilespmem:v19+s2+$0x0], $0xffff  }
0x130: {  	v37 =	vld.idx.msk [tilespmem:v21+s2+$0x0], $0xffff;
	[tilespmem:s29+$0x880] =	vst v25  }
0x131: {  	v38 =	vld.idx.msk [tilespmem:v24+s11+$0x0], $0xffff;
	[tilespmem:s29+$0x980] =	vst v8  }
0x132: {  	v39 =	vld.idx.msk [tilespmem:v18+s2+$0x0], $0xffff;
	[tilespmem:s29+$0xA00] =	vst v27  }
0x133: {  	v40 =	vld.idx.msk [tilespmem:v17+s2+$0x0], $0xffff;
	[tilespmem:s29+$0xA80] =	vst v28  }
0x134: {  	[tilespmem:s29+$0xB00] =	vst v29;
	v33 =	vld.idx.msk [tilespmem:v23+s11+$0x0], $0xffff  }
0x135: {  	[tilespmem:s29+$0x900] =	vst v37;
	v34 =	vld.idx.msk [tilespmem:v22+s11+$0x0], $0xffff  }
0x136: {  	v8 =	vld.idx.msk [tilespmem:v21+s11+$0x0], $0xffff;
	[tilespmem:s29+$0x8B0] =	vst v38  }
0x137: {  	v35 =	vld.idx.msk [tilespmem:v20+s11+$0x0], $0xffff;
	[tilespmem:s29+$0xB80] =	vst v39  }
0x138: {  	v36 =	vld.idx.msk [tilespmem:v19+s11+$0x0], $0xffff;
	[tilespmem:s29+$0xC00] =	vst v40  }
0x139: {  	v30 =	vld.idx.msk [tilespmem:v24+s12+$0x0], $0xffff;
	[tilespmem:s29+$0x9B0] =	vst v33  }
0x13a: {  	v37 =	vld.idx.msk [tilespmem:v18+s11+$0x0], $0xffff;
	[tilespmem:s29+$0xA30] =	vst v34  }
0x13b: {  	[tilespmem:s29+$0x930] =	vst v8;
	v8 =	vld.idx.msk [tilespmem:v17+s11+$0x0], $0xffff  }
0x13c: {  	[tilespmem:s29+$0xAB0] =	vst v35;
	v39 =	vld.idx.msk [tilespmem:v23+s12+$0x0], $0xffff  }
0x13d: {  	[tilespmem:s29+$0xB30] =	vst v36;
	v40 =	vld.idx.msk [tilespmem:v22+s12+$0x0], $0xffff  }
0x13e: {  	v33 =	vld.idx.msk [tilespmem:v20+s12+$0x0], $0xffff;
	[tilespmem:s29+$0x8E0] =	vst v30  }
0x13f: {  	v34 =	vld.idx.msk [tilespmem:v19+s12+$0x0], $0xffff;
	[tilespmem:s29+$0xBB0] =	vst v37  }
0x140: {  	v38 =	vld.idx.msk [tilespmem:v21+s12+$0x0], $0xffff;
	[tilespmem:s29+$0xC30] =	vst v8  }
0x141: {  	v30 =	vld.idx.msk [tilespmem:v24+s13+$0x0], $0xffff;
	[tilespmem:s29+$0x9E0] =	vst v39  }
0x142: {  	v8 =	vld.idx.msk [tilespmem:v18+s12+$0x0], $0xffff;
	[tilespmem:s29+$0xA60] =	vst v40  }
0x143: {  	[tilespmem:s29+$0xAE0] =	vst v33;
	v35 =	vld.idx.msk [tilespmem:v17+s12+$0x0], $0xffff  }
0x144: {  	[tilespmem:s29+$0xB60] =	vst v34;
	v37 =	vld.idx.msk [tilespmem:v23+s13+$0x0], $0xffff  }
0x145: {  	[tilespmem:s29+$0x960] =	vst v38;
	v38 =	vld.idx.msk [tilespmem:v22+s13+$0x0], $0xffff  }
0x146: {  	v39 =	vld.idx.msk [tilespmem:v20+s13+$0x0], $0xffff;
	[tilespmem:s29+$0xC90] =	vst v30  }
0x147: {  	v36 =	vld.idx.msk [tilespmem:v21+s13+$0x0], $0xffff;
	[tilespmem:s29+$0xBE0] =	vst v8  }
0x148: {  	v30 =	vld.idx.msk [tilespmem:v24+s14+$0x0], $0xffff;
	[tilespmem:s29+$0xC60] =	vst v35  }
0x149: {  	v8 =	vld.idx.msk [tilespmem:v19+s13+$0x0], $0xffff;
	[tilespmem:s29+$0xD90] =	vst v37  }
0x14a: {  	v40 =	vld.idx.msk [tilespmem:v18+s13+$0x0], $0xffff;
	[tilespmem:s29+$0xE10] =	vst v38  }
0x14b: {  	[tilespmem:s29+$0xE90] =	vst v39;
	v33 =	vld.idx.msk [tilespmem:v17+s13+$0x0], $0xffff  }
0x14c: {  	[tilespmem:s29+$0xD10] =	vst v36;
	v35 =	vld.idx.msk [tilespmem:v23+s14+$0x0], $0xffff  }
0x14d: {  	v36 =	vld.idx.msk [tilespmem:v22+s14+$0x0], $0xffff;
	[tilespmem:s29+$0xCC0] =	vst v30  }
0x14e: {  	v31 =	vld.idx.msk [tilespmem:v20+s14+$0x0], $0xffff;
	[tilespmem:s29+$0xF10] =	vst v8  }
0x14f: {  	v34 =	vld.idx.msk [tilespmem:v21+s14+$0x0], $0xffff;
	[tilespmem:s29+$0xF90] =	vst v40  }
0x150: {  	v30 =	vld.idx.msk [tilespmem:v24+s15+$0x0], $0xffff;
	[tilespmem:s29+$0x1010] =	vst v33  }
0x151: {  	v37 =	vld.idx.msk [tilespmem:v19+s14+$0x0], $0xffff;
	[tilespmem:s29+$0xDC0] =	vst v35  }
0x152: {  	v38 =	vld.idx.msk [tilespmem:v18+s14+$0x0], $0xffff;
	[tilespmem:s29+$0xE40] =	vst v36  }
0x153: {  	[tilespmem:s29+$0xEC0] =	vst v31;
	v39 =	vld.idx.msk [tilespmem:v17+s14+$0x0], $0xffff  }
0x154: {  	[tilespmem:s29+$0xD40] =	vst v34;
	v34 =	vld.idx.msk [tilespmem:v23+s15+$0x0], $0xffff  }
0x155: {  	v36 =	vld.idx.msk [tilespmem:v22+s15+$0x0], $0xffff;
	[tilespmem:s29+$0xCF0] =	vst v30  }
0x156: {  	v8 =	vnsel vm0, $0x3, v59;
	v30 =	vld.idx.msk [tilespmem:v24+s16+$0x0], $0xffff;
	[tilespmem:s29+$0xF40] =	vst v37  }
0x157: {  	v8 =	vsel vm1, v61, v8;
	v32 =	vld.idx.msk [tilespmem:v21+s15+$0x0], $0xffff;
	[tilespmem:s29+$0xFC0] =	vst v38  }
0x158: {  	v40 =	vshra.s32 v16, v8;
	v37 =	vld.idx.msk [tilespmem:v20+s15+$0x0], $0xffff;
	[tilespmem:s29+$0x1040] =	vst v39  }
0x159: {  	v33 =	vand.u32 $0x7, v40;
	v38 =	vld.idx.msk [tilespmem:v19+s15+$0x0], $0xffff;
	[tilespmem:s29+$0xDF0] =	vst v34  }
0x15a: {  	v35 =	vmul.u32 $0x82, v33;
	v33 =	vld.idx.msk [tilespmem:v18+s15+$0x0], $0xffff;
	[tilespmem:s29+$0xE70] =	vst v36  }
0x15b: {  	v34 =	vld.idx.msk [tilespmem:v17+s15+$0x0], $0xffff;
	[tilespmem:s29+$0x10A0] =	vst v30  }
0x15c: {  	[tilespmem:s29+$0xD70] =	vst v32;
	v30 =	vld.idx.msk [tilespmem:v24+s17+$0x0], $0xffff  }
0x15d: {  	v40 =	vld.idx.msk [tilespmem:v23+s16+$0x0], $0xffff;
	[tilespmem:s29+$0xEF0] =	vst v37;
	v24 =	vadd.s32 v57, v35  }
0x15e: {  	v36 =	vld.idx.msk [tilespmem:v22+s16+$0x0], $0xffff;
	[tilespmem:s29+$0xF70] =	vst v38  }
0x15f: {  	v35 =	vld.idx.msk [tilespmem:v21+s16+$0x0], $0xffff;
	[tilespmem:s29+$0xFF0] =	vst v33  }
0x160: {  	v37 =	vld.idx.msk [tilespmem:v20+s16+$0x0], $0xffff;
	[tilespmem:s29+$0x1070] =	vst v34  }
0x161: {  	v38 =	vld.idx.msk [tilespmem:v19+s16+$0x0], $0xffff;
	[tilespmem:s29+$0x10D0] =	vst v30  }
0x162: {  	[tilespmem:s29+$0x11A0] =	vst v40;
	v39 =	vld.idx.msk [tilespmem:v24+s2+$0x0], $0xffff  }
0x163: {  	v29 =	vld.idx.msk [tilespmem:v18+s16+$0x0], $0xffff;
	[tilespmem:s29+$0x1220] =	vst v36  }
0x164: {  	v33 =	vshrl.u32 v14, v8;
	[tilespmem:s29+$0x1120] =	vst v35;
	v30 =	vld.idx.msk [tilespmem:v17+s16+$0x0], $0xffff  }
0x165: {  	[tilespmem:s29+$0x12A0] =	vst v37;
	v37 =	vand.u32 $0x7, v33;
	v33 =	vld.idx.msk [tilespmem:v22+s17+$0x0], $0xffff  }
0x166: {  	v40 =	vshrl.u32 v13, v8;
	v34 =	vld.idx.msk [tilespmem:v21+s17+$0x0], $0xffff;
	[tilespmem:s29+$0x1320] =	vst v38  }
0x167: {  	v26 =	vand.u32 $0x7, v40;
	v21 =	vshrl.u32 v12, v8;
	v27 =	vld.idx.msk [tilespmem:v20+s17+$0x0], $0xffff;
	[tilespmem:s29+$0x890] =	vst v39;
	v39 =	vshrl.u32 v15, v8  }
0x168: {  	v26 =	vmul.u32 $0x82, v26;
	v22 =	vand.u32 $0x7, v21;
	[tilespmem:s29+$0x13A0] =	vst v29;
	v32 =	vld.idx.msk [tilespmem:v24+s11+$0x0], $0xffff;
	v31 =	vand.u32 $0x7, v39  }
0x169: {  	v38 =	vmul.u32 $0x82, v37;
	[tilespmem:s29+$0x1420] =	vst v30;
	v39 =	vmul.u32 $0x82, v22;
	v36 =	vmul.u32 $0x82, v31;
	v31 =	vld.idx.msk [tilespmem:v23+s17+$0x0], $0xffff  }
0x16a: {  	v22 =	vadd.s32 v57, v26;
	v26 =	vld.idx.msk [tilespmem:v19+s17+$0x0], $0xffff;
	v19 =	vshrl.u32 v10, v8;
	v23 =	vshrl.u32 v11, v8  }
0x16b: {  	v35 =	vld.idx.msk [tilespmem:v18+s17+$0x0], $0xffff;
	[tilespmem:s29+$0x1250] =	vst v33;
	v19 =	vand.u32 $0x7, v19;
	v20 =	vand.u32 $0x7, v23;
	v23 =	vadd.s32 v57, v38  }
0x16c: {  	v18 =	vshrl.u32 v9, v8;
	[tilespmem:s29+$0x1150] =	vst v34;
	v19 =	vmul.u32 $0x82, v19;
	v21 =	vadd.s32 v57, v36  }
0x16d: {  	v37 =	vand.u32 $0x7, v18;
	v38 =	vld.idx.msk [tilespmem:v17+s17+$0x0], $0xffff;
	v40 =	vmul.u32 $0x82, v20;
	v20 =	vadd.s32 v57, v39;
	[tilespmem:s29+$0x8C0] =	vst v32  }
0x16e: {  	v17 =	vmul.u32 $0x82, v37;
	v19 =	vadd.s32 v57, v19;
	v36 =	vld.idx.msk [tilespmem:v24+s12+$0x0], $0xffff;
	[tilespmem:s29+$0x11D0] =	vst v31  }
0x16f: {  	[tilespmem:s29+$0x12D0] =	vst v27;
	v18 =	vadd.s32 v57, v40;
	v31 =	vld.idx.msk [tilespmem:v22+s2+$0x0], $0xffff  }
0x170: {  	[tilespmem:s29+$0x13D0] =	vst v35;
	v17 =	vadd.s32 v57, v17;
	v40 =	vld.idx.msk [tilespmem:v23+s2+$0x0], $0xffff  }
0x171: {  	[tilespmem:s29+$0x1350] =	vst v26;
	v39 =	vld.idx.msk [tilespmem:v21+s2+$0x0], $0xffff  }
0x172: {  	[tilespmem:s29+$0x1450] =	vst v38;
	v33 =	vld.idx.msk [tilespmem:v20+s2+$0x0], $0xffff  }
0x173: {  	v35 =	vld.idx.msk [tilespmem:v19+s2+$0x0], $0xffff;
	[tilespmem:s29+$0x8F0] =	vst v36  }
0x174: {  	v34 =	vld.idx.msk [tilespmem:v18+s2+$0x0], $0xffff;
	[tilespmem:s29+$0x990] =	vst v31  }
0x175: {  	v36 =	vld.idx.msk [tilespmem:v17+s2+$0x0], $0xffff;
	[tilespmem:s29+$0xA10] =	vst v40  }
0x176: {  	v28 =	vld.idx.msk [tilespmem:v24+s13+$0x0], $0xffff;
	[tilespmem:s29+$0x910] =	vst v39  }
0x177: {  	v38 =	vld.idx.msk [tilespmem:v22+s11+$0x0], $0xffff;
	[tilespmem:s29+$0xA90] =	vst v33  }
0x178: {  	v39 =	vld.idx.msk [tilespmem:v23+s11+$0x0], $0xffff;
	[tilespmem:s29+$0xB90] =	vst v35  }
0x179: {  	v37 =	vld.idx.msk [tilespmem:v21+s11+$0x0], $0xffff;
	[tilespmem:s29+$0xB10] =	vst v34  }
0x17a: {  	v40 =	vld.idx.msk [tilespmem:v20+s11+$0x0], $0xffff;
	[tilespmem:s29+$0xC10] =	vst v36  }
0x17b: {  	v34 =	vld.idx.msk [tilespmem:v19+s11+$0x0], $0xffff;
	[tilespmem:s29+$0xCA0] =	vst v28  }
0x17c: {  	v33 =	vld.idx.msk [tilespmem:v18+s11+$0x0], $0xffff;
	[tilespmem:s29+$0x9C0] =	vst v38  }
0x17d: {  	v35 =	vld.idx.msk [tilespmem:v17+s11+$0x0], $0xffff;
	[tilespmem:s29+$0xA40] =	vst v39  }
0x17e: {  	v28 =	vld.idx.msk [tilespmem:v24+s14+$0x0], $0xffff;
	[tilespmem:s29+$0x940] =	vst v37  }
0x17f: {  	v36 =	vld.idx.msk [tilespmem:v22+s12+$0x0], $0xffff;
	[tilespmem:s29+$0xAC0] =	vst v40  }
0x180: {  	v37 =	vld.idx.msk [tilespmem:v23+s12+$0x0], $0xffff;
	[tilespmem:s29+$0xBC0] =	vst v34  }
0x181: {  	v31 =	vld.idx.msk [tilespmem:v21+s12+$0x0], $0xffff;
	[tilespmem:s29+$0xB40] =	vst v33  }
0x182: {  	v38 =	vld.idx.msk [tilespmem:v20+s12+$0x0], $0xffff;
	[tilespmem:s29+$0xC40] =	vst v35  }
0x183: {  	v40 =	vld.idx.msk [tilespmem:v19+s12+$0x0], $0xffff;
	[tilespmem:s29+$0xCD0] =	vst v28  }
0x184: {  	v39 =	vld.idx.msk [tilespmem:v18+s12+$0x0], $0xffff;
	[tilespmem:s29+$0x9F0] =	vst v36  }
0x185: {  	v33 =	vld.idx.msk [tilespmem:v17+s12+$0x0], $0xffff;
	[tilespmem:s29+$0xA70] =	vst v37  }
0x186: {  	v28 =	vld.idx.msk [tilespmem:v24+s15+$0x0], $0xffff;
	[tilespmem:s29+$0x970] =	vst v31  }
0x187: {  	v34 =	vld.idx.msk [tilespmem:v22+s13+$0x0], $0xffff;
	[tilespmem:s29+$0xAF0] =	vst v38  }
0x188: {  	v35 =	vld.idx.msk [tilespmem:v23+s13+$0x0], $0xffff;
	[tilespmem:s29+$0xBF0] =	vst v40  }
0x189: {  	v31 =	vld.idx.msk [tilespmem:v21+s13+$0x0], $0xffff;
	[tilespmem:s29+$0xB70] =	vst v39  }
0x18a: {  	v36 =	vld.idx.msk [tilespmem:v20+s13+$0x0], $0xffff;
	[tilespmem:s29+$0xC70] =	vst v33  }
0x18b: {  	v38 =	vld.idx.msk [tilespmem:v19+s13+$0x0], $0xffff;
	[tilespmem:s29+$0x1080] =	vst v28  }
0x18c: {  	v37 =	vld.idx.msk [tilespmem:v18+s13+$0x0], $0xffff;
	[tilespmem:s29+$0xDA0] =	vst v34  }
0x18d: {  	v39 =	vld.idx.msk [tilespmem:v17+s13+$0x0], $0xffff;
	[tilespmem:s29+$0xE20] =	vst v35  }
0x18e: {  	v28 =	vld.idx.msk [tilespmem:v24+s16+$0x0], $0xffff;
	[tilespmem:s29+$0xD20] =	vst v31  }
0x18f: {  	v33 =	vld.idx.msk [tilespmem:v22+s14+$0x0], $0xffff;
	[tilespmem:s29+$0xEA0] =	vst v36  }
0x190: {  	v34 =	vld.idx.msk [tilespmem:v23+s14+$0x0], $0xffff;
	[tilespmem:s29+$0xFA0] =	vst v38  }
0x191: {  	v40 =	vld.idx.msk [tilespmem:v21+s14+$0x0], $0xffff;
	[tilespmem:s29+$0xF20] =	vst v37  }
0x192: {  	v35 =	vld.idx.msk [tilespmem:v20+s14+$0x0], $0xffff;
	[tilespmem:s29+$0x1020] =	vst v39  }
0x193: {  	v37 =	vld.idx.msk [tilespmem:v19+s14+$0x0], $0xffff;
	[tilespmem:s29+$0x10B0] =	vst v28  }
0x194: {  	v36 =	vld.idx.msk [tilespmem:v18+s14+$0x0], $0xffff;
	[tilespmem:s29+$0xDD0] =	vst v33  }
0x195: {  	v16 =	vshra.s32 v16, v62;
	v38 =	vld.idx.msk [tilespmem:v17+s14+$0x0], $0xffff;
	[tilespmem:s29+$0xE50] =	vst v34  }
0x196: {  	v16 =	vand.u32 $0x7, v16;
	v24 =	vld.idx.msk [tilespmem:v24+s17+$0x0], $0xffff;
	[tilespmem:s29+$0xD50] =	vst v40  }
0x197: {  	v16 =	vmul.u32 $0x82, v16;
	v33 =	vld.idx.msk [tilespmem:v22+s15+$0x0], $0xffff;
	[tilespmem:s29+$0xED0] =	vst v35  }
0x198: {  	v34 =	vld.idx.msk [tilespmem:v23+s15+$0x0], $0xffff;
	[tilespmem:s29+$0xFD0] =	vst v37  }
0x199: {  	v16 =	vadd.s32 v63, v16;
	v40 =	vld.idx.msk [tilespmem:v21+s15+$0x0], $0xffff;
	[tilespmem:s29+$0xF50] =	vst v36  }
0x19a: {  	v35 =	vld.idx.msk [tilespmem:v20+s15+$0x0], $0xffff;
	[tilespmem:s29+$0x1050] =	vst v38  }
0x19b: {  	v37 =	vld.idx.msk [tilespmem:v19+s15+$0x0], $0xffff;
	[tilespmem:s29+$0x10E0] =	vst v24  }
0x19c: {  	v36 =	vld.idx.msk [tilespmem:v18+s15+$0x0], $0xffff;
	[tilespmem:s29+$0x1180] =	vst v33  }
0x19d: {  	v38 =	vld.idx.msk [tilespmem:v17+s15+$0x0], $0xffff;
	[tilespmem:s29+$0x1200] =	vst v34  }
0x19e: {  	v39 =	vld.idx.msk [tilespmem:v16+s2+$0x0], $0xffff;
	[tilespmem:s29+$0x1100] =	vst v40  }
0x19f: {  	v40 =	vld.idx.msk [tilespmem:v22+s16+$0x0], $0xffff;
	[tilespmem:s29+$0x1280] =	vst v35  }
0x1a0: {  	v32 =	vld.idx.msk [tilespmem:v23+s16+$0x0], $0xffff;
	[tilespmem:s29+$0x1380] =	vst v37  }
0x1a1: {  	v33 =	vld.idx.msk [tilespmem:v20+s16+$0x0], $0xffff;
	[tilespmem:s29+$0x1300] =	vst v36  }
0x1a2: {  	v35 =	vld.idx.msk [tilespmem:v19+s16+$0x0], $0xffff;
	[tilespmem:s29+$0x1400] =	vst v38  }
0x1a3: {  	v34 =	vld.idx.msk [tilespmem:v18+s16+$0x0], $0xffff;
	[tilespmem:s29+$0x8A0] =	vst v39  }
0x1a4: {  	v39 =	vld.idx.msk [tilespmem:v21+s16+$0x0], $0xffff;
	[tilespmem:s29+$0x11B0] =	vst v40  }
0x1a5: {  	v14 =	vshrl.u32 v14, v62;
	v28 =	vld.idx.msk [tilespmem:v16+s11+$0x0], $0xffff;
	[tilespmem:s29+$0x1230] =	vst v32  }
0x1a6: {  	v14 =	vand.u32 $0x7, v14;
	v12 =	vshrl.u32 v12, v62;
	v36 =	vld.idx.msk [tilespmem:v17+s16+$0x0], $0xffff;
	[tilespmem:s29+$0x12B0] =	vst v33  }
0x1a7: {  	v14 =	vmul.u32 $0x82, v14;
	v12 =	vand.u32 $0x7, v12;
	v23 =	vld.idx.msk [tilespmem:v23+s17+$0x0], $0xffff;
	[tilespmem:s29+$0x13B0] =	vst v35  }
0x1a8: {  	v13 =	vshrl.u32 v13, v62;
	v38 =	vmul.u32 $0x82, v12;
	v20 =	vld.idx.msk [tilespmem:v20+s17+$0x0], $0xffff;
	[tilespmem:s29+$0x1330] =	vst v34  }
0x1a9: {  	v13 =	vand.u32 $0x7, v13;
	v12 =	vadd.s32 v63, v14;
	[tilespmem:s29+$0x1130] =	vst v39;
	v18 =	vld.idx.msk [tilespmem:v18+s17+$0x0], $0xffff  }
0x1aa: {  	v13 =	vmul.u32 $0x82, v13;
	v15 =	vshrl.u32 v15, v62;
	v14 =	vadd.s32 v63, v38;
	[tilespmem:s29+$0x8D0] =	vst v28;
	v21 =	vld.idx.msk [tilespmem:v21+s17+$0x0], $0xffff  }
0x1ab: {  	v15 =	vand.u32 $0x7, v15;
	[tilespmem:s29+$0x1430] =	vst v36;
	v28 =	vld.idx.msk [tilespmem:v16+s12+$0x0], $0xffff  }
0x1ac: {  	v13 =	vadd.s32 v63, v13;
	v15 =	vmul.u32 $0x82, v15;
	v11 =	vshrl.u32 v11, v62;
	v22 =	vld.idx.msk [tilespmem:v22+s17+$0x0], $0xffff;
	[tilespmem:s29+$0x1260] =	vst v23  }
0x1ad: {  	v9 =	vshrl.u32 v9, v62;
	v10 =	vshrl.u32 v10, v62;
	v11 =	vand.u32 $0x7, v11;
	v19 =	vld.idx.msk [tilespmem:v19+s17+$0x0], $0xffff;
	[tilespmem:s29+$0x12E0] =	vst v20  }
0x1ae: {  	v10 =	vand.u32 $0x7, v10;
	v15 =	vadd.s32 v63, v15;
	v11 =	vmul.u32 $0x82, v11;
	v20 =	vld.idx.msk [tilespmem:v12+s2+$0x0], $0xffff;
	[tilespmem:s29+$0x1360] =	vst v18  }
0x1af: {  	v9 =	vand.u32 $0x7, v9;
	v18 =	vld.idx.msk [tilespmem:v14+s2+$0x0], $0xffff;
	[tilespmem:s29+$0x1160] =	vst v21;
	v21 =	vmul.u32 $0x82, v10  }
0x1b0: {  	v9 =	vmul.u32 $0x82, v9;
	v17 =	vld.idx.msk [tilespmem:v17+s17+$0x0], $0xffff;
	v10 =	vadd.s32 v63, v11;
	[tilespmem:s29+$0xC80] =	vst v28  }
0x1b1: {  	[tilespmem:s29+$0x11E0] =	vst v22;
	v37 =	vld.idx.msk [tilespmem:v16+s13+$0x0], $0xffff;
	v11 =	vadd.s32 v63, v21  }
0x1b2: {  	v9 =	vadd.s32 v63, v9;
	[tilespmem:s29+$0x13E0] =	vst v19;
	v21 =	vld.idx.msk [tilespmem:v13+s2+$0x0], $0xffff  }
0x1b3: {  	v22 =	vld.idx.msk [tilespmem:v15+s2+$0x0], $0xffff;
	[tilespmem:s29+$0xA20] =	vst v20  }
0x1b4: {  	[tilespmem:s29+$0xAA0] =	vst v18;
	v18 =	vld.idx.msk [tilespmem:v12+s11+$0x0], $0xffff  }
0x1b5: {  	[tilespmem:s29+$0x1460] =	vst v17;
	v19 =	vld.idx.msk [tilespmem:v10+s2+$0x0], $0xffff  }
0x1b6: {  	[tilespmem:s29+$0xCB0] =	vst v37;
	v17 =	vld.idx.msk [tilespmem:v11+s2+$0x0], $0xffff  }
0x1b7: {  	[tilespmem:s29+$0x9A0] =	vst v21;
	v21 =	vld.idx.msk [tilespmem:v9+s2+$0x0], $0xffff  }
0x1b8: {  	v23 =	vld.idx.msk [tilespmem:v16+s14+$0x0], $0xffff  }
0x1b9: {  	[tilespmem:s29+$0x920] =	vst v22;
	v20 =	vld.idx.msk [tilespmem:v13+s11+$0x0], $0xffff  }
0x1ba: {  	v22 =	vld.idx.msk [tilespmem:v15+s11+$0x0], $0xffff;
	[tilespmem:s29+$0xB20] =	vst v19  }
0x1bb: {  	v19 =	vld.idx.msk [tilespmem:v14+s11+$0x0], $0xffff;
	[tilespmem:s29+$0xBA0] =	vst v17  }
0x1bc: {  	v17 =	vld.idx.msk [tilespmem:v10+s11+$0x0], $0xffff;
	[tilespmem:s29+$0xC20] =	vst v21  }
0x1bd: {  	[tilespmem:s29+$0xCE0] =	vst v23;
	v21 =	vld.idx.msk [tilespmem:v11+s11+$0x0], $0xffff  }
0x1be: {  	[tilespmem:s29+$0x9D0] =	vst v20;
	v20 =	vld.idx.msk [tilespmem:v9+s11+$0x0], $0xffff  }
0x1bf: {  	[tilespmem:s29+$0x950] =	vst v22;
	v23 =	vld.idx.msk [tilespmem:v16+s15+$0x0], $0xffff  }
0x1c0: {  	[tilespmem:s29+$0xA50] =	vst v18;
	v22 =	vld.idx.msk [tilespmem:v15+s12+$0x0], $0xffff  }
0x1c1: {  	v18 =	vld.idx.msk [tilespmem:v13+s12+$0x0], $0xffff;
	[tilespmem:s29+$0xAD0] =	vst v19  }
0x1c2: {  	v19 =	vld.idx.msk [tilespmem:v12+s12+$0x0], $0xffff;
	[tilespmem:s29+$0xB50] =	vst v17  }
0x1c3: {  	v17 =	vld.idx.msk [tilespmem:v14+s12+$0x0], $0xffff;
	[tilespmem:s29+$0xBD0] =	vst v21  }
0x1c4: {  	v21 =	vld.idx.msk [tilespmem:v10+s12+$0x0], $0xffff;
	[tilespmem:s29+$0x1090] =	vst v23  }
0x1c5: {  	[tilespmem:s29+$0xC50] =	vst v20;
	v23 =	vld.idx.msk [tilespmem:v16+s16+$0x0], $0xffff  }
0x1c6: {  	[tilespmem:s29+$0xD00] =	vst v22;
	v20 =	vld.idx.msk [tilespmem:v11+s12+$0x0], $0xffff  }
0x1c7: {  	v22 =	vld.idx.msk [tilespmem:v9+s12+$0x0], $0xffff;
	[tilespmem:s29+$0xD80] =	vst v18  }
0x1c8: {  	v18 =	vld.idx.msk [tilespmem:v15+s13+$0x0], $0xffff;
	[tilespmem:s29+$0xE00] =	vst v19  }
0x1c9: {  	v19 =	vld.idx.msk [tilespmem:v13+s13+$0x0], $0xffff;
	[tilespmem:s29+$0xE80] =	vst v17  }
0x1ca: {  	v17 =	vld.idx.msk [tilespmem:v12+s13+$0x0], $0xffff;
	[tilespmem:s29+$0x10C0] =	vst v23  }
0x1cb: {  	[tilespmem:s29+$0xF00] =	vst v21;
	v16 =	vld.idx.msk [tilespmem:v16+s17+$0x0], $0xffff  }
0x1cc: {  	v21 =	vld.idx.msk [tilespmem:v14+s13+$0x0], $0xffff;
	[tilespmem:s29+$0xF80] =	vst v20  }
0x1cd: {  	v20 =	vld.idx.msk [tilespmem:v10+s13+$0x0], $0xffff;
	[tilespmem:s29+$0x1000] =	vst v22  }
0x1ce: {  	[tilespmem:s29+$0xD30] =	vst v18;
	v22 =	vld.idx.msk [tilespmem:v9+s13+$0x0], $0xffff  }
0x1cf: {  	v23 =	vld.idx.msk [tilespmem:v15+s14+$0x0], $0xffff;
	[tilespmem:s29+$0xDB0] =	vst v19  }
0x1d0: {  	[tilespmem:s29+$0x10F0] =	vst v16;
	v16 =	vld.idx.msk [tilespmem:v11+s13+$0x0], $0xffff  }
0x1d1: {  	v39 =	vld.idx.msk [tilespmem:v13+s14+$0x0], $0xffff;
	[tilespmem:s29+$0xE30] =	vst v17  }
0x1d2: {  	v40 =	vld.idx.msk [tilespmem:v12+s14+$0x0], $0xffff;
	[tilespmem:s29+$0xEB0] =	vst v21  }
0x1d3: {  	v21 =	vld.idx.msk [tilespmem:v14+s14+$0x0], $0xffff;
	[tilespmem:s29+$0xF30] =	vst v20  }
0x1d4: {  	v19 =	vld.idx.msk [tilespmem:v10+s14+$0x0], $0xffff;
	[tilespmem:s29+$0x1030] =	vst v22  }
0x1d5: {  	v20 =	vld.idx.msk [tilespmem:v9+s14+$0x0], $0xffff;
	[tilespmem:s29+$0xFB0] =	vst v16  }
0x1d6: {  	[tilespmem:s29+$0xD60] =	vst v23;
	v18 =	vld.idx.msk [tilespmem:v11+s14+$0x0], $0xffff  }
0x1d7: {  	v17 =	vld.idx.msk [tilespmem:v15+s15+$0x0], $0xffff;
	[tilespmem:s29+$0xDE0] =	vst v39  }
0x1d8: {  	s30 =	simm.s32 $0x8;
	[tilespmem:s29+$0xE60] =	vst v40;
	v16 =	vld.idx.msk [tilespmem:v13+s15+$0x0], $0xffff  }
.LBB2_6:
0x1d9: {  	s0 =	sor.u32 s23, s30;
	p0 =	slt.u32 s30, $0x38;
	v22 =	vld.idx.msk [tilespmem:v12+s15+$0x0], $0xffff;
	[tilespmem:s29+$0xEE0] =	vst v21  }
0x1da: {  	p2 =	sne.s32 s30, $0x0;
	p1 =	seq.s32 s0, $0x0;
	v21 =	vld.idx.msk [tilespmem:v14+s15+$0x0], $0xffff;
	[tilespmem:s29+$0xF60] =	vst v19  }
0x1db: {  	p1 =	por !p2, !p1;
	v19 =	vld.idx.msk [tilespmem:v10+s15+$0x0], $0xffff;
	[tilespmem:s29+$0xFE0] =	vst v18  }
0x1dc: {  	s0 =	simm.s32 $0x1;
	p1 =	por !p1, !p1;
	v18 =	vld.idx.msk [tilespmem:v11+s15+$0x0], $0xffff;
	[tilespmem:s29+$0x1060] =	vst v20  }
0x1dd: {  	s0 =	simm.s32 @!p1 $0x0;
	[tilespmem:s29+$0x1110] =	vst v17;
	v17 =	vld.idx.msk [tilespmem:v9+s15+$0x0], $0xffff  }
0x1de: {  	s0 =	ssub.s32 s23, s0;
	v20 =	vld.idx.msk [tilespmem:v15+s16+$0x0], $0xffff;
	[tilespmem:s29+$0x1190] =	vst v16  }
0x1df: {  	s31 =	sshrl.u32 s30, $0x3;
	s0 =	sshll.u32 s0, $0x3;
	v23 =	vld.idx.msk [tilespmem:v13+s16+$0x0], $0xffff;
	[tilespmem:s29+$0x1210] =	vst v22  }
0x1e0: {  	s3 =	sadd.s32 s26, s31;
	s6 =	sadd.s32 s28, s31;
	s0 =	sadd.s32 s31, s0;
	v22 =	vld.idx.msk [tilespmem:v12+s16+$0x0], $0xffff;
	[tilespmem:s29+$0x1290] =	vst v21  }
0x1e1: {  	s10 =	sor.u32 $0x80, s3;
	s19 =	sor.u32 $0xC0, s6;
	v16 =	vmov s0;
	s0 =	sor.u32 $0x40, s3;
	v21 =	vld.idx.msk [tilespmem:v14+s16+$0x0], $0xffff;
	[tilespmem:s29+$0x1310] =	vst v19  }
0x1e2: {  	v24 =	vmov s10;
	s10 =	sor.u32 $0x140, s3;
	v19 =	vshra.s32 v16, v56;
	v27 =	vmov s0;
	s0 =	sor.u32 $0x100, s3;
	s3 =	sor.u32 $0x180, s3;
	v32 =	vld.idx.msk [tilespmem:v10+s16+$0x0], $0xffff;
	[tilespmem:s29+$0x1390] =	vst v18  }
0x1e3: {  	v28 =	vmov s19;
	v18 =	vand.u32 $0x7, v19;
	v25 =	vmov s0;
	s0 =	sor.u32 $0x1C0, s6;
	v19 =	vld.idx.msk [tilespmem:v11+s16+$0x0], $0xffff;
	[tilespmem:s29+$0x1410] =	vst v17  }
0x1e4: {  	v29 =	vmov s10;
	v26 =	vmov s3;
	v17 =	vmul.u32 $0x82, v18;
	[tilespmem:s29+$0x1140] =	vst v20;
	v18 =	vld.idx.msk [tilespmem:v9+s16+$0x0], $0xffff  }
0x1e5: {  	v33 =	vshrl.u32 v24, v56;
	v20 =	vshrl.u32 v27, v56;
	v30 =	vmov s0;
	v15 =	vld.idx.msk [tilespmem:v15+s17+$0x0], $0xffff;
	[tilespmem:s29+$0x11C0] =	vst v23  }
0x1e6: {  	v23 =	vshrl.u32 v25, v56;
	v31 =	vadd.s32 v60, v17;
	v17 =	vshrl.u32 v28, v56;
	[tilespmem:s29+$0x1240] =	vst v22  }
0x1e7: {  	v34 =	vshrl.u32 v26, v56;
	v35 =	vshrl.u32 v30, v56;
	v22 =	vshrl.u32 v29, v56;
	[tilespmem:s29+$0x12C0] =	vst v21  }
0x1e8: {  	v20 =	vand.u32 $0x7, v20;
	v21 =	vand.u32 $0x7, v33;
	v17 =	vand.u32 $0x7, v17;
	v13 =	vld.idx.msk [tilespmem:v13+s17+$0x0], $0xffff;
	[tilespmem:s29+$0x1340] =	vst v32  }
0x1e9: {  	v23 =	vand.u32 $0x7, v23;
	v22 =	vand.u32 $0x7, v22;
	v32 =	vand.u32 $0x7, v34;
	v12 =	vld.idx.msk [tilespmem:v12+s17+$0x0], $0xffff;
	[tilespmem:s29+$0x13C0] =	vst v19  }
0x1ea: {  	v33 =	vand.u32 $0x7, v35;
	v19 =	vmul.u32 $0x82, v20;
	v20 =	vmul.u32 $0x82, v21;
	v14 =	vld.idx.msk [tilespmem:v14+s17+$0x0], $0xffff;
	[tilespmem:s29+$0x1440] =	vst v18  }
0x1eb: {  	v17 =	vmul.u32 $0x82, v17;
	v35 =	vmul.u32 $0x82, v22;
	v18 =	vmul.u32 $0x82, v23;
	v34 =	vld.idx.msk [tilespmem:v31+s2+$0x0], $0xffff;
	[tilespmem:s29+$0x1170] =	vst v15  }
0x1ec: {  	v21 =	vadd.s32 v60, v19;
	v15 =	vmul.u32 $0x82, v32;
	v32 =	vmul.u32 $0x82, v33;
	v10 =	vld.idx.msk [tilespmem:v10+s17+$0x0], $0xffff  }
0x1ed: {  	v22 =	vadd.s32 v60, v17;
	v23 =	vadd.s32 v60, v20;
	v19 =	vadd.s32 v60, v18;
	v11 =	vld.idx.msk [tilespmem:v11+s17+$0x0], $0xffff  }
0x1ee: {  	s0 =	smul.u32 $0x3000, s31;
	v20 =	vadd.s32 v60, v35;
	v18 =	vadd.s32 v60, v15;
	v17 =	vadd.s32 v60, v32;
	v9 =	vld.idx.msk [tilespmem:v9+s17+$0x0], $0xffff  }
0x1ef: {  	v33 =	vshrl.u32 v28, v62;
	v15 =	vshrl.u32 v27, v62;
	v32 =	vshrl.u32 v24, v62;
	[tilespmem:s29+$0x11F0] =	vst v13  }
0x1f0: {  	v36 =	vshrl.u32 v26, v62;
	s0 =	sshra.s32 s0, $0x2;
	v35 =	vshrl.u32 v29, v62;
	v13 =	vshrl.u32 v25, v62;
	[tilespmem:s29+$0x1270] =	vst v12  }
0x1f1: {  	v12 =	vand.u32 $0x7, v15;
	v15 =	vand.u32 $0x7, v32;
	v32 =	vshrl.u32 v30, v62;
	[tilespmem:s0+$0x880] =	vst v34;
	v34 =	vld.idx.msk [tilespmem:v21+s2+$0x0], $0xffff  }
0x1f2: {  	v33 =	vand.u32 $0x7, v33;
	v35 =	vand.u32 $0x7, v35;
	v13 =	vand.u32 $0x7, v13;
	v37 =	vld.idx.msk [tilespmem:v31+s11+$0x0], $0xffff;
	[tilespmem:s29+$0x12F0] =	vst v14  }
0x1f3: {  	v12 =	vmul.u32 $0x82, v12;
	v32 =	vand.u32 $0x7, v32;
	v14 =	vand.u32 $0x7, v36;
	v38 =	vld.idx.msk [tilespmem:v23+s2+$0x0], $0xffff;
	[tilespmem:s29+$0x1370] =	vst v10  }
0x1f4: {  	v33 =	vmul.u32 $0x82, v33;
	v39 =	vmul.u32 $0x82, v13;
	v10 =	vmul.u32 $0x82, v15;
	v36 =	vld.idx.msk [tilespmem:v22+s2+$0x0], $0xffff;
	[tilespmem:s29+$0x13F0] =	vst v11  }
0x1f5: {  	v32 =	vmul.u32 $0x82, v32;
	v11 =	vmul.u32 $0x82, v35;
	v35 =	vmul.u32 $0x82, v14;
	v40 =	vld.idx.msk [tilespmem:v19+s2+$0x0], $0xffff;
	[tilespmem:s29+$0x1470] =	vst v9;
	s29 =	smov.u32 s0  }
0x1f6: {  	v15 =	vadd.s32 v63, v12;
	v12 =	vadd.s32 v63, v33;
	v13 =	vadd.s32 v63, v10;
	v33 =	vld.idx.msk [tilespmem:v20+s2+$0x0], $0xffff  }
0x1f7: {  	v14 =	vadd.s32 v63, v39;
	v10 =	vadd.s32 v63, v11;
	[tilespmem:s29+$0x900] =	vst v34;
	v34 =	vld.idx.msk [tilespmem:v18+s2+$0x0], $0xffff  }
0x1f8: {  	v9 =	vadd.s32 v63, v32;
	v11 =	vadd.s32 v63, v35;
	[tilespmem:s29+$0x8B0] =	vst v37;
	v35 =	vld.idx.msk [tilespmem:v17+s2+$0x0], $0xffff  }
0x1f9: {  	v32 =	vld.idx.msk [tilespmem:v31+s12+$0x0], $0xffff;
	[tilespmem:s29+$0x980] =	vst v38  }
0x1fa: {  	v37 =	vld.idx.msk [tilespmem:v21+s11+$0x0], $0xffff;
	[tilespmem:s29+$0xA00] =	vst v36  }
0x1fb: {  	v36 =	vld.idx.msk [tilespmem:v23+s11+$0x0], $0xffff;
	[tilespmem:s29+$0xA80] =	vst v40  }
0x1fc: {  	v38 =	vld.idx.msk [tilespmem:v22+s11+$0x0], $0xffff;
	[tilespmem:s29+$0xB00] =	vst v33  }
0x1fd: {  	v33 =	vld.idx.msk [tilespmem:v19+s11+$0x0], $0xffff;
	[tilespmem:s29+$0xB80] =	vst v34  }
0x1fe: {  	v34 =	vld.idx.msk [tilespmem:v20+s11+$0x0], $0xffff;
	[tilespmem:s29+$0xC00] =	vst v35  }
0x1ff: {  	[tilespmem:s29+$0x8E0] =	vst v32;
	v32 =	vld.idx.msk [tilespmem:v18+s11+$0x0], $0xffff  }
0x200: {  	v35 =	vld.idx.msk [tilespmem:v31+s13+$0x0], $0xffff;
	[tilespmem:s29+$0x930] =	vst v37  }
0x201: {  	[tilespmem:s29+$0x9B0] =	vst v36;
	v36 =	vld.idx.msk [tilespmem:v17+s11+$0x0], $0xffff  }
0x202: {  	v37 =	vld.idx.msk [tilespmem:v21+s12+$0x0], $0xffff;
	[tilespmem:s29+$0xA30] =	vst v38  }
0x203: {  	v38 =	vld.idx.msk [tilespmem:v23+s12+$0x0], $0xffff;
	[tilespmem:s29+$0xAB0] =	vst v33  }
0x204: {  	v33 =	vld.idx.msk [tilespmem:v22+s12+$0x0], $0xffff;
	[tilespmem:s29+$0xB30] =	vst v34  }
0x205: {  	v34 =	vld.idx.msk [tilespmem:v19+s12+$0x0], $0xffff;
	[tilespmem:s29+$0xBB0] =	vst v32  }
0x206: {  	[tilespmem:s29+$0xC90] =	vst v35;
	v32 =	vld.idx.msk [tilespmem:v20+s12+$0x0], $0xffff  }
0x207: {  	v35 =	vld.idx.msk [tilespmem:v31+s14+$0x0], $0xffff;
	[tilespmem:s29+$0xC30] =	vst v36  }
0x208: {  	[tilespmem:s29+$0x960] =	vst v37;
	v36 =	vld.idx.msk [tilespmem:v18+s12+$0x0], $0xffff  }
0x209: {  	[tilespmem:s29+$0x9E0] =	vst v38;
	v37 =	vld.idx.msk [tilespmem:v17+s12+$0x0], $0xffff  }
0x20a: {  	v38 =	vld.idx.msk [tilespmem:v21+s13+$0x0], $0xffff;
	[tilespmem:s29+$0xA60] =	vst v33  }
0x20b: {  	v33 =	vld.idx.msk [tilespmem:v23+s13+$0x0], $0xffff;
	[tilespmem:s29+$0xAE0] =	vst v34  }
0x20c: {  	v34 =	vld.idx.msk [tilespmem:v22+s13+$0x0], $0xffff;
	[tilespmem:s29+$0xB60] =	vst v32  }
0x20d: {  	[tilespmem:s29+$0xCC0] =	vst v35;
	v32 =	vld.idx.msk [tilespmem:v19+s13+$0x0], $0xffff  }
0x20e: {  	v35 =	vld.idx.msk [tilespmem:v31+s15+$0x0], $0xffff;
	[tilespmem:s29+$0xBE0] =	vst v36  }
0x20f: {  	v36 =	vld.idx.msk [tilespmem:v20+s13+$0x0], $0xffff;
	[tilespmem:s29+$0xC60] =	vst v37  }
0x210: {  	[tilespmem:s29+$0xD10] =	vst v38;
	v37 =	vld.idx.msk [tilespmem:v18+s13+$0x0], $0xffff  }
0x211: {  	[tilespmem:s29+$0xD90] =	vst v33;
	v33 =	vld.idx.msk [tilespmem:v17+s13+$0x0], $0xffff  }
0x212: {  	v38 =	vld.idx.msk [tilespmem:v21+s14+$0x0], $0xffff;
	[tilespmem:s29+$0xE10] =	vst v34  }
0x213: {  	v34 =	vld.idx.msk [tilespmem:v23+s14+$0x0], $0xffff;
	[tilespmem:s29+$0xE90] =	vst v32  }
0x214: {  	[tilespmem:s29+$0xCF0] =	vst v35;
	v32 =	vld.idx.msk [tilespmem:v22+s14+$0x0], $0xffff  }
0x215: {  	v35 =	vld.idx.msk [tilespmem:v31+s16+$0x0], $0xffff;
	[tilespmem:s29+$0xF10] =	vst v36  }
0x216: {  	v36 =	vld.idx.msk [tilespmem:v19+s14+$0x0], $0xffff;
	[tilespmem:s29+$0xF90] =	vst v37  }
0x217: {  	v37 =	vld.idx.msk [tilespmem:v20+s14+$0x0], $0xffff;
	[tilespmem:s29+$0x1010] =	vst v33  }
0x218: {  	[tilespmem:s29+$0xD40] =	vst v38;
	v33 =	vld.idx.msk [tilespmem:v18+s14+$0x0], $0xffff  }
0x219: {  	[tilespmem:s29+$0xDC0] =	vst v34;
	v34 =	vld.idx.msk [tilespmem:v17+s14+$0x0], $0xffff  }
0x21a: {  	v27 =	vshrl.u32 v27, v8;
	v38 =	vshra.s32 v16, v8;
	v39 =	vld.idx.msk [tilespmem:v21+s15+$0x0], $0xffff;
	[tilespmem:s29+$0xE40] =	vst v32  }
0x21b: {  	v28 =	vshrl.u32 v28, v8;
	v24 =	vshrl.u32 v24, v8;
	v32 =	vand.u32 $0x7, v38;
	[tilespmem:s29+$0x10A0] =	vst v35;
	v35 =	vld.idx.msk [tilespmem:v23+s15+$0x0], $0xffff  }
0x21c: {  	v29 =	vshrl.u32 v29, v8;
	v25 =	vshrl.u32 v25, v8;
	v38 =	vld.idx.msk [tilespmem:v31+s17+$0x0], $0xffff;
	v31 =	vmul.u32 $0x82, v32;
	[tilespmem:s29+$0xEC0] =	vst v36  }
0x21d: {  	v26 =	vshrl.u32 v26, v8;
	v27 =	vand.u32 $0x7, v27;
	v30 =	vshrl.u32 v30, v8;
	v32 =	vld.idx.msk [tilespmem:v22+s15+$0x0], $0xffff;
	[tilespmem:s29+$0xF40] =	vst v37  }
0x21e: {  	v28 =	vand.u32 $0x7, v28;
	v24 =	vand.u32 $0x7, v24;
	v31 =	vadd.s32 v57, v31;
	v36 =	vld.idx.msk [tilespmem:v19+s15+$0x0], $0xffff;
	[tilespmem:s29+$0xFC0] =	vst v33  }
0x21f: {  	v26 =	vand.u32 $0x7, v26;
	v29 =	vand.u32 $0x7, v29;
	v25 =	vand.u32 $0x7, v25;
	v33 =	vld.idx.msk [tilespmem:v20+s15+$0x0], $0xffff;
	[tilespmem:s29+$0x1040] =	vst v34  }
0x220: {  	v27 =	vmul.u32 $0x82, v27;
	v24 =	vmul.u32 $0x82, v24;
	v30 =	vand.u32 $0x7, v30;
	[tilespmem:s29+$0xD70] =	vst v39;
	v34 =	vld.idx.msk [tilespmem:v18+s15+$0x0], $0xffff  }
0x221: {  	v28 =	vmul.u32 $0x82, v28;
	v25 =	vmul.u32 $0x82, v25;
	[tilespmem:s29+$0xDF0] =	vst v35;
	v35 =	vmul.u32 $0x82, v29;
	v37 =	vld.idx.msk [tilespmem:v17+s15+$0x0], $0xffff  }
0x222: {  	v26 =	vmul.u32 $0x82, v26;
	v27 =	vadd.s32 v57, v27;
	v39 =	vmul.u32 $0x82, v30;
	[tilespmem:s29+$0x10D0] =	vst v38;
	v38 =	vld.idx.msk [tilespmem:v21+s16+$0x0], $0xffff  }
0x223: {  	v28 =	vadd.s32 v57, v28;
	v30 =	vadd.s32 v57, v24;
	v40 =	vld.idx.msk [tilespmem:v31+s2+$0x0], $0xffff;
	[tilespmem:s29+$0xE70] =	vst v32  }
0x224: {  	v29 =	vadd.s32 v57, v25;
	v25 =	vadd.s32 v57, v35;
	v32 =	vld.idx.msk [tilespmem:v23+s16+$0x0], $0xffff;
	[tilespmem:s29+$0xEF0] =	vst v36  }
0x225: {  	v26 =	vadd.s32 v57, v26;
	v24 =	vadd.s32 v57, v39;
	v35 =	vld.idx.msk [tilespmem:v22+s16+$0x0], $0xffff;
	[tilespmem:s29+$0xF70] =	vst v33  }
0x226: {  	v33 =	vld.idx.msk [tilespmem:v19+s16+$0x0], $0xffff;
	[tilespmem:s29+$0xFF0] =	vst v34  }
0x227: {  	v34 =	vld.idx.msk [tilespmem:v20+s16+$0x0], $0xffff;
	[tilespmem:s29+$0x1070] =	vst v37  }
0x228: {  	[tilespmem:s29+$0x1120] =	vst v38;
	v36 =	vld.idx.msk [tilespmem:v18+s16+$0x0], $0xffff  }
0x229: {  	[tilespmem:s29+$0x890] =	vst v40;
	v37 =	vld.idx.msk [tilespmem:v17+s16+$0x0], $0xffff  }
0x22a: {  	v38 =	vld.idx.msk [tilespmem:v31+s11+$0x0], $0xffff;
	[tilespmem:s29+$0x11A0] =	vst v32  }
0x22b: {  	v21 =	vld.idx.msk [tilespmem:v21+s17+$0x0], $0xffff;
	[tilespmem:s29+$0x1220] =	vst v35  }
0x22c: {  	v23 =	vld.idx.msk [tilespmem:v23+s17+$0x0], $0xffff;
	[tilespmem:s29+$0x12A0] =	vst v33  }
0x22d: {  	v22 =	vld.idx.msk [tilespmem:v22+s17+$0x0], $0xffff;
	[tilespmem:s29+$0x1320] =	vst v34  }
0x22e: {  	v19 =	vld.idx.msk [tilespmem:v19+s17+$0x0], $0xffff;
	[tilespmem:s29+$0x13A0] =	vst v36  }
0x22f: {  	v20 =	vld.idx.msk [tilespmem:v20+s17+$0x0], $0xffff;
	[tilespmem:s29+$0x1420] =	vst v37  }
0x230: {  	[tilespmem:s29+$0x8C0] =	vst v38;
	v18 =	vld.idx.msk [tilespmem:v18+s17+$0x0], $0xffff  }
0x231: {  	v32 =	vld.idx.msk [tilespmem:v31+s12+$0x0], $0xffff;
	[tilespmem:s29+$0x1150] =	vst v21  }
0x232: {  	[tilespmem:s29+$0x11D0] =	vst v23;
	v17 =	vld.idx.msk [tilespmem:v17+s17+$0x0], $0xffff  }
0x233: {  	v21 =	vld.idx.msk [tilespmem:v27+s2+$0x0], $0xffff;
	[tilespmem:s29+$0x1250] =	vst v22  }
0x234: {  	v22 =	vld.idx.msk [tilespmem:v30+s2+$0x0], $0xffff;
	[tilespmem:s29+$0x12D0] =	vst v19  }
0x235: {  	v19 =	vld.idx.msk [tilespmem:v28+s2+$0x0], $0xffff;
	[tilespmem:s29+$0x1350] =	vst v20  }
0x236: {  	v20 =	vld.idx.msk [tilespmem:v29+s2+$0x0], $0xffff;
	[tilespmem:s29+$0x13D0] =	vst v18  }
0x237: {  	[tilespmem:s29+$0x8F0] =	vst v32;
	v18 =	vld.idx.msk [tilespmem:v25+s2+$0x0], $0xffff  }
0x238: {  	v23 =	vld.idx.msk [tilespmem:v31+s13+$0x0], $0xffff;
	[tilespmem:s29+$0x1450] =	vst v17  }
0x239: {  	[tilespmem:s29+$0x910] =	vst v21;
	v17 =	vld.idx.msk [tilespmem:v26+s2+$0x0], $0xffff  }
0x23a: {  	[tilespmem:s29+$0x990] =	vst v22;
	v21 =	vld.idx.msk [tilespmem:v24+s2+$0x0], $0xffff  }
0x23b: {  	v22 =	vld.idx.msk [tilespmem:v27+s11+$0x0], $0xffff;
	[tilespmem:s29+$0xA10] =	vst v19  }
0x23c: {  	v19 =	vld.idx.msk [tilespmem:v30+s11+$0x0], $0xffff;
	[tilespmem:s29+$0xA90] =	vst v20  }
0x23d: {  	v20 =	vld.idx.msk [tilespmem:v28+s11+$0x0], $0xffff;
	[tilespmem:s29+$0xB10] =	vst v18  }
0x23e: {  	[tilespmem:s29+$0xCA0] =	vst v23;
	v18 =	vld.idx.msk [tilespmem:v29+s11+$0x0], $0xffff  }
0x23f: {  	v23 =	vld.idx.msk [tilespmem:v31+s14+$0x0], $0xffff;
	[tilespmem:s29+$0xB90] =	vst v17  }
0x240: {  	v17 =	vld.idx.msk [tilespmem:v25+s11+$0x0], $0xffff;
	[tilespmem:s29+$0xC10] =	vst v21  }
0x241: {  	[tilespmem:s29+$0x940] =	vst v22;
	v21 =	vld.idx.msk [tilespmem:v26+s11+$0x0], $0xffff  }
0x242: {  	[tilespmem:s29+$0x9C0] =	vst v19;
	v19 =	vld.idx.msk [tilespmem:v24+s11+$0x0], $0xffff  }
0x243: {  	v22 =	vld.idx.msk [tilespmem:v27+s12+$0x0], $0xffff;
	[tilespmem:s29+$0xA40] =	vst v20  }
0x244: {  	v20 =	vld.idx.msk [tilespmem:v30+s12+$0x0], $0xffff;
	[tilespmem:s29+$0xAC0] =	vst v18  }
0x245: {  	[tilespmem:s29+$0xCD0] =	vst v23;
	v18 =	vld.idx.msk [tilespmem:v28+s12+$0x0], $0xffff  }
0x246: {  	v23 =	vld.idx.msk [tilespmem:v31+s15+$0x0], $0xffff;
	[tilespmem:s29+$0xB40] =	vst v17  }
0x247: {  	v17 =	vld.idx.msk [tilespmem:v29+s12+$0x0], $0xffff;
	[tilespmem:s29+$0xBC0] =	vst v21  }
0x248: {  	v21 =	vld.idx.msk [tilespmem:v25+s12+$0x0], $0xffff;
	[tilespmem:s29+$0xC40] =	vst v19  }
0x249: {  	[tilespmem:s29+$0x970] =	vst v22;
	v19 =	vld.idx.msk [tilespmem:v26+s12+$0x0], $0xffff  }
0x24a: {  	[tilespmem:s29+$0x9F0] =	vst v20;
	v20 =	vld.idx.msk [tilespmem:v24+s12+$0x0], $0xffff  }
0x24b: {  	v22 =	vld.idx.msk [tilespmem:v27+s13+$0x0], $0xffff;
	[tilespmem:s29+$0xA70] =	vst v18  }
0x24c: {  	[tilespmem:s29+$0x1080] =	vst v23;
	v18 =	vld.idx.msk [tilespmem:v30+s13+$0x0], $0xffff  }
0x24d: {  	v23 =	vld.idx.msk [tilespmem:v31+s16+$0x0], $0xffff;
	[tilespmem:s29+$0xAF0] =	vst v17  }
0x24e: {  	v17 =	vld.idx.msk [tilespmem:v28+s13+$0x0], $0xffff;
	[tilespmem:s29+$0xB70] =	vst v21  }
0x24f: {  	v21 =	vld.idx.msk [tilespmem:v29+s13+$0x0], $0xffff;
	[tilespmem:s29+$0xBF0] =	vst v19  }
0x250: {  	v19 =	vld.idx.msk [tilespmem:v25+s13+$0x0], $0xffff;
	[tilespmem:s29+$0xC70] =	vst v20  }
0x251: {  	[tilespmem:s29+$0xD20] =	vst v22;
	v20 =	vld.idx.msk [tilespmem:v26+s13+$0x0], $0xffff  }
0x252: {  	v16 =	vshra.s32 v16, v62;
	[tilespmem:s29+$0xDA0] =	vst v18;
	v18 =	vld.idx.msk [tilespmem:v24+s13+$0x0], $0xffff  }
0x253: {  	v16 =	vand.u32 $0x7, v16;
	[tilespmem:s29+$0x10B0] =	vst v23;
	v22 =	vld.idx.msk [tilespmem:v27+s14+$0x0], $0xffff  }
0x254: {  	v16 =	vmul.u32 $0x82, v16;
	v23 =	vld.idx.msk [tilespmem:v31+s17+$0x0], $0xffff;
	[tilespmem:s29+$0xE20] =	vst v17  }
0x255: {  	v17 =	vld.idx.msk [tilespmem:v30+s14+$0x0], $0xffff;
	[tilespmem:s29+$0xEA0] =	vst v21  }
0x256: {  	v16 =	vadd.s32 v63, v16;
	v21 =	vld.idx.msk [tilespmem:v28+s14+$0x0], $0xffff;
	[tilespmem:s29+$0xF20] =	vst v19  }
0x257: {  	v19 =	vld.idx.msk [tilespmem:v29+s14+$0x0], $0xffff;
	[tilespmem:s29+$0xFA0] =	vst v20  }
0x258: {  	v20 =	vld.idx.msk [tilespmem:v25+s14+$0x0], $0xffff;
	[tilespmem:s29+$0x1020] =	vst v18  }
0x259: {  	[tilespmem:s29+$0xD50] =	vst v22;
	v18 =	vld.idx.msk [tilespmem:v26+s14+$0x0], $0xffff  }
0x25a: {  	[tilespmem:s29+$0x10E0] =	vst v23;
	v22 =	vld.idx.msk [tilespmem:v24+s14+$0x0], $0xffff  }
0x25b: {  	v23 =	vld.idx.msk [tilespmem:v16+s2+$0x0], $0xffff;
	[tilespmem:s29+$0xDD0] =	vst v17  }
0x25c: {  	v17 =	vld.idx.msk [tilespmem:v27+s15+$0x0], $0xffff;
	[tilespmem:s29+$0xE50] =	vst v21  }
0x25d: {  	v21 =	vld.idx.msk [tilespmem:v30+s15+$0x0], $0xffff;
	[tilespmem:s29+$0xED0] =	vst v19  }
0x25e: {  	v19 =	vld.idx.msk [tilespmem:v28+s15+$0x0], $0xffff;
	[tilespmem:s29+$0xF50] =	vst v20  }
0x25f: {  	v20 =	vld.idx.msk [tilespmem:v29+s15+$0x0], $0xffff;
	[tilespmem:s29+$0xFD0] =	vst v18  }
0x260: {  	v18 =	vld.idx.msk [tilespmem:v25+s15+$0x0], $0xffff;
	[tilespmem:s29+$0x1050] =	vst v22  }
0x261: {  	[tilespmem:s29+$0x8A0] =	vst v23;
	v22 =	vld.idx.msk [tilespmem:v26+s15+$0x0], $0xffff  }
0x262: {  	v23 =	vld.idx.msk [tilespmem:v16+s11+$0x0], $0xffff;
	[tilespmem:s29+$0x1100] =	vst v17  }
0x263: {  	[tilespmem:s29+$0x1180] =	vst v21;
	v17 =	vld.idx.msk [tilespmem:v24+s15+$0x0], $0xffff  }
0x264: {  	v21 =	vld.idx.msk [tilespmem:v27+s16+$0x0], $0xffff;
	[tilespmem:s29+$0x1200] =	vst v19  }
0x265: {  	v19 =	vld.idx.msk [tilespmem:v30+s16+$0x0], $0xffff;
	[tilespmem:s29+$0x1280] =	vst v20  }
0x266: {  	v20 =	vld.idx.msk [tilespmem:v28+s16+$0x0], $0xffff;
	[tilespmem:s29+$0x1300] =	vst v18  }
0x267: {  	v18 =	vld.idx.msk [tilespmem:v29+s16+$0x0], $0xffff;
	[tilespmem:s29+$0x1380] =	vst v22  }
0x268: {  	[tilespmem:s29+$0x8D0] =	vst v23;
	v22 =	vld.idx.msk [tilespmem:v25+s16+$0x0], $0xffff  }
0x269: {  	v23 =	vld.idx.msk [tilespmem:v16+s12+$0x0], $0xffff;
	[tilespmem:s29+$0x1400] =	vst v17  }
0x26a: {  	[tilespmem:s29+$0x1130] =	vst v21;
	v17 =	vld.idx.msk [tilespmem:v26+s16+$0x0], $0xffff  }
0x26b: {  	[tilespmem:s29+$0x11B0] =	vst v19;
	v19 =	vld.idx.msk [tilespmem:v24+s16+$0x0], $0xffff  }
0x26c: {  	v21 =	vld.idx.msk [tilespmem:v27+s17+$0x0], $0xffff;
	[tilespmem:s29+$0x1230] =	vst v20  }
0x26d: {  	v20 =	vld.idx.msk [tilespmem:v30+s17+$0x0], $0xffff;
	[tilespmem:s29+$0x12B0] =	vst v18  }
0x26e: {  	v18 =	vld.idx.msk [tilespmem:v28+s17+$0x0], $0xffff;
	[tilespmem:s29+$0x1330] =	vst v22  }
0x26f: {  	[tilespmem:s29+$0xC80] =	vst v23;
	v22 =	vld.idx.msk [tilespmem:v29+s17+$0x0], $0xffff  }
0x270: {  	v23 =	vld.idx.msk [tilespmem:v16+s13+$0x0], $0xffff;
	[tilespmem:s29+$0x13B0] =	vst v17  }
0x271: {  	v17 =	vld.idx.msk [tilespmem:v25+s17+$0x0], $0xffff;
	[tilespmem:s29+$0x1430] =	vst v19  }
0x272: {  	[tilespmem:s29+$0x1160] =	vst v21;
	v19 =	vld.idx.msk [tilespmem:v26+s17+$0x0], $0xffff  }
0x273: {  	[tilespmem:s29+$0x11E0] =	vst v20;
	v20 =	vld.idx.msk [tilespmem:v24+s17+$0x0], $0xffff  }
0x274: {  	v21 =	vld.idx.msk [tilespmem:v15+s2+$0x0], $0xffff;
	[tilespmem:s29+$0x1260] =	vst v18  }
0x275: {  	v18 =	vld.idx.msk [tilespmem:v13+s2+$0x0], $0xffff;
	[tilespmem:s29+$0x12E0] =	vst v22  }
0x276: {  	[tilespmem:s29+$0xCB0] =	vst v23;
	v22 =	vld.idx.msk [tilespmem:v12+s2+$0x0], $0xffff  }
0x277: {  	v23 =	vld.idx.msk [tilespmem:v16+s14+$0x0], $0xffff;
	[tilespmem:s29+$0x1360] =	vst v17  }
0x278: {  	v17 =	vld.idx.msk [tilespmem:v14+s2+$0x0], $0xffff;
	[tilespmem:s29+$0x13E0] =	vst v19  }
0x279: {  	v19 =	vld.idx.msk [tilespmem:v10+s2+$0x0], $0xffff;
	[tilespmem:s29+$0x1460] =	vst v20  }
0x27a: {  	[tilespmem:s29+$0x920] =	vst v21;
	v20 =	vld.idx.msk [tilespmem:v11+s2+$0x0], $0xffff  }
0x27b: {  	[tilespmem:s29+$0x9A0] =	vst v18;
	v18 =	vld.idx.msk [tilespmem:v9+s2+$0x0], $0xffff  }
0x27c: {  	v21 =	vld.idx.msk [tilespmem:v15+s11+$0x0], $0xffff;
	[tilespmem:s29+$0xA20] =	vst v22  }
0x27d: {  	[tilespmem:s29+$0xCE0] =	vst v23;
	v22 =	vld.idx.msk [tilespmem:v13+s11+$0x0], $0xffff  }
0x27e: {  	v23 =	vld.idx.msk [tilespmem:v16+s15+$0x0], $0xffff;
	[tilespmem:s29+$0xAA0] =	vst v17  }
0x27f: {  	v17 =	vld.idx.msk [tilespmem:v12+s11+$0x0], $0xffff;
	[tilespmem:s29+$0xB20] =	vst v19  }
0x280: {  	v19 =	vld.idx.msk [tilespmem:v14+s11+$0x0], $0xffff;
	[tilespmem:s29+$0xBA0] =	vst v20  }
0x281: {  	v20 =	vld.idx.msk [tilespmem:v10+s11+$0x0], $0xffff;
	[tilespmem:s29+$0xC20] =	vst v18  }
0x282: {  	[tilespmem:s29+$0x950] =	vst v21;
	v18 =	vld.idx.msk [tilespmem:v11+s11+$0x0], $0xffff  }
0x283: {  	[tilespmem:s29+$0x9D0] =	vst v22;
	v21 =	vld.idx.msk [tilespmem:v9+s11+$0x0], $0xffff  }
0x284: {  	[tilespmem:s29+$0x1090] =	vst v23;
	v22 =	vld.idx.msk [tilespmem:v15+s12+$0x0], $0xffff  }
0x285: {  	v23 =	vld.idx.msk [tilespmem:v16+s16+$0x0], $0xffff;
	[tilespmem:s29+$0xA50] =	vst v17  }
0x286: {  	v17 =	vld.idx.msk [tilespmem:v13+s12+$0x0], $0xffff;
	[tilespmem:s29+$0xAD0] =	vst v19  }
0x287: {  	v19 =	vld.idx.msk [tilespmem:v12+s12+$0x0], $0xffff;
	[tilespmem:s29+$0xB50] =	vst v20  }
0x288: {  	v20 =	vld.idx.msk [tilespmem:v14+s12+$0x0], $0xffff;
	[tilespmem:s29+$0xBD0] =	vst v18  }
0x289: {  	v18 =	vld.idx.msk [tilespmem:v10+s12+$0x0], $0xffff;
	[tilespmem:s29+$0xC50] =	vst v21  }
0x28a: {  	[tilespmem:s29+$0xD00] =	vst v22;
	v21 =	vld.idx.msk [tilespmem:v11+s12+$0x0], $0xffff  }
0x28b: {  	[tilespmem:s29+$0x10C0] =	vst v23;
	v22 =	vld.idx.msk [tilespmem:v9+s12+$0x0], $0xffff  }
0x28c: {  	v16 =	vld.idx.msk [tilespmem:v16+s17+$0x0], $0xffff;
	[tilespmem:s29+$0xD80] =	vst v17  }
0x28d: {  	v17 =	vld.idx.msk [tilespmem:v15+s13+$0x0], $0xffff;
	[tilespmem:s29+$0xE00] =	vst v19  }
0x28e: {  	v19 =	vld.idx.msk [tilespmem:v13+s13+$0x0], $0xffff;
	[tilespmem:s29+$0xE80] =	vst v20  }
0x28f: {  	v20 =	vld.idx.msk [tilespmem:v12+s13+$0x0], $0xffff;
	[tilespmem:s29+$0xF00] =	vst v18  }
0x290: {  	v18 =	vld.idx.msk [tilespmem:v14+s13+$0x0], $0xffff;
	[tilespmem:s29+$0xF80] =	vst v21  }
0x291: {  	v23 =	vld.idx.msk [tilespmem:v10+s13+$0x0], $0xffff;
	[tilespmem:s29+$0x1000] =	vst v22  }
0x292: {  	[tilespmem:s29+$0x10F0] =	vst v16;
	v16 =	vld.idx.msk [tilespmem:v11+s13+$0x0], $0xffff  }
0x293: {  	[tilespmem:s29+$0xD30] =	vst v17;
	v17 =	vld.idx.msk [tilespmem:v9+s13+$0x0], $0xffff  }
0x294: {  	v22 =	vld.idx.msk [tilespmem:v15+s14+$0x0], $0xffff;
	[tilespmem:s29+$0xDB0] =	vst v19  }
0x295: {  	v24 =	vld.idx.msk [tilespmem:v13+s14+$0x0], $0xffff;
	[tilespmem:s29+$0xE30] =	vst v20  }
0x296: {  	v25 =	vld.idx.msk [tilespmem:v12+s14+$0x0], $0xffff;
	[tilespmem:s29+$0xEB0] =	vst v18  }
0x297: {  	v21 =	vld.idx.msk [tilespmem:v14+s14+$0x0], $0xffff;
	[tilespmem:s29+$0xF30] =	vst v23  }
.Ltmp6:
0x298: {  	v19 =	vld.idx.msk [tilespmem:v10+s14+$0x0], $0xffff;
	[tilespmem:s29+$0xFB0] =	vst v16;
	(pc) =	sbr.rel @p0 .LBB2_6-.Ltmp6, $4  }
0x299: {  	v18 =	vld.idx.msk [tilespmem:v11+s14+$0x0], $0xffff;
	[tilespmem:s29+$0x1030] =	vst v17  }
0x29a: {  	[tilespmem:s29+$0xD60] =	vst v22;
	v20 =	vld.idx.msk [tilespmem:v9+s14+$0x0], $0xffff  }
0x29b: {  	v17 =	vld.idx.msk [tilespmem:v15+s15+$0x0], $0xffff;
	[tilespmem:s29+$0xDE0] =	vst v24  }
0x29c: {  	s30 =	sadd.s32 $0x8, s30;
	v16 =	vld.idx.msk [tilespmem:v13+s15+$0x0], $0xffff;
	[tilespmem:s29+$0xE60] =	vst v25  }
0x29d: {  	_ =	sdelay $0x2  }
0x29e: {  	[tilespmem:s29+$0xEE0] =	vst v21  }
0x29f: {  	v8 =	vld.idx.msk [tilespmem:v12+s15+$0x0], $0xffff;
	[tilespmem:s29+$0xF60] =	vst v19  }
0x2a0: {  	v26 =	vld.idx.msk [tilespmem:v14+s15+$0x0], $0xffff;
	[tilespmem:s29+$0xFE0] =	vst v18  }
0x2a1: {  	v27 =	vld.idx.msk [tilespmem:v10+s15+$0x0], $0xffff;
	[tilespmem:s29+$0x1060] =	vst v20  }
0x2a2: {  	v28 =	vld.idx.msk [tilespmem:v11+s15+$0x0], $0xffff;
	[tilespmem:s29+$0x1110] =	vst v17  }
0x2a3: {  	v29 =	vld.idx.msk [tilespmem:v9+s15+$0x0], $0xffff;
	[tilespmem:s29+$0x1190] =	vst v16  }
0x2a4: {  	v30 =	vld.idx.msk [tilespmem:v15+s16+$0x0], $0xffff;
	[tilespmem:s29+$0x1210] =	vst v8  }
0x2a5: {  	v8 =	vld.idx.msk [tilespmem:v13+s16+$0x0], $0xffff;
	[tilespmem:s29+$0x1290] =	vst v26  }
0x2a6: {  	v31 =	vld.idx.msk [tilespmem:v12+s16+$0x0], $0xffff;
	[tilespmem:s29+$0x1310] =	vst v27  }
0x2a7: {  	v32 =	vld.idx.msk [tilespmem:v14+s16+$0x0], $0xffff;
	[tilespmem:s29+$0x1390] =	vst v28  }
0x2a8: {  	v33 =	vld.idx.msk [tilespmem:v10+s16+$0x0], $0xffff;
	[tilespmem:s29+$0x1410] =	vst v29  }
0x2a9: {  	v34 =	vld.idx.msk [tilespmem:v11+s16+$0x0], $0xffff;
	[tilespmem:s29+$0x1140] =	vst v30  }
0x2aa: {  	v35 =	vld.idx.msk [tilespmem:v9+s16+$0x0], $0xffff;
	[tilespmem:s29+$0x11C0] =	vst v8  }
0x2ab: {  	v8 =	vld.idx.msk [tilespmem:v15+s17+$0x0], $0xffff;
	[tilespmem:s29+$0x1240] =	vst v31  }
0x2ac: {  	v36 =	vld.idx.msk [tilespmem:v13+s17+$0x0], $0xffff;
	[tilespmem:s29+$0x12C0] =	vst v32  }
0x2ad: {  	[tilespmem:s29+$0x1340] =	vst v33;
	v37 =	vld.idx.msk [tilespmem:v12+s17+$0x0], $0xffff  }
0x2ae: {  	[tilespmem:s29+$0x13C0] =	vst v34;
	v38 =	vld.idx.msk [tilespmem:v14+s17+$0x0], $0xffff  }
0x2af: {  	v39 =	vld.idx.msk [tilespmem:v10+s17+$0x0], $0xffff;
	[tilespmem:s29+$0x1440] =	vst v35  }
0x2b0: {  	s0 =	smul.u32 $0x30000, s24;
	[tilespmem:s29+$0x1170] =	vst v8;
	v8 =	vld.idx.msk [tilespmem:v11+s17+$0x0], $0xffff  }
0x2b1: {  	s3 =	smul.u32 $0x6000, s23;
	v40 =	vld.idx.msk [tilespmem:v9+s17+$0x0], $0xffff;
	[tilespmem:s29+$0x11F0] =	vst v36  }
0x2b2: {  	p0 =	seq.s32 s25, $0x0;
	[tilespmem:s29+$0x1270] =	vst v37  }
.Ltmp7:
0x2b3: {  	s0 =	sadd.s32 s3, s0;
	[tilespmem:s29+$0x12F0] =	vst v38;
	(pc) =	sbr.rel @p0 .LBB2_11-.Ltmp7, $4  }
0x2b4: {  	s0 =	sadd.s32 s5, s0;
	[tilespmem:s29+$0x1370] =	vst v39  }
0x2b5: {  	s0 =	sshrl.u32 s0, $0x3;
	[tilespmem:s29+$0x13F0] =	vst v8  }
0x2b6: {  	s0 =	sadd.s32 s1, s0;
	[tilespmem:s29+$0x1470] =	vst v40  }
0x2b7: {  	[hbm4b:s0+s2] =	stream.linear.scatter [tilespmem:s20], [sflag:$0x1], $0x6000, $0x38;
	[tilespmem:$0xC880] =	vst v63  }
.LBB2_8:
0x2b8: {  	s0 =	simm.s32 $0x0  }
0x2b9: {  	p1 =	por $0x0, $0x0;
	s25 =	sshll.u32 s23, $0x3;
	s26 =	sshll.u32 s22, $0x3  }
0x2ba: {  	s0 =	sor.u32 s23, s0;
	s31 =	sadd.s32 $0x0, s25;
	s3 =	sadd.s32 $0x0, s26  }
0x2bb: {  	p0 =	seq.s32 s0, $0x0;
	s0 =	simm.s32 $0x1;
	s6 =	sor.u32 $0x40, s31  }
0x2bc: {  	s10 =	sor.u32 $0x80, s31;
	s19 =	sor.u32 $0xC0, s3;
	p0 =	por !p1, !p0  }
0x2bd: {  	s30 =	sor.u32 $0x140, s31;
	v15 =	vmov s6;
	v13 =	vmov s10;
	s10 =	sor.u32 $0x100, s31;
	v14 =	vmov s19;
	p0 =	por !p0, !p0  }
0x2be: {  	v11 =	vmov s30;
	v12 =	vmov s10;
	v17 =	vshrl.u32 v13, v56;
	s0 =	simm.s32 @!p0 $0x0  }
0x2bf: {  	v18 =	vshrl.u32 v14, v56;
	v20 =	vshrl.u32 v11, v56;
	v19 =	vshrl.u32 v12, v56;
	s0 =	ssub.s32 s23, s0  }
0x2c0: {  	v17 =	vand.u32 $0x7, v17;
	v18 =	vand.u32 $0x7, v18;
	v19 =	vand.u32 $0x7, v19;
	s0 =	sshll.u32 s0, $0x3  }
0x2c1: {  	v20 =	vand.u32 $0x7, v20;
	v17 =	vmul.u32 $0x82, v17;
	v19 =	vmul.u32 $0x82, v19;
	s0 =	sadd.s32 $0x0, s0  }
0x2c2: {  	v18 =	vmul.u32 $0x82, v18;
	v26 =	vmul.u32 $0x82, v20;
	v16 =	vmov s0;
	s0 =	sor.u32 $0x180, s31  }
0x2c3: {  	p0 =	slt.u32 s22, $0x2;
	v20 =	vadd.s32 v60, v19;
	v8 =	vshra.s32 v16, v56;
	v10 =	vmov s0  }
0x2c4: {  	s6 =	simm.s32 @!p0 $0x2;
	v23 =	vadd.s32 v60, v17;
	v8 =	vand.u32 $0x7, v8;
	v22 =	vshrl.u32 v10, v56  }
0x2c5: {  	_ =	swait.ge @!p0 [sflag:s6], $0x6000;
	v19 =	vadd.s32 v60, v26;
	v8 =	vmul.u32 $0x82, v8;
	v17 =	vand.u32 $0x7, v22  }
0x2c6: {  	[sflag:s6] =	ssyncset.done @!p0 $0x0;
	v22 =	vadd.s32 v60, v18;
	v17 =	vmul.u32 $0x82, v17  }
0x2c7: {  	[sflag:s6] =	ssyncadd.s32 @!p0 $0xFFFFA000;
	v24 =	vadd.s32 v60, v8;
	v8 =	vshrl.u32 v15, v56  }
0x2c8: {  	v28 =	vld.idx.msk [tilespmem:v20+s2+$0x0], $0xffff;
	v8 =	vand.u32 $0x7, v8;
	v18 =	vadd.s32 v60, v17  }
0x2c9: {  	s3 =	sor.u32 $0x1C0, s3;
	s31 =	simm.s32 $0x0;
	v8 =	vmul.u32 $0x82, v8  }
0x2ca: {  	v9 =	vmov s3;
	s0 =	smul.u32 $0x3000, s31;
	v29 =	vld.idx.msk [tilespmem:v19+s2+$0x0], $0xffff  }
0x2cb: {  	v27 =	vld.idx.msk [tilespmem:v22+s2+$0x0], $0xffff;
	v21 =	vadd.s32 v60, v8;
	v8 =	vshrl.u32 v9, v56  }
0x2cc: {  	s28 =	sshra.s32 s0, $0x2;
	v25 =	vld.idx.msk [tilespmem:v24+s2+$0x0], $0xffff;
	v8 =	vand.u32 $0x7, v8  }
0x2cd: {  	[tilespmem:s28+$0x6A80] =	vst v28;
	v8 =	vmul.u32 $0x82, v8;
	v39 =	vld.idx.msk [tilespmem:v18+s2+$0x0], $0xffff  }
0x2ce: {  	v35 =	vld.idx.msk [tilespmem:v20+s11+$0x0], $0xffff  }
0x2cf: {  	[tilespmem:s28+$0x6B00] =	vst v29;
	v17 =	vadd.s32 v60, v8;
	v8 =	vld.idx.msk [tilespmem:v23+s2+$0x0], $0xffff  }
0x2d0: {  	[tilespmem:s28+$0x6A00] =	vst v27;
	v37 =	vld.idx.msk [tilespmem:v21+s2+$0x0], $0xffff  }
0x2d1: {  	v36 =	vld.idx.msk [tilespmem:v19+s11+$0x0], $0xffff;
	[tilespmem:s28+$0x6880] =	vst v25  }
0x2d2: {  	v34 =	vld.idx.msk [tilespmem:v22+s11+$0x0], $0xffff;
	[tilespmem:s28+$0x6B80] =	vst v39  }
0x2d3: {  	v38 =	vld.idx.msk [tilespmem:v24+s11+$0x0], $0xffff;
	[tilespmem:s28+$0x6AB0] =	vst v35  }
0x2d4: {  	v40 =	vld.idx.msk [tilespmem:v17+s2+$0x0], $0xffff;
	[tilespmem:s28+$0x6980] =	vst v8  }
0x2d5: {  	[tilespmem:s28+$0x6900] =	vst v37;
	v33 =	vld.idx.msk [tilespmem:v23+s11+$0x0], $0xffff  }
0x2d6: {  	[tilespmem:s28+$0x6B30] =	vst v36;
	v8 =	vld.idx.msk [tilespmem:v21+s11+$0x0], $0xffff  }
0x2d7: {  	v37 =	vld.idx.msk [tilespmem:v18+s11+$0x0], $0xffff;
	[tilespmem:s28+$0x6A30] =	vst v34  }
0x2d8: {  	v34 =	vld.idx.msk [tilespmem:v19+s12+$0x0], $0xffff;
	[tilespmem:s28+$0x68B0] =	vst v38  }
0x2d9: {  	v30 =	vld.idx.msk [tilespmem:v24+s12+$0x0], $0xffff;
	[tilespmem:s28+$0x6C00] =	vst v40  }
0x2da: {  	[tilespmem:s28+$0x69B0] =	vst v33;
	v33 =	vld.idx.msk [tilespmem:v20+s12+$0x0], $0xffff  }
0x2db: {  	[tilespmem:s28+$0x6930] =	vst v8;
	v8 =	vld.idx.msk [tilespmem:v17+s11+$0x0], $0xffff  }
0x2dc: {  	[tilespmem:s28+$0x6BB0] =	vst v37;
	v39 =	vld.idx.msk [tilespmem:v23+s12+$0x0], $0xffff  }
0x2dd: {  	v40 =	vld.idx.msk [tilespmem:v22+s12+$0x0], $0xffff;
	[tilespmem:s28+$0x6B60] =	vst v34  }
0x2de: {  	v38 =	vld.idx.msk [tilespmem:v21+s12+$0x0], $0xffff;
	[tilespmem:s28+$0x68E0] =	vst v30  }
0x2df: {  	v30 =	vld.idx.msk [tilespmem:v24+s13+$0x0], $0xffff;
	[tilespmem:s28+$0x6AE0] =	vst v33  }
0x2e0: {  	[tilespmem:s28+$0x6C30] =	vst v8;
	v8 =	vld.idx.msk [tilespmem:v18+s12+$0x0], $0xffff  }
0x2e1: {  	[tilespmem:s28+$0x69E0] =	vst v39;
	v39 =	vld.idx.msk [tilespmem:v20+s13+$0x0], $0xffff  }
0x2e2: {  	[tilespmem:s28+$0x6A60] =	vst v40;
	v35 =	vld.idx.msk [tilespmem:v17+s12+$0x0], $0xffff  }
0x2e3: {  	[tilespmem:s28+$0x6960] =	vst v38;
	v37 =	vld.idx.msk [tilespmem:v23+s13+$0x0], $0xffff  }
0x2e4: {  	v38 =	vld.idx.msk [tilespmem:v22+s13+$0x0], $0xffff;
	[tilespmem:s28+$0x6C90] =	vst v30  }
0x2e5: {  	v36 =	vld.idx.msk [tilespmem:v21+s13+$0x0], $0xffff;
	[tilespmem:s28+$0x6BE0] =	vst v8  }
0x2e6: {  	v30 =	vld.idx.msk [tilespmem:v24+s14+$0x0], $0xffff;
	[tilespmem:s28+$0x6E90] =	vst v39  }
0x2e7: {  	v8 =	vld.idx.msk [tilespmem:v19+s13+$0x0], $0xffff;
	[tilespmem:s28+$0x6C60] =	vst v35  }
0x2e8: {  	v40 =	vld.idx.msk [tilespmem:v18+s13+$0x0], $0xffff;
	[tilespmem:s28+$0x6D90] =	vst v37  }
0x2e9: {  	[tilespmem:s28+$0x6E10] =	vst v38;
	v31 =	vld.idx.msk [tilespmem:v20+s14+$0x0], $0xffff  }
0x2ea: {  	[tilespmem:s28+$0x6D10] =	vst v36;
	v33 =	vld.idx.msk [tilespmem:v17+s13+$0x0], $0xffff  }
0x2eb: {  	v35 =	vld.idx.msk [tilespmem:v23+s14+$0x0], $0xffff;
	[tilespmem:s28+$0x6CC0] =	vst v30  }
0x2ec: {  	v36 =	vld.idx.msk [tilespmem:v22+s14+$0x0], $0xffff;
	[tilespmem:s28+$0x6F10] =	vst v8  }
0x2ed: {  	v34 =	vld.idx.msk [tilespmem:v21+s14+$0x0], $0xffff;
	[tilespmem:s28+$0x6F90] =	vst v40  }
0x2ee: {  	v30 =	vld.idx.msk [tilespmem:v24+s15+$0x0], $0xffff;
	[tilespmem:s28+$0x6EC0] =	vst v31  }
0x2ef: {  	v37 =	vld.idx.msk [tilespmem:v19+s14+$0x0], $0xffff;
	[tilespmem:s28+$0x7010] =	vst v33  }
0x2f0: {  	v38 =	vld.idx.msk [tilespmem:v18+s14+$0x0], $0xffff;
	[tilespmem:s28+$0x6DC0] =	vst v35  }
0x2f1: {  	[tilespmem:s28+$0x6E40] =	vst v36;
	v39 =	vld.idx.msk [tilespmem:v17+s14+$0x0], $0xffff  }
0x2f2: {  	[tilespmem:s28+$0x6D40] =	vst v34;
	v34 =	vld.idx.msk [tilespmem:v23+s15+$0x0], $0xffff  }
0x2f3: {  	v36 =	vld.idx.msk [tilespmem:v22+s15+$0x0], $0xffff;
	[tilespmem:s28+$0x6CF0] =	vst v30  }
0x2f4: {  	v8 =	vnsel vm0, $0x3, v59;
	v30 =	vld.idx.msk [tilespmem:v24+s16+$0x0], $0xffff;
	[tilespmem:s28+$0x6F40] =	vst v37  }
0x2f5: {  	v8 =	vsel vm1, v61, v8;
	v32 =	vld.idx.msk [tilespmem:v21+s15+$0x0], $0xffff;
	[tilespmem:s28+$0x6FC0] =	vst v38  }
0x2f6: {  	v40 =	vshra.s32 v16, v8;
	v37 =	vld.idx.msk [tilespmem:v20+s15+$0x0], $0xffff;
	[tilespmem:s28+$0x7040] =	vst v39  }
0x2f7: {  	v33 =	vand.u32 $0x7, v40;
	v38 =	vld.idx.msk [tilespmem:v19+s15+$0x0], $0xffff;
	[tilespmem:s28+$0x6DF0] =	vst v34  }
0x2f8: {  	v35 =	vmul.u32 $0x82, v33;
	v33 =	vld.idx.msk [tilespmem:v18+s15+$0x0], $0xffff;
	[tilespmem:s28+$0x6E70] =	vst v36  }
0x2f9: {  	v34 =	vld.idx.msk [tilespmem:v17+s15+$0x0], $0xffff;
	[tilespmem:s28+$0x70A0] =	vst v30  }
0x2fa: {  	[tilespmem:s28+$0x6D70] =	vst v32;
	v30 =	vld.idx.msk [tilespmem:v24+s17+$0x0], $0xffff  }
0x2fb: {  	v40 =	vld.idx.msk [tilespmem:v23+s16+$0x0], $0xffff;
	[tilespmem:s28+$0x6EF0] =	vst v37;
	v24 =	vadd.s32 v57, v35  }
0x2fc: {  	v36 =	vld.idx.msk [tilespmem:v22+s16+$0x0], $0xffff;
	[tilespmem:s28+$0x6F70] =	vst v38  }
0x2fd: {  	v35 =	vld.idx.msk [tilespmem:v21+s16+$0x0], $0xffff;
	[tilespmem:s28+$0x6FF0] =	vst v33  }
0x2fe: {  	v37 =	vld.idx.msk [tilespmem:v20+s16+$0x0], $0xffff;
	[tilespmem:s28+$0x7070] =	vst v34  }
0x2ff: {  	v38 =	vld.idx.msk [tilespmem:v19+s16+$0x0], $0xffff;
	[tilespmem:s28+$0x70D0] =	vst v30  }
0x300: {  	[tilespmem:s28+$0x71A0] =	vst v40;
	v39 =	vld.idx.msk [tilespmem:v24+s2+$0x0], $0xffff  }
0x301: {  	v29 =	vld.idx.msk [tilespmem:v18+s16+$0x0], $0xffff;
	[tilespmem:s28+$0x7220] =	vst v36  }
0x302: {  	v33 =	vshrl.u32 v14, v8;
	[tilespmem:s28+$0x7120] =	vst v35;
	v30 =	vld.idx.msk [tilespmem:v17+s16+$0x0], $0xffff  }
0x303: {  	[tilespmem:s28+$0x72A0] =	vst v37;
	v37 =	vand.u32 $0x7, v33;
	v33 =	vld.idx.msk [tilespmem:v22+s17+$0x0], $0xffff  }
0x304: {  	v40 =	vshrl.u32 v13, v8;
	v34 =	vld.idx.msk [tilespmem:v21+s17+$0x0], $0xffff;
	[tilespmem:s28+$0x7320] =	vst v38  }
0x305: {  	v26 =	vand.u32 $0x7, v40;
	v21 =	vshrl.u32 v12, v8;
	v27 =	vld.idx.msk [tilespmem:v20+s17+$0x0], $0xffff;
	[tilespmem:s28+$0x6890] =	vst v39;
	v39 =	vshrl.u32 v15, v8  }
0x306: {  	v26 =	vmul.u32 $0x82, v26;
	v22 =	vand.u32 $0x7, v21;
	[tilespmem:s28+$0x73A0] =	vst v29;
	v32 =	vld.idx.msk [tilespmem:v24+s11+$0x0], $0xffff;
	v31 =	vand.u32 $0x7, v39  }
0x307: {  	v38 =	vmul.u32 $0x82, v37;
	[tilespmem:s28+$0x7420] =	vst v30;
	v39 =	vmul.u32 $0x82, v22;
	v36 =	vmul.u32 $0x82, v31;
	v31 =	vld.idx.msk [tilespmem:v23+s17+$0x0], $0xffff  }
0x308: {  	v22 =	vadd.s32 v57, v26;
	v26 =	vld.idx.msk [tilespmem:v19+s17+$0x0], $0xffff;
	v19 =	vshrl.u32 v10, v8;
	v23 =	vshrl.u32 v11, v8  }
0x309: {  	v35 =	vld.idx.msk [tilespmem:v18+s17+$0x0], $0xffff;
	[tilespmem:s28+$0x7250] =	vst v33;
	v19 =	vand.u32 $0x7, v19;
	v20 =	vand.u32 $0x7, v23;
	v23 =	vadd.s32 v57, v38  }
0x30a: {  	v18 =	vshrl.u32 v9, v8;
	[tilespmem:s28+$0x7150] =	vst v34;
	v19 =	vmul.u32 $0x82, v19;
	v21 =	vadd.s32 v57, v36  }
0x30b: {  	v37 =	vand.u32 $0x7, v18;
	v38 =	vld.idx.msk [tilespmem:v17+s17+$0x0], $0xffff;
	v40 =	vmul.u32 $0x82, v20;
	v20 =	vadd.s32 v57, v39;
	[tilespmem:s28+$0x68C0] =	vst v32  }
0x30c: {  	v17 =	vmul.u32 $0x82, v37;
	v19 =	vadd.s32 v57, v19;
	v36 =	vld.idx.msk [tilespmem:v24+s12+$0x0], $0xffff;
	[tilespmem:s28+$0x71D0] =	vst v31  }
0x30d: {  	[tilespmem:s28+$0x72D0] =	vst v27;
	v18 =	vadd.s32 v57, v40;
	v31 =	vld.idx.msk [tilespmem:v22+s2+$0x0], $0xffff  }
0x30e: {  	[tilespmem:s28+$0x73D0] =	vst v35;
	v17 =	vadd.s32 v57, v17;
	v40 =	vld.idx.msk [tilespmem:v23+s2+$0x0], $0xffff  }
0x30f: {  	[tilespmem:s28+$0x7350] =	vst v26;
	v39 =	vld.idx.msk [tilespmem:v21+s2+$0x0], $0xffff  }
0x310: {  	[tilespmem:s28+$0x7450] =	vst v38;
	v33 =	vld.idx.msk [tilespmem:v20+s2+$0x0], $0xffff  }
0x311: {  	v35 =	vld.idx.msk [tilespmem:v19+s2+$0x0], $0xffff;
	[tilespmem:s28+$0x68F0] =	vst v36  }
0x312: {  	v34 =	vld.idx.msk [tilespmem:v18+s2+$0x0], $0xffff;
	[tilespmem:s28+$0x6990] =	vst v31  }
0x313: {  	v36 =	vld.idx.msk [tilespmem:v17+s2+$0x0], $0xffff;
	[tilespmem:s28+$0x6A10] =	vst v40  }
0x314: {  	v28 =	vld.idx.msk [tilespmem:v24+s13+$0x0], $0xffff;
	[tilespmem:s28+$0x6910] =	vst v39  }
0x315: {  	v38 =	vld.idx.msk [tilespmem:v22+s11+$0x0], $0xffff;
	[tilespmem:s28+$0x6A90] =	vst v33  }
0x316: {  	v39 =	vld.idx.msk [tilespmem:v23+s11+$0x0], $0xffff;
	[tilespmem:s28+$0x6B90] =	vst v35  }
0x317: {  	v37 =	vld.idx.msk [tilespmem:v21+s11+$0x0], $0xffff;
	[tilespmem:s28+$0x6B10] =	vst v34  }
0x318: {  	v40 =	vld.idx.msk [tilespmem:v20+s11+$0x0], $0xffff;
	[tilespmem:s28+$0x6C10] =	vst v36  }
0x319: {  	v34 =	vld.idx.msk [tilespmem:v19+s11+$0x0], $0xffff;
	[tilespmem:s28+$0x6CA0] =	vst v28  }
0x31a: {  	v33 =	vld.idx.msk [tilespmem:v18+s11+$0x0], $0xffff;
	[tilespmem:s28+$0x69C0] =	vst v38  }
0x31b: {  	v35 =	vld.idx.msk [tilespmem:v17+s11+$0x0], $0xffff;
	[tilespmem:s28+$0x6A40] =	vst v39  }
0x31c: {  	v28 =	vld.idx.msk [tilespmem:v24+s14+$0x0], $0xffff;
	[tilespmem:s28+$0x6940] =	vst v37  }
0x31d: {  	v36 =	vld.idx.msk [tilespmem:v22+s12+$0x0], $0xffff;
	[tilespmem:s28+$0x6AC0] =	vst v40  }
0x31e: {  	v37 =	vld.idx.msk [tilespmem:v23+s12+$0x0], $0xffff;
	[tilespmem:s28+$0x6BC0] =	vst v34  }
0x31f: {  	v31 =	vld.idx.msk [tilespmem:v21+s12+$0x0], $0xffff;
	[tilespmem:s28+$0x6B40] =	vst v33  }
0x320: {  	v38 =	vld.idx.msk [tilespmem:v20+s12+$0x0], $0xffff;
	[tilespmem:s28+$0x6C40] =	vst v35  }
0x321: {  	v40 =	vld.idx.msk [tilespmem:v19+s12+$0x0], $0xffff;
	[tilespmem:s28+$0x6CD0] =	vst v28  }
0x322: {  	v39 =	vld.idx.msk [tilespmem:v18+s12+$0x0], $0xffff;
	[tilespmem:s28+$0x69F0] =	vst v36  }
0x323: {  	v33 =	vld.idx.msk [tilespmem:v17+s12+$0x0], $0xffff;
	[tilespmem:s28+$0x6A70] =	vst v37  }
0x324: {  	v28 =	vld.idx.msk [tilespmem:v24+s15+$0x0], $0xffff;
	[tilespmem:s28+$0x6970] =	vst v31  }
0x325: {  	v34 =	vld.idx.msk [tilespmem:v22+s13+$0x0], $0xffff;
	[tilespmem:s28+$0x6AF0] =	vst v38  }
0x326: {  	v35 =	vld.idx.msk [tilespmem:v23+s13+$0x0], $0xffff;
	[tilespmem:s28+$0x6BF0] =	vst v40  }
0x327: {  	v31 =	vld.idx.msk [tilespmem:v21+s13+$0x0], $0xffff;
	[tilespmem:s28+$0x6B70] =	vst v39  }
0x328: {  	v36 =	vld.idx.msk [tilespmem:v20+s13+$0x0], $0xffff;
	[tilespmem:s28+$0x6C70] =	vst v33  }
0x329: {  	v38 =	vld.idx.msk [tilespmem:v19+s13+$0x0], $0xffff;
	[tilespmem:s28+$0x7080] =	vst v28  }
0x32a: {  	v37 =	vld.idx.msk [tilespmem:v18+s13+$0x0], $0xffff;
	[tilespmem:s28+$0x6DA0] =	vst v34  }
0x32b: {  	v39 =	vld.idx.msk [tilespmem:v17+s13+$0x0], $0xffff;
	[tilespmem:s28+$0x6E20] =	vst v35  }
0x32c: {  	v28 =	vld.idx.msk [tilespmem:v24+s16+$0x0], $0xffff;
	[tilespmem:s28+$0x6D20] =	vst v31  }
0x32d: {  	v33 =	vld.idx.msk [tilespmem:v22+s14+$0x0], $0xffff;
	[tilespmem:s28+$0x6EA0] =	vst v36  }
0x32e: {  	v34 =	vld.idx.msk [tilespmem:v23+s14+$0x0], $0xffff;
	[tilespmem:s28+$0x6FA0] =	vst v38  }
0x32f: {  	v40 =	vld.idx.msk [tilespmem:v21+s14+$0x0], $0xffff;
	[tilespmem:s28+$0x6F20] =	vst v37  }
0x330: {  	v35 =	vld.idx.msk [tilespmem:v20+s14+$0x0], $0xffff;
	[tilespmem:s28+$0x7020] =	vst v39  }
0x331: {  	v37 =	vld.idx.msk [tilespmem:v19+s14+$0x0], $0xffff;
	[tilespmem:s28+$0x70B0] =	vst v28  }
0x332: {  	v36 =	vld.idx.msk [tilespmem:v18+s14+$0x0], $0xffff;
	[tilespmem:s28+$0x6DD0] =	vst v33  }
0x333: {  	v16 =	vshra.s32 v16, v62;
	v38 =	vld.idx.msk [tilespmem:v17+s14+$0x0], $0xffff;
	[tilespmem:s28+$0x6E50] =	vst v34  }
0x334: {  	v16 =	vand.u32 $0x7, v16;
	v24 =	vld.idx.msk [tilespmem:v24+s17+$0x0], $0xffff;
	[tilespmem:s28+$0x6D50] =	vst v40  }
0x335: {  	v16 =	vmul.u32 $0x82, v16;
	v33 =	vld.idx.msk [tilespmem:v22+s15+$0x0], $0xffff;
	[tilespmem:s28+$0x6ED0] =	vst v35  }
0x336: {  	v34 =	vld.idx.msk [tilespmem:v23+s15+$0x0], $0xffff;
	[tilespmem:s28+$0x6FD0] =	vst v37  }
0x337: {  	v16 =	vadd.s32 v63, v16;
	v40 =	vld.idx.msk [tilespmem:v21+s15+$0x0], $0xffff;
	[tilespmem:s28+$0x6F50] =	vst v36  }
0x338: {  	v35 =	vld.idx.msk [tilespmem:v20+s15+$0x0], $0xffff;
	[tilespmem:s28+$0x7050] =	vst v38  }
0x339: {  	v37 =	vld.idx.msk [tilespmem:v19+s15+$0x0], $0xffff;
	[tilespmem:s28+$0x70E0] =	vst v24  }
0x33a: {  	v36 =	vld.idx.msk [tilespmem:v18+s15+$0x0], $0xffff;
	[tilespmem:s28+$0x7180] =	vst v33  }
0x33b: {  	v38 =	vld.idx.msk [tilespmem:v17+s15+$0x0], $0xffff;
	[tilespmem:s28+$0x7200] =	vst v34  }
0x33c: {  	v39 =	vld.idx.msk [tilespmem:v16+s2+$0x0], $0xffff;
	[tilespmem:s28+$0x7100] =	vst v40  }
0x33d: {  	v40 =	vld.idx.msk [tilespmem:v22+s16+$0x0], $0xffff;
	[tilespmem:s28+$0x7280] =	vst v35  }
0x33e: {  	v32 =	vld.idx.msk [tilespmem:v23+s16+$0x0], $0xffff;
	[tilespmem:s28+$0x7380] =	vst v37  }
0x33f: {  	v33 =	vld.idx.msk [tilespmem:v20+s16+$0x0], $0xffff;
	[tilespmem:s28+$0x7300] =	vst v36  }
0x340: {  	v35 =	vld.idx.msk [tilespmem:v19+s16+$0x0], $0xffff;
	[tilespmem:s28+$0x7400] =	vst v38  }
0x341: {  	v34 =	vld.idx.msk [tilespmem:v18+s16+$0x0], $0xffff;
	[tilespmem:s28+$0x68A0] =	vst v39  }
0x342: {  	v39 =	vld.idx.msk [tilespmem:v21+s16+$0x0], $0xffff;
	[tilespmem:s28+$0x71B0] =	vst v40  }
0x343: {  	v14 =	vshrl.u32 v14, v62;
	v28 =	vld.idx.msk [tilespmem:v16+s11+$0x0], $0xffff;
	[tilespmem:s28+$0x7230] =	vst v32  }
0x344: {  	v14 =	vand.u32 $0x7, v14;
	v12 =	vshrl.u32 v12, v62;
	v36 =	vld.idx.msk [tilespmem:v17+s16+$0x0], $0xffff;
	[tilespmem:s28+$0x72B0] =	vst v33  }
0x345: {  	v14 =	vmul.u32 $0x82, v14;
	v12 =	vand.u32 $0x7, v12;
	v23 =	vld.idx.msk [tilespmem:v23+s17+$0x0], $0xffff;
	[tilespmem:s28+$0x73B0] =	vst v35  }
0x346: {  	v13 =	vshrl.u32 v13, v62;
	v38 =	vmul.u32 $0x82, v12;
	v20 =	vld.idx.msk [tilespmem:v20+s17+$0x0], $0xffff;
	[tilespmem:s28+$0x7330] =	vst v34  }
0x347: {  	v13 =	vand.u32 $0x7, v13;
	v12 =	vadd.s32 v63, v14;
	[tilespmem:s28+$0x7130] =	vst v39;
	v18 =	vld.idx.msk [tilespmem:v18+s17+$0x0], $0xffff  }
0x348: {  	v13 =	vmul.u32 $0x82, v13;
	v15 =	vshrl.u32 v15, v62;
	v14 =	vadd.s32 v63, v38;
	[tilespmem:s28+$0x68D0] =	vst v28;
	v21 =	vld.idx.msk [tilespmem:v21+s17+$0x0], $0xffff  }
0x349: {  	v15 =	vand.u32 $0x7, v15;
	[tilespmem:s28+$0x7430] =	vst v36;
	v28 =	vld.idx.msk [tilespmem:v16+s12+$0x0], $0xffff  }
0x34a: {  	v13 =	vadd.s32 v63, v13;
	v15 =	vmul.u32 $0x82, v15;
	v11 =	vshrl.u32 v11, v62;
	v22 =	vld.idx.msk [tilespmem:v22+s17+$0x0], $0xffff;
	[tilespmem:s28+$0x7260] =	vst v23  }
0x34b: {  	v9 =	vshrl.u32 v9, v62;
	v10 =	vshrl.u32 v10, v62;
	v11 =	vand.u32 $0x7, v11;
	v19 =	vld.idx.msk [tilespmem:v19+s17+$0x0], $0xffff;
	[tilespmem:s28+$0x72E0] =	vst v20  }
0x34c: {  	v10 =	vand.u32 $0x7, v10;
	v15 =	vadd.s32 v63, v15;
	v11 =	vmul.u32 $0x82, v11;
	v20 =	vld.idx.msk [tilespmem:v12+s2+$0x0], $0xffff;
	[tilespmem:s28+$0x7360] =	vst v18  }
0x34d: {  	v9 =	vand.u32 $0x7, v9;
	v18 =	vld.idx.msk [tilespmem:v14+s2+$0x0], $0xffff;
	[tilespmem:s28+$0x7160] =	vst v21;
	v21 =	vmul.u32 $0x82, v10  }
0x34e: {  	v9 =	vmul.u32 $0x82, v9;
	v17 =	vld.idx.msk [tilespmem:v17+s17+$0x0], $0xffff;
	v10 =	vadd.s32 v63, v11;
	[tilespmem:s28+$0x6C80] =	vst v28  }
0x34f: {  	[tilespmem:s28+$0x71E0] =	vst v22;
	v37 =	vld.idx.msk [tilespmem:v16+s13+$0x0], $0xffff;
	v11 =	vadd.s32 v63, v21  }
0x350: {  	v9 =	vadd.s32 v63, v9;
	[tilespmem:s28+$0x73E0] =	vst v19;
	v21 =	vld.idx.msk [tilespmem:v13+s2+$0x0], $0xffff  }
0x351: {  	v22 =	vld.idx.msk [tilespmem:v15+s2+$0x0], $0xffff;
	[tilespmem:s28+$0x6A20] =	vst v20  }
0x352: {  	[tilespmem:s28+$0x6AA0] =	vst v18;
	v18 =	vld.idx.msk [tilespmem:v12+s11+$0x0], $0xffff  }
0x353: {  	[tilespmem:s28+$0x7460] =	vst v17;
	v19 =	vld.idx.msk [tilespmem:v10+s2+$0x0], $0xffff  }
0x354: {  	[tilespmem:s28+$0x6CB0] =	vst v37;
	v17 =	vld.idx.msk [tilespmem:v11+s2+$0x0], $0xffff  }
0x355: {  	[tilespmem:s28+$0x69A0] =	vst v21;
	v21 =	vld.idx.msk [tilespmem:v9+s2+$0x0], $0xffff  }
0x356: {  	v23 =	vld.idx.msk [tilespmem:v16+s14+$0x0], $0xffff  }
0x357: {  	[tilespmem:s28+$0x6920] =	vst v22;
	v20 =	vld.idx.msk [tilespmem:v13+s11+$0x0], $0xffff  }
0x358: {  	v22 =	vld.idx.msk [tilespmem:v15+s11+$0x0], $0xffff;
	[tilespmem:s28+$0x6B20] =	vst v19  }
0x359: {  	v19 =	vld.idx.msk [tilespmem:v14+s11+$0x0], $0xffff;
	[tilespmem:s28+$0x6BA0] =	vst v17  }
0x35a: {  	v17 =	vld.idx.msk [tilespmem:v10+s11+$0x0], $0xffff;
	[tilespmem:s28+$0x6C20] =	vst v21  }
0x35b: {  	[tilespmem:s28+$0x6CE0] =	vst v23;
	v21 =	vld.idx.msk [tilespmem:v11+s11+$0x0], $0xffff  }
0x35c: {  	[tilespmem:s28+$0x69D0] =	vst v20;
	v20 =	vld.idx.msk [tilespmem:v9+s11+$0x0], $0xffff  }
0x35d: {  	[tilespmem:s28+$0x6950] =	vst v22;
	v23 =	vld.idx.msk [tilespmem:v16+s15+$0x0], $0xffff  }
0x35e: {  	[tilespmem:s28+$0x6A50] =	vst v18;
	v22 =	vld.idx.msk [tilespmem:v15+s12+$0x0], $0xffff  }
0x35f: {  	v18 =	vld.idx.msk [tilespmem:v13+s12+$0x0], $0xffff;
	[tilespmem:s28+$0x6AD0] =	vst v19  }
0x360: {  	v19 =	vld.idx.msk [tilespmem:v12+s12+$0x0], $0xffff;
	[tilespmem:s28+$0x6B50] =	vst v17  }
0x361: {  	v17 =	vld.idx.msk [tilespmem:v14+s12+$0x0], $0xffff;
	[tilespmem:s28+$0x6BD0] =	vst v21  }
0x362: {  	v21 =	vld.idx.msk [tilespmem:v10+s12+$0x0], $0xffff;
	[tilespmem:s28+$0x7090] =	vst v23  }
0x363: {  	[tilespmem:s28+$0x6C50] =	vst v20;
	v23 =	vld.idx.msk [tilespmem:v16+s16+$0x0], $0xffff  }
0x364: {  	[tilespmem:s28+$0x6D00] =	vst v22;
	v20 =	vld.idx.msk [tilespmem:v11+s12+$0x0], $0xffff  }
0x365: {  	v22 =	vld.idx.msk [tilespmem:v9+s12+$0x0], $0xffff;
	[tilespmem:s28+$0x6D80] =	vst v18  }
0x366: {  	v18 =	vld.idx.msk [tilespmem:v15+s13+$0x0], $0xffff;
	[tilespmem:s28+$0x6E00] =	vst v19  }
0x367: {  	v19 =	vld.idx.msk [tilespmem:v13+s13+$0x0], $0xffff;
	[tilespmem:s28+$0x6E80] =	vst v17  }
0x368: {  	v17 =	vld.idx.msk [tilespmem:v12+s13+$0x0], $0xffff;
	[tilespmem:s28+$0x70C0] =	vst v23  }
0x369: {  	[tilespmem:s28+$0x6F00] =	vst v21;
	v16 =	vld.idx.msk [tilespmem:v16+s17+$0x0], $0xffff  }
0x36a: {  	v21 =	vld.idx.msk [tilespmem:v14+s13+$0x0], $0xffff;
	[tilespmem:s28+$0x6F80] =	vst v20  }
0x36b: {  	v20 =	vld.idx.msk [tilespmem:v10+s13+$0x0], $0xffff;
	[tilespmem:s28+$0x7000] =	vst v22  }
0x36c: {  	[tilespmem:s28+$0x6D30] =	vst v18;
	v22 =	vld.idx.msk [tilespmem:v9+s13+$0x0], $0xffff  }
0x36d: {  	v23 =	vld.idx.msk [tilespmem:v15+s14+$0x0], $0xffff;
	[tilespmem:s28+$0x6DB0] =	vst v19  }
0x36e: {  	[tilespmem:s28+$0x70F0] =	vst v16;
	v16 =	vld.idx.msk [tilespmem:v11+s13+$0x0], $0xffff  }
0x36f: {  	v39 =	vld.idx.msk [tilespmem:v13+s14+$0x0], $0xffff;
	[tilespmem:s28+$0x6E30] =	vst v17  }
0x370: {  	v40 =	vld.idx.msk [tilespmem:v12+s14+$0x0], $0xffff;
	[tilespmem:s28+$0x6EB0] =	vst v21  }
0x371: {  	v21 =	vld.idx.msk [tilespmem:v14+s14+$0x0], $0xffff;
	[tilespmem:s28+$0x6F30] =	vst v20  }
0x372: {  	v19 =	vld.idx.msk [tilespmem:v10+s14+$0x0], $0xffff;
	[tilespmem:s28+$0x7030] =	vst v22  }
0x373: {  	v20 =	vld.idx.msk [tilespmem:v9+s14+$0x0], $0xffff;
	[tilespmem:s28+$0x6FB0] =	vst v16  }
0x374: {  	[tilespmem:s28+$0x6D60] =	vst v23;
	v18 =	vld.idx.msk [tilespmem:v11+s14+$0x0], $0xffff  }
0x375: {  	v17 =	vld.idx.msk [tilespmem:v15+s15+$0x0], $0xffff;
	[tilespmem:s28+$0x6DE0] =	vst v39  }
0x376: {  	s29 =	simm.s32 $0x8;
	[tilespmem:s28+$0x6E60] =	vst v40;
	v16 =	vld.idx.msk [tilespmem:v13+s15+$0x0], $0xffff  }
.LBB2_9:
0x377: {  	s0 =	sor.u32 s23, s29;
	p0 =	slt.u32 s29, $0x38;
	v22 =	vld.idx.msk [tilespmem:v12+s15+$0x0], $0xffff;
	[tilespmem:s28+$0x6EE0] =	vst v21  }
0x378: {  	p2 =	sne.s32 s29, $0x0;
	p1 =	seq.s32 s0, $0x0;
	v21 =	vld.idx.msk [tilespmem:v14+s15+$0x0], $0xffff;
	[tilespmem:s28+$0x6F60] =	vst v19  }
0x379: {  	p1 =	por !p2, !p1;
	v19 =	vld.idx.msk [tilespmem:v10+s15+$0x0], $0xffff;
	[tilespmem:s28+$0x6FE0] =	vst v18  }
0x37a: {  	s0 =	simm.s32 $0x1;
	p1 =	por !p1, !p1;
	v18 =	vld.idx.msk [tilespmem:v11+s15+$0x0], $0xffff;
	[tilespmem:s28+$0x7060] =	vst v20  }
0x37b: {  	s0 =	simm.s32 @!p1 $0x0;
	[tilespmem:s28+$0x7110] =	vst v17;
	v17 =	vld.idx.msk [tilespmem:v9+s15+$0x0], $0xffff  }
0x37c: {  	s0 =	ssub.s32 s23, s0;
	v20 =	vld.idx.msk [tilespmem:v15+s16+$0x0], $0xffff;
	[tilespmem:s28+$0x7190] =	vst v16  }
0x37d: {  	s30 =	sshrl.u32 s29, $0x3;
	s0 =	sshll.u32 s0, $0x3;
	v23 =	vld.idx.msk [tilespmem:v13+s16+$0x0], $0xffff;
	[tilespmem:s28+$0x7210] =	vst v22  }
0x37e: {  	s3 =	sadd.s32 s25, s30;
	s6 =	sadd.s32 s26, s30;
	s0 =	sadd.s32 s30, s0;
	v22 =	vld.idx.msk [tilespmem:v12+s16+$0x0], $0xffff;
	[tilespmem:s28+$0x7290] =	vst v21  }
0x37f: {  	s10 =	sor.u32 $0x80, s3;
	s19 =	sor.u32 $0xC0, s6;
	v16 =	vmov s0;
	s0 =	sor.u32 $0x40, s3;
	v21 =	vld.idx.msk [tilespmem:v14+s16+$0x0], $0xffff;
	[tilespmem:s28+$0x7310] =	vst v19  }
0x380: {  	v24 =	vmov s10;
	s10 =	sor.u32 $0x140, s3;
	v19 =	vshra.s32 v16, v56;
	v27 =	vmov s0;
	s0 =	sor.u32 $0x100, s3;
	s3 =	sor.u32 $0x180, s3;
	v32 =	vld.idx.msk [tilespmem:v10+s16+$0x0], $0xffff;
	[tilespmem:s28+$0x7390] =	vst v18  }
0x381: {  	v28 =	vmov s19;
	v18 =	vand.u32 $0x7, v19;
	v25 =	vmov s0;
	s0 =	sor.u32 $0x1C0, s6;
	v19 =	vld.idx.msk [tilespmem:v11+s16+$0x0], $0xffff;
	[tilespmem:s28+$0x7410] =	vst v17  }
0x382: {  	v29 =	vmov s10;
	v26 =	vmov s3;
	v17 =	vmul.u32 $0x82, v18;
	[tilespmem:s28+$0x7140] =	vst v20;
	v18 =	vld.idx.msk [tilespmem:v9+s16+$0x0], $0xffff  }
0x383: {  	v33 =	vshrl.u32 v24, v56;
	v20 =	vshrl.u32 v27, v56;
	v30 =	vmov s0;
	v15 =	vld.idx.msk [tilespmem:v15+s17+$0x0], $0xffff;
	[tilespmem:s28+$0x71C0] =	vst v23  }
0x384: {  	v23 =	vshrl.u32 v25, v56;
	v31 =	vadd.s32 v60, v17;
	v17 =	vshrl.u32 v28, v56;
	[tilespmem:s28+$0x7240] =	vst v22  }
0x385: {  	v34 =	vshrl.u32 v26, v56;
	v35 =	vshrl.u32 v30, v56;
	v22 =	vshrl.u32 v29, v56;
	[tilespmem:s28+$0x72C0] =	vst v21  }
0x386: {  	v20 =	vand.u32 $0x7, v20;
	v21 =	vand.u32 $0x7, v33;
	v17 =	vand.u32 $0x7, v17;
	v13 =	vld.idx.msk [tilespmem:v13+s17+$0x0], $0xffff;
	[tilespmem:s28+$0x7340] =	vst v32  }
0x387: {  	v23 =	vand.u32 $0x7, v23;
	v22 =	vand.u32 $0x7, v22;
	v32 =	vand.u32 $0x7, v34;
	v12 =	vld.idx.msk [tilespmem:v12+s17+$0x0], $0xffff;
	[tilespmem:s28+$0x73C0] =	vst v19  }
0x388: {  	v33 =	vand.u32 $0x7, v35;
	v19 =	vmul.u32 $0x82, v20;
	v20 =	vmul.u32 $0x82, v21;
	v14 =	vld.idx.msk [tilespmem:v14+s17+$0x0], $0xffff;
	[tilespmem:s28+$0x7440] =	vst v18  }
0x389: {  	v17 =	vmul.u32 $0x82, v17;
	v35 =	vmul.u32 $0x82, v22;
	v18 =	vmul.u32 $0x82, v23;
	v34 =	vld.idx.msk [tilespmem:v31+s2+$0x0], $0xffff;
	[tilespmem:s28+$0x7170] =	vst v15  }
0x38a: {  	v21 =	vadd.s32 v60, v19;
	v15 =	vmul.u32 $0x82, v32;
	v32 =	vmul.u32 $0x82, v33;
	v10 =	vld.idx.msk [tilespmem:v10+s17+$0x0], $0xffff  }
0x38b: {  	v22 =	vadd.s32 v60, v17;
	v23 =	vadd.s32 v60, v20;
	v19 =	vadd.s32 v60, v18;
	v11 =	vld.idx.msk [tilespmem:v11+s17+$0x0], $0xffff  }
0x38c: {  	s0 =	smul.u32 $0x3000, s30;
	v20 =	vadd.s32 v60, v35;
	v18 =	vadd.s32 v60, v15;
	v17 =	vadd.s32 v60, v32;
	v9 =	vld.idx.msk [tilespmem:v9+s17+$0x0], $0xffff  }
0x38d: {  	v33 =	vshrl.u32 v28, v62;
	v15 =	vshrl.u32 v27, v62;
	v32 =	vshrl.u32 v24, v62;
	[tilespmem:s28+$0x71F0] =	vst v13  }
0x38e: {  	v36 =	vshrl.u32 v26, v62;
	s0 =	sshra.s32 s0, $0x2;
	v35 =	vshrl.u32 v29, v62;
	v13 =	vshrl.u32 v25, v62;
	[tilespmem:s28+$0x7270] =	vst v12  }
0x38f: {  	v12 =	vand.u32 $0x7, v15;
	v15 =	vand.u32 $0x7, v32;
	v32 =	vshrl.u32 v30, v62;
	[tilespmem:s0+$0x6880] =	vst v34;
	v34 =	vld.idx.msk [tilespmem:v21+s2+$0x0], $0xffff  }
0x390: {  	v33 =	vand.u32 $0x7, v33;
	v35 =	vand.u32 $0x7, v35;
	v13 =	vand.u32 $0x7, v13;
	v37 =	vld.idx.msk [tilespmem:v31+s11+$0x0], $0xffff;
	[tilespmem:s28+$0x72F0] =	vst v14  }
0x391: {  	v12 =	vmul.u32 $0x82, v12;
	v32 =	vand.u32 $0x7, v32;
	v14 =	vand.u32 $0x7, v36;
	v38 =	vld.idx.msk [tilespmem:v23+s2+$0x0], $0xffff;
	[tilespmem:s28+$0x7370] =	vst v10  }
0x392: {  	v33 =	vmul.u32 $0x82, v33;
	v39 =	vmul.u32 $0x82, v13;
	v10 =	vmul.u32 $0x82, v15;
	v36 =	vld.idx.msk [tilespmem:v22+s2+$0x0], $0xffff;
	[tilespmem:s28+$0x73F0] =	vst v11  }
0x393: {  	v32 =	vmul.u32 $0x82, v32;
	v11 =	vmul.u32 $0x82, v35;
	v35 =	vmul.u32 $0x82, v14;
	v40 =	vld.idx.msk [tilespmem:v19+s2+$0x0], $0xffff;
	[tilespmem:s28+$0x7470] =	vst v9;
	s28 =	smov.u32 s0  }
0x394: {  	v15 =	vadd.s32 v63, v12;
	v12 =	vadd.s32 v63, v33;
	v13 =	vadd.s32 v63, v10;
	v33 =	vld.idx.msk [tilespmem:v20+s2+$0x0], $0xffff  }
0x395: {  	v14 =	vadd.s32 v63, v39;
	v10 =	vadd.s32 v63, v11;
	[tilespmem:s28+$0x6900] =	vst v34;
	v34 =	vld.idx.msk [tilespmem:v18+s2+$0x0], $0xffff  }
0x396: {  	v9 =	vadd.s32 v63, v32;
	v11 =	vadd.s32 v63, v35;
	[tilespmem:s28+$0x68B0] =	vst v37;
	v35 =	vld.idx.msk [tilespmem:v17+s2+$0x0], $0xffff  }
0x397: {  	v32 =	vld.idx.msk [tilespmem:v31+s12+$0x0], $0xffff;
	[tilespmem:s28+$0x6980] =	vst v38  }
0x398: {  	v37 =	vld.idx.msk [tilespmem:v21+s11+$0x0], $0xffff;
	[tilespmem:s28+$0x6A00] =	vst v36  }
0x399: {  	v36 =	vld.idx.msk [tilespmem:v23+s11+$0x0], $0xffff;
	[tilespmem:s28+$0x6A80] =	vst v40  }
0x39a: {  	v38 =	vld.idx.msk [tilespmem:v22+s11+$0x0], $0xffff;
	[tilespmem:s28+$0x6B00] =	vst v33  }
0x39b: {  	v33 =	vld.idx.msk [tilespmem:v19+s11+$0x0], $0xffff;
	[tilespmem:s28+$0x6B80] =	vst v34  }
0x39c: {  	v34 =	vld.idx.msk [tilespmem:v20+s11+$0x0], $0xffff;
	[tilespmem:s28+$0x6C00] =	vst v35  }
0x39d: {  	[tilespmem:s28+$0x68E0] =	vst v32;
	v32 =	vld.idx.msk [tilespmem:v18+s11+$0x0], $0xffff  }
0x39e: {  	v35 =	vld.idx.msk [tilespmem:v31+s13+$0x0], $0xffff;
	[tilespmem:s28+$0x6930] =	vst v37  }
0x39f: {  	[tilespmem:s28+$0x69B0] =	vst v36;
	v36 =	vld.idx.msk [tilespmem:v17+s11+$0x0], $0xffff  }
0x3a0: {  	v37 =	vld.idx.msk [tilespmem:v21+s12+$0x0], $0xffff;
	[tilespmem:s28+$0x6A30] =	vst v38  }
0x3a1: {  	v38 =	vld.idx.msk [tilespmem:v23+s12+$0x0], $0xffff;
	[tilespmem:s28+$0x6AB0] =	vst v33  }
0x3a2: {  	v33 =	vld.idx.msk [tilespmem:v22+s12+$0x0], $0xffff;
	[tilespmem:s28+$0x6B30] =	vst v34  }
0x3a3: {  	v34 =	vld.idx.msk [tilespmem:v19+s12+$0x0], $0xffff;
	[tilespmem:s28+$0x6BB0] =	vst v32  }
0x3a4: {  	[tilespmem:s28+$0x6C90] =	vst v35;
	v32 =	vld.idx.msk [tilespmem:v20+s12+$0x0], $0xffff  }
0x3a5: {  	v35 =	vld.idx.msk [tilespmem:v31+s14+$0x0], $0xffff;
	[tilespmem:s28+$0x6C30] =	vst v36  }
0x3a6: {  	[tilespmem:s28+$0x6960] =	vst v37;
	v36 =	vld.idx.msk [tilespmem:v18+s12+$0x0], $0xffff  }
0x3a7: {  	[tilespmem:s28+$0x69E0] =	vst v38;
	v37 =	vld.idx.msk [tilespmem:v17+s12+$0x0], $0xffff  }
0x3a8: {  	v38 =	vld.idx.msk [tilespmem:v21+s13+$0x0], $0xffff;
	[tilespmem:s28+$0x6A60] =	vst v33  }
0x3a9: {  	v33 =	vld.idx.msk [tilespmem:v23+s13+$0x0], $0xffff;
	[tilespmem:s28+$0x6AE0] =	vst v34  }
0x3aa: {  	v34 =	vld.idx.msk [tilespmem:v22+s13+$0x0], $0xffff;
	[tilespmem:s28+$0x6B60] =	vst v32  }
0x3ab: {  	[tilespmem:s28+$0x6CC0] =	vst v35;
	v32 =	vld.idx.msk [tilespmem:v19+s13+$0x0], $0xffff  }
0x3ac: {  	v35 =	vld.idx.msk [tilespmem:v31+s15+$0x0], $0xffff;
	[tilespmem:s28+$0x6BE0] =	vst v36  }
0x3ad: {  	v36 =	vld.idx.msk [tilespmem:v20+s13+$0x0], $0xffff;
	[tilespmem:s28+$0x6C60] =	vst v37  }
0x3ae: {  	[tilespmem:s28+$0x6D10] =	vst v38;
	v37 =	vld.idx.msk [tilespmem:v18+s13+$0x0], $0xffff  }
0x3af: {  	[tilespmem:s28+$0x6D90] =	vst v33;
	v33 =	vld.idx.msk [tilespmem:v17+s13+$0x0], $0xffff  }
0x3b0: {  	v38 =	vld.idx.msk [tilespmem:v21+s14+$0x0], $0xffff;
	[tilespmem:s28+$0x6E10] =	vst v34  }
0x3b1: {  	v34 =	vld.idx.msk [tilespmem:v23+s14+$0x0], $0xffff;
	[tilespmem:s28+$0x6E90] =	vst v32  }
0x3b2: {  	[tilespmem:s28+$0x6CF0] =	vst v35;
	v32 =	vld.idx.msk [tilespmem:v22+s14+$0x0], $0xffff  }
0x3b3: {  	v35 =	vld.idx.msk [tilespmem:v31+s16+$0x0], $0xffff;
	[tilespmem:s28+$0x6F10] =	vst v36  }
0x3b4: {  	v36 =	vld.idx.msk [tilespmem:v19+s14+$0x0], $0xffff;
	[tilespmem:s28+$0x6F90] =	vst v37  }
0x3b5: {  	v37 =	vld.idx.msk [tilespmem:v20+s14+$0x0], $0xffff;
	[tilespmem:s28+$0x7010] =	vst v33  }
0x3b6: {  	[tilespmem:s28+$0x6D40] =	vst v38;
	v33 =	vld.idx.msk [tilespmem:v18+s14+$0x0], $0xffff  }
0x3b7: {  	[tilespmem:s28+$0x6DC0] =	vst v34;
	v34 =	vld.idx.msk [tilespmem:v17+s14+$0x0], $0xffff  }
0x3b8: {  	v27 =	vshrl.u32 v27, v8;
	v38 =	vshra.s32 v16, v8;
	v39 =	vld.idx.msk [tilespmem:v21+s15+$0x0], $0xffff;
	[tilespmem:s28+$0x6E40] =	vst v32  }
0x3b9: {  	v28 =	vshrl.u32 v28, v8;
	v24 =	vshrl.u32 v24, v8;
	v32 =	vand.u32 $0x7, v38;
	[tilespmem:s28+$0x70A0] =	vst v35;
	v35 =	vld.idx.msk [tilespmem:v23+s15+$0x0], $0xffff  }
0x3ba: {  	v29 =	vshrl.u32 v29, v8;
	v25 =	vshrl.u32 v25, v8;
	v38 =	vld.idx.msk [tilespmem:v31+s17+$0x0], $0xffff;
	v31 =	vmul.u32 $0x82, v32;
	[tilespmem:s28+$0x6EC0] =	vst v36  }
0x3bb: {  	v26 =	vshrl.u32 v26, v8;
	v27 =	vand.u32 $0x7, v27;
	v30 =	vshrl.u32 v30, v8;
	v32 =	vld.idx.msk [tilespmem:v22+s15+$0x0], $0xffff;
	[tilespmem:s28+$0x6F40] =	vst v37  }
0x3bc: {  	v28 =	vand.u32 $0x7, v28;
	v24 =	vand.u32 $0x7, v24;
	v31 =	vadd.s32 v57, v31;
	v36 =	vld.idx.msk [tilespmem:v19+s15+$0x0], $0xffff;
	[tilespmem:s28+$0x6FC0] =	vst v33  }
0x3bd: {  	v26 =	vand.u32 $0x7, v26;
	v29 =	vand.u32 $0x7, v29;
	v25 =	vand.u32 $0x7, v25;
	v33 =	vld.idx.msk [tilespmem:v20+s15+$0x0], $0xffff;
	[tilespmem:s28+$0x7040] =	vst v34  }
0x3be: {  	v27 =	vmul.u32 $0x82, v27;
	v24 =	vmul.u32 $0x82, v24;
	v30 =	vand.u32 $0x7, v30;
	[tilespmem:s28+$0x6D70] =	vst v39;
	v34 =	vld.idx.msk [tilespmem:v18+s15+$0x0], $0xffff  }
0x3bf: {  	v28 =	vmul.u32 $0x82, v28;
	v25 =	vmul.u32 $0x82, v25;
	[tilespmem:s28+$0x6DF0] =	vst v35;
	v35 =	vmul.u32 $0x82, v29;
	v37 =	vld.idx.msk [tilespmem:v17+s15+$0x0], $0xffff  }
0x3c0: {  	v26 =	vmul.u32 $0x82, v26;
	v27 =	vadd.s32 v57, v27;
	v39 =	vmul.u32 $0x82, v30;
	[tilespmem:s28+$0x70D0] =	vst v38;
	v38 =	vld.idx.msk [tilespmem:v21+s16+$0x0], $0xffff  }
0x3c1: {  	v28 =	vadd.s32 v57, v28;
	v30 =	vadd.s32 v57, v24;
	v40 =	vld.idx.msk [tilespmem:v31+s2+$0x0], $0xffff;
	[tilespmem:s28+$0x6E70] =	vst v32  }
0x3c2: {  	v29 =	vadd.s32 v57, v25;
	v25 =	vadd.s32 v57, v35;
	v32 =	vld.idx.msk [tilespmem:v23+s16+$0x0], $0xffff;
	[tilespmem:s28+$0x6EF0] =	vst v36  }
0x3c3: {  	v26 =	vadd.s32 v57, v26;
	v24 =	vadd.s32 v57, v39;
	v35 =	vld.idx.msk [tilespmem:v22+s16+$0x0], $0xffff;
	[tilespmem:s28+$0x6F70] =	vst v33  }
0x3c4: {  	v33 =	vld.idx.msk [tilespmem:v19+s16+$0x0], $0xffff;
	[tilespmem:s28+$0x6FF0] =	vst v34  }
0x3c5: {  	v34 =	vld.idx.msk [tilespmem:v20+s16+$0x0], $0xffff;
	[tilespmem:s28+$0x7070] =	vst v37  }
0x3c6: {  	[tilespmem:s28+$0x7120] =	vst v38;
	v36 =	vld.idx.msk [tilespmem:v18+s16+$0x0], $0xffff  }
0x3c7: {  	[tilespmem:s28+$0x6890] =	vst v40;
	v37 =	vld.idx.msk [tilespmem:v17+s16+$0x0], $0xffff  }
0x3c8: {  	v38 =	vld.idx.msk [tilespmem:v31+s11+$0x0], $0xffff;
	[tilespmem:s28+$0x71A0] =	vst v32  }
0x3c9: {  	v21 =	vld.idx.msk [tilespmem:v21+s17+$0x0], $0xffff;
	[tilespmem:s28+$0x7220] =	vst v35  }
0x3ca: {  	v23 =	vld.idx.msk [tilespmem:v23+s17+$0x0], $0xffff;
	[tilespmem:s28+$0x72A0] =	vst v33  }
0x3cb: {  	v22 =	vld.idx.msk [tilespmem:v22+s17+$0x0], $0xffff;
	[tilespmem:s28+$0x7320] =	vst v34  }
0x3cc: {  	v19 =	vld.idx.msk [tilespmem:v19+s17+$0x0], $0xffff;
	[tilespmem:s28+$0x73A0] =	vst v36  }
0x3cd: {  	v20 =	vld.idx.msk [tilespmem:v20+s17+$0x0], $0xffff;
	[tilespmem:s28+$0x7420] =	vst v37  }
0x3ce: {  	[tilespmem:s28+$0x68C0] =	vst v38;
	v18 =	vld.idx.msk [tilespmem:v18+s17+$0x0], $0xffff  }
0x3cf: {  	v32 =	vld.idx.msk [tilespmem:v31+s12+$0x0], $0xffff;
	[tilespmem:s28+$0x7150] =	vst v21  }
0x3d0: {  	[tilespmem:s28+$0x71D0] =	vst v23;
	v17 =	vld.idx.msk [tilespmem:v17+s17+$0x0], $0xffff  }
0x3d1: {  	v21 =	vld.idx.msk [tilespmem:v27+s2+$0x0], $0xffff;
	[tilespmem:s28+$0x7250] =	vst v22  }
0x3d2: {  	v22 =	vld.idx.msk [tilespmem:v30+s2+$0x0], $0xffff;
	[tilespmem:s28+$0x72D0] =	vst v19  }
0x3d3: {  	v19 =	vld.idx.msk [tilespmem:v28+s2+$0x0], $0xffff;
	[tilespmem:s28+$0x7350] =	vst v20  }
0x3d4: {  	v20 =	vld.idx.msk [tilespmem:v29+s2+$0x0], $0xffff;
	[tilespmem:s28+$0x73D0] =	vst v18  }
0x3d5: {  	[tilespmem:s28+$0x68F0] =	vst v32;
	v18 =	vld.idx.msk [tilespmem:v25+s2+$0x0], $0xffff  }
0x3d6: {  	v23 =	vld.idx.msk [tilespmem:v31+s13+$0x0], $0xffff;
	[tilespmem:s28+$0x7450] =	vst v17  }
0x3d7: {  	[tilespmem:s28+$0x6910] =	vst v21;
	v17 =	vld.idx.msk [tilespmem:v26+s2+$0x0], $0xffff  }
0x3d8: {  	[tilespmem:s28+$0x6990] =	vst v22;
	v21 =	vld.idx.msk [tilespmem:v24+s2+$0x0], $0xffff  }
0x3d9: {  	v22 =	vld.idx.msk [tilespmem:v27+s11+$0x0], $0xffff;
	[tilespmem:s28+$0x6A10] =	vst v19  }
0x3da: {  	v19 =	vld.idx.msk [tilespmem:v30+s11+$0x0], $0xffff;
	[tilespmem:s28+$0x6A90] =	vst v20  }
0x3db: {  	v20 =	vld.idx.msk [tilespmem:v28+s11+$0x0], $0xffff;
	[tilespmem:s28+$0x6B10] =	vst v18  }
0x3dc: {  	[tilespmem:s28+$0x6CA0] =	vst v23;
	v18 =	vld.idx.msk [tilespmem:v29+s11+$0x0], $0xffff  }
0x3dd: {  	v23 =	vld.idx.msk [tilespmem:v31+s14+$0x0], $0xffff;
	[tilespmem:s28+$0x6B90] =	vst v17  }
0x3de: {  	v17 =	vld.idx.msk [tilespmem:v25+s11+$0x0], $0xffff;
	[tilespmem:s28+$0x6C10] =	vst v21  }
0x3df: {  	[tilespmem:s28+$0x6940] =	vst v22;
	v21 =	vld.idx.msk [tilespmem:v26+s11+$0x0], $0xffff  }
0x3e0: {  	[tilespmem:s28+$0x69C0] =	vst v19;
	v19 =	vld.idx.msk [tilespmem:v24+s11+$0x0], $0xffff  }
0x3e1: {  	v22 =	vld.idx.msk [tilespmem:v27+s12+$0x0], $0xffff;
	[tilespmem:s28+$0x6A40] =	vst v20  }
0x3e2: {  	v20 =	vld.idx.msk [tilespmem:v30+s12+$0x0], $0xffff;
	[tilespmem:s28+$0x6AC0] =	vst v18  }
0x3e3: {  	[tilespmem:s28+$0x6CD0] =	vst v23;
	v18 =	vld.idx.msk [tilespmem:v28+s12+$0x0], $0xffff  }
0x3e4: {  	v23 =	vld.idx.msk [tilespmem:v31+s15+$0x0], $0xffff;
	[tilespmem:s28+$0x6B40] =	vst v17  }
0x3e5: {  	v17 =	vld.idx.msk [tilespmem:v29+s12+$0x0], $0xffff;
	[tilespmem:s28+$0x6BC0] =	vst v21  }
0x3e6: {  	v21 =	vld.idx.msk [tilespmem:v25+s12+$0x0], $0xffff;
	[tilespmem:s28+$0x6C40] =	vst v19  }
0x3e7: {  	[tilespmem:s28+$0x6970] =	vst v22;
	v19 =	vld.idx.msk [tilespmem:v26+s12+$0x0], $0xffff  }
0x3e8: {  	[tilespmem:s28+$0x69F0] =	vst v20;
	v20 =	vld.idx.msk [tilespmem:v24+s12+$0x0], $0xffff  }
0x3e9: {  	v22 =	vld.idx.msk [tilespmem:v27+s13+$0x0], $0xffff;
	[tilespmem:s28+$0x6A70] =	vst v18  }
0x3ea: {  	[tilespmem:s28+$0x7080] =	vst v23;
	v18 =	vld.idx.msk [tilespmem:v30+s13+$0x0], $0xffff  }
0x3eb: {  	v23 =	vld.idx.msk [tilespmem:v31+s16+$0x0], $0xffff;
	[tilespmem:s28+$0x6AF0] =	vst v17  }
0x3ec: {  	v17 =	vld.idx.msk [tilespmem:v28+s13+$0x0], $0xffff;
	[tilespmem:s28+$0x6B70] =	vst v21  }
0x3ed: {  	v21 =	vld.idx.msk [tilespmem:v29+s13+$0x0], $0xffff;
	[tilespmem:s28+$0x6BF0] =	vst v19  }
0x3ee: {  	v19 =	vld.idx.msk [tilespmem:v25+s13+$0x0], $0xffff;
	[tilespmem:s28+$0x6C70] =	vst v20  }
0x3ef: {  	[tilespmem:s28+$0x6D20] =	vst v22;
	v20 =	vld.idx.msk [tilespmem:v26+s13+$0x0], $0xffff  }
0x3f0: {  	v16 =	vshra.s32 v16, v62;
	[tilespmem:s28+$0x6DA0] =	vst v18;
	v18 =	vld.idx.msk [tilespmem:v24+s13+$0x0], $0xffff  }
0x3f1: {  	v16 =	vand.u32 $0x7, v16;
	[tilespmem:s28+$0x70B0] =	vst v23;
	v22 =	vld.idx.msk [tilespmem:v27+s14+$0x0], $0xffff  }
0x3f2: {  	v16 =	vmul.u32 $0x82, v16;
	v23 =	vld.idx.msk [tilespmem:v31+s17+$0x0], $0xffff;
	[tilespmem:s28+$0x6E20] =	vst v17  }
0x3f3: {  	v17 =	vld.idx.msk [tilespmem:v30+s14+$0x0], $0xffff;
	[tilespmem:s28+$0x6EA0] =	vst v21  }
0x3f4: {  	v16 =	vadd.s32 v63, v16;
	v21 =	vld.idx.msk [tilespmem:v28+s14+$0x0], $0xffff;
	[tilespmem:s28+$0x6F20] =	vst v19  }
0x3f5: {  	v19 =	vld.idx.msk [tilespmem:v29+s14+$0x0], $0xffff;
	[tilespmem:s28+$0x6FA0] =	vst v20  }
0x3f6: {  	v20 =	vld.idx.msk [tilespmem:v25+s14+$0x0], $0xffff;
	[tilespmem:s28+$0x7020] =	vst v18  }
0x3f7: {  	[tilespmem:s28+$0x6D50] =	vst v22;
	v18 =	vld.idx.msk [tilespmem:v26+s14+$0x0], $0xffff  }
0x3f8: {  	[tilespmem:s28+$0x70E0] =	vst v23;
	v22 =	vld.idx.msk [tilespmem:v24+s14+$0x0], $0xffff  }
0x3f9: {  	v23 =	vld.idx.msk [tilespmem:v16+s2+$0x0], $0xffff;
	[tilespmem:s28+$0x6DD0] =	vst v17  }
0x3fa: {  	v17 =	vld.idx.msk [tilespmem:v27+s15+$0x0], $0xffff;
	[tilespmem:s28+$0x6E50] =	vst v21  }
0x3fb: {  	v21 =	vld.idx.msk [tilespmem:v30+s15+$0x0], $0xffff;
	[tilespmem:s28+$0x6ED0] =	vst v19  }
0x3fc: {  	v19 =	vld.idx.msk [tilespmem:v28+s15+$0x0], $0xffff;
	[tilespmem:s28+$0x6F50] =	vst v20  }
0x3fd: {  	v20 =	vld.idx.msk [tilespmem:v29+s15+$0x0], $0xffff;
	[tilespmem:s28+$0x6FD0] =	vst v18  }
0x3fe: {  	v18 =	vld.idx.msk [tilespmem:v25+s15+$0x0], $0xffff;
	[tilespmem:s28+$0x7050] =	vst v22  }
0x3ff: {  	[tilespmem:s28+$0x68A0] =	vst v23;
	v22 =	vld.idx.msk [tilespmem:v26+s15+$0x0], $0xffff  }
0x400: {  	v23 =	vld.idx.msk [tilespmem:v16+s11+$0x0], $0xffff;
	[tilespmem:s28+$0x7100] =	vst v17  }
0x401: {  	[tilespmem:s28+$0x7180] =	vst v21;
	v17 =	vld.idx.msk [tilespmem:v24+s15+$0x0], $0xffff  }
0x402: {  	v21 =	vld.idx.msk [tilespmem:v27+s16+$0x0], $0xffff;
	[tilespmem:s28+$0x7200] =	vst v19  }
0x403: {  	v19 =	vld.idx.msk [tilespmem:v30+s16+$0x0], $0xffff;
	[tilespmem:s28+$0x7280] =	vst v20  }
0x404: {  	v20 =	vld.idx.msk [tilespmem:v28+s16+$0x0], $0xffff;
	[tilespmem:s28+$0x7300] =	vst v18  }
0x405: {  	v18 =	vld.idx.msk [tilespmem:v29+s16+$0x0], $0xffff;
	[tilespmem:s28+$0x7380] =	vst v22  }
0x406: {  	[tilespmem:s28+$0x68D0] =	vst v23;
	v22 =	vld.idx.msk [tilespmem:v25+s16+$0x0], $0xffff  }
0x407: {  	v23 =	vld.idx.msk [tilespmem:v16+s12+$0x0], $0xffff;
	[tilespmem:s28+$0x7400] =	vst v17  }
0x408: {  	[tilespmem:s28+$0x7130] =	vst v21;
	v17 =	vld.idx.msk [tilespmem:v26+s16+$0x0], $0xffff  }
0x409: {  	[tilespmem:s28+$0x71B0] =	vst v19;
	v19 =	vld.idx.msk [tilespmem:v24+s16+$0x0], $0xffff  }
0x40a: {  	v21 =	vld.idx.msk [tilespmem:v27+s17+$0x0], $0xffff;
	[tilespmem:s28+$0x7230] =	vst v20  }
0x40b: {  	v20 =	vld.idx.msk [tilespmem:v30+s17+$0x0], $0xffff;
	[tilespmem:s28+$0x72B0] =	vst v18  }
0x40c: {  	v18 =	vld.idx.msk [tilespmem:v28+s17+$0x0], $0xffff;
	[tilespmem:s28+$0x7330] =	vst v22  }
0x40d: {  	[tilespmem:s28+$0x6C80] =	vst v23;
	v22 =	vld.idx.msk [tilespmem:v29+s17+$0x0], $0xffff  }
0x40e: {  	v23 =	vld.idx.msk [tilespmem:v16+s13+$0x0], $0xffff;
	[tilespmem:s28+$0x73B0] =	vst v17  }
0x40f: {  	v17 =	vld.idx.msk [tilespmem:v25+s17+$0x0], $0xffff;
	[tilespmem:s28+$0x7430] =	vst v19  }
0x410: {  	[tilespmem:s28+$0x7160] =	vst v21;
	v19 =	vld.idx.msk [tilespmem:v26+s17+$0x0], $0xffff  }
0x411: {  	[tilespmem:s28+$0x71E0] =	vst v20;
	v20 =	vld.idx.msk [tilespmem:v24+s17+$0x0], $0xffff  }
0x412: {  	v21 =	vld.idx.msk [tilespmem:v15+s2+$0x0], $0xffff;
	[tilespmem:s28+$0x7260] =	vst v18  }
0x413: {  	v18 =	vld.idx.msk [tilespmem:v13+s2+$0x0], $0xffff;
	[tilespmem:s28+$0x72E0] =	vst v22  }
0x414: {  	[tilespmem:s28+$0x6CB0] =	vst v23;
	v22 =	vld.idx.msk [tilespmem:v12+s2+$0x0], $0xffff  }
0x415: {  	v23 =	vld.idx.msk [tilespmem:v16+s14+$0x0], $0xffff;
	[tilespmem:s28+$0x7360] =	vst v17  }
0x416: {  	v17 =	vld.idx.msk [tilespmem:v14+s2+$0x0], $0xffff;
	[tilespmem:s28+$0x73E0] =	vst v19  }
0x417: {  	v19 =	vld.idx.msk [tilespmem:v10+s2+$0x0], $0xffff;
	[tilespmem:s28+$0x7460] =	vst v20  }
0x418: {  	[tilespmem:s28+$0x6920] =	vst v21;
	v20 =	vld.idx.msk [tilespmem:v11+s2+$0x0], $0xffff  }
0x419: {  	[tilespmem:s28+$0x69A0] =	vst v18;
	v18 =	vld.idx.msk [tilespmem:v9+s2+$0x0], $0xffff  }
0x41a: {  	v21 =	vld.idx.msk [tilespmem:v15+s11+$0x0], $0xffff;
	[tilespmem:s28+$0x6A20] =	vst v22  }
0x41b: {  	[tilespmem:s28+$0x6CE0] =	vst v23;
	v22 =	vld.idx.msk [tilespmem:v13+s11+$0x0], $0xffff  }
0x41c: {  	v23 =	vld.idx.msk [tilespmem:v16+s15+$0x0], $0xffff;
	[tilespmem:s28+$0x6AA0] =	vst v17  }
0x41d: {  	v17 =	vld.idx.msk [tilespmem:v12+s11+$0x0], $0xffff;
	[tilespmem:s28+$0x6B20] =	vst v19  }
0x41e: {  	v19 =	vld.idx.msk [tilespmem:v14+s11+$0x0], $0xffff;
	[tilespmem:s28+$0x6BA0] =	vst v20  }
0x41f: {  	v20 =	vld.idx.msk [tilespmem:v10+s11+$0x0], $0xffff;
	[tilespmem:s28+$0x6C20] =	vst v18  }
0x420: {  	[tilespmem:s28+$0x6950] =	vst v21;
	v18 =	vld.idx.msk [tilespmem:v11+s11+$0x0], $0xffff  }
0x421: {  	[tilespmem:s28+$0x69D0] =	vst v22;
	v21 =	vld.idx.msk [tilespmem:v9+s11+$0x0], $0xffff  }
0x422: {  	[tilespmem:s28+$0x7090] =	vst v23;
	v22 =	vld.idx.msk [tilespmem:v15+s12+$0x0], $0xffff  }
0x423: {  	v23 =	vld.idx.msk [tilespmem:v16+s16+$0x0], $0xffff;
	[tilespmem:s28+$0x6A50] =	vst v17  }
0x424: {  	v17 =	vld.idx.msk [tilespmem:v13+s12+$0x0], $0xffff;
	[tilespmem:s28+$0x6AD0] =	vst v19  }
0x425: {  	v19 =	vld.idx.msk [tilespmem:v12+s12+$0x0], $0xffff;
	[tilespmem:s28+$0x6B50] =	vst v20  }
0x426: {  	v20 =	vld.idx.msk [tilespmem:v14+s12+$0x0], $0xffff;
	[tilespmem:s28+$0x6BD0] =	vst v18  }
0x427: {  	v18 =	vld.idx.msk [tilespmem:v10+s12+$0x0], $0xffff;
	[tilespmem:s28+$0x6C50] =	vst v21  }
0x428: {  	[tilespmem:s28+$0x6D00] =	vst v22;
	v21 =	vld.idx.msk [tilespmem:v11+s12+$0x0], $0xffff  }
0x429: {  	[tilespmem:s28+$0x70C0] =	vst v23;
	v22 =	vld.idx.msk [tilespmem:v9+s12+$0x0], $0xffff  }
0x42a: {  	v16 =	vld.idx.msk [tilespmem:v16+s17+$0x0], $0xffff;
	[tilespmem:s28+$0x6D80] =	vst v17  }
0x42b: {  	v17 =	vld.idx.msk [tilespmem:v15+s13+$0x0], $0xffff;
	[tilespmem:s28+$0x6E00] =	vst v19  }
0x42c: {  	v19 =	vld.idx.msk [tilespmem:v13+s13+$0x0], $0xffff;
	[tilespmem:s28+$0x6E80] =	vst v20  }
0x42d: {  	v20 =	vld.idx.msk [tilespmem:v12+s13+$0x0], $0xffff;
	[tilespmem:s28+$0x6F00] =	vst v18  }
0x42e: {  	v18 =	vld.idx.msk [tilespmem:v14+s13+$0x0], $0xffff;
	[tilespmem:s28+$0x6F80] =	vst v21  }
0x42f: {  	v23 =	vld.idx.msk [tilespmem:v10+s13+$0x0], $0xffff;
	[tilespmem:s28+$0x7000] =	vst v22  }
0x430: {  	[tilespmem:s28+$0x70F0] =	vst v16;
	v16 =	vld.idx.msk [tilespmem:v11+s13+$0x0], $0xffff  }
0x431: {  	[tilespmem:s28+$0x6D30] =	vst v17;
	v17 =	vld.idx.msk [tilespmem:v9+s13+$0x0], $0xffff  }
0x432: {  	v22 =	vld.idx.msk [tilespmem:v15+s14+$0x0], $0xffff;
	[tilespmem:s28+$0x6DB0] =	vst v19  }
0x433: {  	v24 =	vld.idx.msk [tilespmem:v13+s14+$0x0], $0xffff;
	[tilespmem:s28+$0x6E30] =	vst v20  }
0x434: {  	v25 =	vld.idx.msk [tilespmem:v12+s14+$0x0], $0xffff;
	[tilespmem:s28+$0x6EB0] =	vst v18  }
0x435: {  	v21 =	vld.idx.msk [tilespmem:v14+s14+$0x0], $0xffff;
	[tilespmem:s28+$0x6F30] =	vst v23  }
.Ltmp8:
0x436: {  	v19 =	vld.idx.msk [tilespmem:v10+s14+$0x0], $0xffff;
	[tilespmem:s28+$0x6FB0] =	vst v16;
	(pc) =	sbr.rel @p0 .LBB2_9-.Ltmp8, $4  }
0x437: {  	v18 =	vld.idx.msk [tilespmem:v11+s14+$0x0], $0xffff;
	[tilespmem:s28+$0x7030] =	vst v17  }
0x438: {  	[tilespmem:s28+$0x6D60] =	vst v22;
	v20 =	vld.idx.msk [tilespmem:v9+s14+$0x0], $0xffff  }
0x439: {  	v17 =	vld.idx.msk [tilespmem:v15+s15+$0x0], $0xffff;
	[tilespmem:s28+$0x6DE0] =	vst v24  }
0x43a: {  	s29 =	sadd.s32 $0x8, s29;
	v16 =	vld.idx.msk [tilespmem:v13+s15+$0x0], $0xffff;
	[tilespmem:s28+$0x6E60] =	vst v25  }
0x43b: {  	_ =	sdelay $0x2  }
0x43c: {  	[tilespmem:s28+$0x6EE0] =	vst v21  }
0x43d: {  	v8 =	vld.idx.msk [tilespmem:v12+s15+$0x0], $0xffff;
	[tilespmem:s28+$0x6F60] =	vst v19  }
0x43e: {  	v26 =	vld.idx.msk [tilespmem:v14+s15+$0x0], $0xffff;
	[tilespmem:s28+$0x6FE0] =	vst v18  }
0x43f: {  	v27 =	vld.idx.msk [tilespmem:v10+s15+$0x0], $0xffff;
	[tilespmem:s28+$0x7060] =	vst v20  }
0x440: {  	v28 =	vld.idx.msk [tilespmem:v11+s15+$0x0], $0xffff;
	[tilespmem:s28+$0x7110] =	vst v17  }
0x441: {  	v29 =	vld.idx.msk [tilespmem:v9+s15+$0x0], $0xffff;
	[tilespmem:s28+$0x7190] =	vst v16  }
0x442: {  	v30 =	vld.idx.msk [tilespmem:v15+s16+$0x0], $0xffff;
	[tilespmem:s28+$0x7210] =	vst v8  }
0x443: {  	v8 =	vld.idx.msk [tilespmem:v13+s16+$0x0], $0xffff;
	[tilespmem:s28+$0x7290] =	vst v26  }
0x444: {  	v31 =	vld.idx.msk [tilespmem:v12+s16+$0x0], $0xffff;
	[tilespmem:s28+$0x7310] =	vst v27  }
0x445: {  	v32 =	vld.idx.msk [tilespmem:v14+s16+$0x0], $0xffff;
	[tilespmem:s28+$0x7390] =	vst v28  }
0x446: {  	v33 =	vld.idx.msk [tilespmem:v10+s16+$0x0], $0xffff;
	[tilespmem:s28+$0x7410] =	vst v29  }
0x447: {  	v34 =	vld.idx.msk [tilespmem:v11+s16+$0x0], $0xffff;
	[tilespmem:s28+$0x7140] =	vst v30  }
0x448: {  	v35 =	vld.idx.msk [tilespmem:v9+s16+$0x0], $0xffff;
	[tilespmem:s28+$0x71C0] =	vst v8  }
0x449: {  	v8 =	vld.idx.msk [tilespmem:v15+s17+$0x0], $0xffff;
	[tilespmem:s28+$0x7240] =	vst v31  }
0x44a: {  	v36 =	vld.idx.msk [tilespmem:v13+s17+$0x0], $0xffff;
	[tilespmem:s28+$0x72C0] =	vst v32  }
0x44b: {  	[tilespmem:s28+$0x7340] =	vst v33;
	v37 =	vld.idx.msk [tilespmem:v12+s17+$0x0], $0xffff  }
0x44c: {  	[tilespmem:s28+$0x73C0] =	vst v34;
	v38 =	vld.idx.msk [tilespmem:v14+s17+$0x0], $0xffff  }
0x44d: {  	v39 =	vld.idx.msk [tilespmem:v10+s17+$0x0], $0xffff;
	[tilespmem:s28+$0x7440] =	vst v35  }
0x44e: {  	s0 =	smul.u32 $0x30000, s24;
	[tilespmem:s28+$0x7170] =	vst v8;
	v8 =	vld.idx.msk [tilespmem:v11+s17+$0x0], $0xffff  }
0x44f: {  	s3 =	smul.u32 $0x6000, s23;
	v40 =	vld.idx.msk [tilespmem:v9+s17+$0x0], $0xffff;
	[tilespmem:s28+$0x71F0] =	vst v36  }
0x450: {  	[tilespmem:s28+$0x7270] =	vst v37  }
.Ltmp9:
0x451: {  	s0 =	sadd.s32 s3, s0;
	[tilespmem:s28+$0x72F0] =	vst v38;
	(pc) =	sbr.rel .LBB2_11-.Ltmp9, $4  }
0x452: {  	s0 =	sadd.s32 s5, s0;
	[tilespmem:s28+$0x7370] =	vst v39  }
0x453: {  	s0 =	sshrl.u32 s0, $0x3;
	[tilespmem:s28+$0x73F0] =	vst v8  }
0x454: {  	s0 =	sadd.s32 s1, s0;
	[tilespmem:s28+$0x7470] =	vst v40  }
0x455: {  	[hbm4b:s0+s2] =	stream.linear.scatter [tilespmem:s18], [sflag:$0x2], $0x6000, $0x38;
	[tilespmem:$0xC880] =	vst v63  }
.LBB2_13:
0x456: {  	_ =	sfence.sel $0x180000  }
0x457: {  	[bflag:$0x0] =	sbarrier.arrive $0xFFFF  }
0x458: {  	_ =	strace $0x90000047  }
0x459: {  	s0 =	stileid.u32;
	[bflag:$0x2] =	sbarrier.arrive $0xFFFF  }
0x45a: {  	p0 =	sne.s32 s0, $0x0;
	s0 =	rddreg [dreg:$0x2]  }
0x45b: {  	s0 =	sadd.s32 @!p0 $0x100000, s0  }
0x45c: {  	[sflag:s0] =	ssyncadd.tile.s32 @!p0 $0x1;
	_ =	shalt  }
.Lfunc_end2:
_tile_overlayer_lowered:
.L_overlay_start_2:
0x45d: {  	(tag) =	ssettag $0x2  }
0x45e: {  	s0 =	rddreg [dreg:$0x0];
	s2 =	stileid.u32  }
0x45f: {  	s1 =	rddreg [dreg:$0x1];
	p0 =	sne.s32 s2, $0x0  }
0x460: {  	s3 =	rddreg [dreg:$0x2];
	[bflag:$0x3] =	sbarrier.arrive $0xFFFF;
	s2 =	simm.s32 @!p0 $0x1C03  }
0x461: {  	[timem:s3], [sflag:s2] =	dma.local @!p0 [hbm:s0], s1  }
0x462: {  	s0 =	simm.s32 @!p0 $0x3  }
0x463: {  	_ =	swait.ge @!p0 [sflag:s0], s1  }
0x464: {  	s1 =	ssub.s32 @!p0 $0x0, s1;
	[sflag:s0] =	ssyncset.done @!p0 $0x0  }
0x465: {  	[sflag:s0] =	ssyncadd.s32 @!p0 s1  }
0x466: {  	[bflag:$0x3] =	sbarrier.arrive $0xFFFF  }
0x467: {  	_ =	shalt  }

</sc_bundles>
